<compile_context>
chip_gen: v7x
topology: tpu7x:2x2x1
jax: 0.10.2.dev20260603
libtpu: 0.0.44.dev20260713+nightly
codegen_flags: <defaults>
</compile_context>

<pallas_src>
import functools

import jax
import jax.numpy as jnp
from jax import lax
from jax.experimental import pallas as pl
from jax.experimental.pallas import tpu as pltpu
from jax.experimental.pallas import tpu_sc as plsc

N = 100000
F = 128
D = 32
NC = 2
NS = 16
NW = NC * NS


@functools.lru_cache(maxsize=None)
def _make_gather_sum(s_fan: int, chunk: int):
    n_chunks = N // chunk
    assert n_chunks * chunk == N
    k_rows = chunk * s_fan
    assert (chunk * D) % 8 == 0
    j_steps = (n_chunks + NW - 1) // NW

    mesh = plsc.VectorSubcoreMesh(
        core_axis_name="c", subcore_axis_name="s",
        num_cores=NC, num_subcores=NS)

    @functools.partial(
        pl.kernel,
        mesh=mesh,
        out_type=jax.ShapeDtypeStruct((N * D,), jnp.float32),
        scratch_types=[
            pltpu.VMEM((2, k_rows), jnp.int32),
            pltpu.VMEM((2, k_rows, D), jnp.float32),
            pltpu.VMEM((2, chunk * D), jnp.float32),
            pltpu.SemaphoreType.DMA,
            pltpu.SemaphoreType.DMA,
            pltpu.SemaphoreType.DMA,
            pltpu.SemaphoreType.DMA,
            pltpu.SemaphoreType.DMA,
            pltpu.SemaphoreType.DMA,
        ],
        compiler_params=pltpu.CompilerParams(use_tc_tiling_on_sc=False),
    )
    def gsum(table_hbm, nidx_hbm, out_hbm, idx_v, rows_v, out_v,
             si0, si1, sg0, sg1, so0, so1):
        wid = lax.axis_index("s") * NC + lax.axis_index("c")
        sis = (si0, si1)
        sgs = (sg0, sg1)
        sos = (so0, so1)

        def cid_of(j):
            return wid + j * NW

        def idx_cp(j, b):
            return pltpu.make_async_copy(
                nidx_hbm.at[cid_of(j)], idx_v.at[b], sis[b])

        def gat_cp(b):
            return pltpu.make_async_copy(
                table_hbm.at[idx_v.at[b]], rows_v.at[b], sgs[b])

        def out_cp(j, b):
            ooff = pl.multiple_of(cid_of(j) * (chunk * D), 8)
            return pltpu.make_async_copy(
                out_v.at[b], out_hbm.at[pl.ds(ooff, chunk * D)], sos[b])

        def when_active(j, fn):
            @pl.when(cid_of(j) < n_chunks)
            def _():
                fn()

        when_active(0, lambda: idx_cp(0, 0).start())
        when_active(1, lambda: idx_cp(1, 1).start())
        when_active(0, lambda: idx_cp(0, 0).wait())
        when_active(0, lambda: gat_cp(0).start())

        def accum(j, b):
            @pl.when(cid_of(j) < n_chunks)
            def _():
                def node(c, carry2):
                    r = c * s_fan
                    a0 = rows_v[b, r, pl.ds(0, 16)]
                    a1 = rows_v[b, r, pl.ds(16, 16)]
                    for s in range(1, s_fan):
                        a0 = a0 + rows_v[b, r + s, pl.ds(0, 16)]
                        a1 = a1 + rows_v[b, r + s, pl.ds(16, 16)]
                    o = pl.multiple_of(c * D, 8)
                    out_v[b, pl.ds(o, 16)] = a0
                    out_v[b, pl.ds(o + 16, 16)] = a1
                    return carry2

                lax.fori_loop(0, chunk, node, 0)
                out_cp(j, b).start()

        def step(jj, carry):
            for b in (0, 1):
                j = jj * 2 + b
                when_active(j, lambda: gat_cp(b).wait())
                when_active(j + 2, lambda: idx_cp(j + 2, b).start())
                when_active(j + 1, lambda: idx_cp(j + 1, 1 - b).wait())
                when_active(j + 1, lambda: gat_cp(1 - b).start())

                @pl.when(jnp.logical_and(jj >= 1, cid_of(j - 2) < n_chunks))
                def _():
                    out_cp(j - 2, b).wait()

                accum(j, b)
            return carry

        lax.fori_loop(0, (j_steps + 1) // 2, step, 0)

        jm = 2 * ((j_steps + 1) // 2)
        for t in (0, 1):
            @pl.when(cid_of(jm - 2 + t) < n_chunks)
            def _(t=t):
                out_cp(jm - 2 + t, t).wait()

    return gsum


NP = N // 4
DP = 4 * D
_PROWS = 1000
_MROWS = 2500


def _map_body(x_ref, w_ref, o_ref):
    o_ref[...] = jnp.dot(x_ref[...], w_ref[...],
                         preferred_element_type=jnp.float32)


def _feature_map(features, wt):
    return pl.pallas_call(
        _map_body,
        grid=(NP // _MROWS,),
        in_specs=[pl.BlockSpec((4 * _MROWS, F), lambda i: (i, 0)),
                  pl.BlockSpec((F, D), lambda i: (0, 0))],
        out_specs=pl.BlockSpec((4 * _MROWS, D), lambda i: (i, 0)),
        out_shape=jax.ShapeDtypeStruct((N, D), jnp.float32),
    )(features, wt)


def _update_body(inv, e_ref, a_ref, w_ref, s_ref, o_ref):
    x = (e_ref[...] + a_ref[...]) * inv
    h = jnp.dot(x, w_ref[...], preferred_element_type=jnp.float32)
    h = jnp.maximum(h, 0.0)
    n2 = jnp.dot(h * h, s_ref[...], preferred_element_type=jnp.float32)
    o_ref[...] = h / jnp.maximum(jnp.sqrt(n2), 1e-12)


def _sage_update_packed(embp, nbrp, w4, s4, inv):
    return pl.pallas_call(
        functools.partial(_update_body, inv),
        grid=(NP // _PROWS,),
        in_specs=[pl.BlockSpec((_PROWS, DP), lambda i: (i, 0)),
                  pl.BlockSpec((_PROWS, DP), lambda i: (i, 0)),
                  pl.BlockSpec((DP, DP), lambda i: (0, 0)),
                  pl.BlockSpec((DP, DP), lambda i: (0, 0))],
        out_specs=pl.BlockSpec((_PROWS, DP), lambda i: (i, 0)),
        out_shape=jax.ShapeDtypeStruct((NP, DP), jnp.float32),
    )(embp, nbrp, w4, s4)


def _bdiag4(w):
    z = jnp.zeros_like(w)
    return jnp.block([[w, z, z, z], [z, w, z, z], [z, z, w, z], [z, z, z, w]])


def kernel(features, W_map, W_agg1, W_agg2, neigh1, neigh2):
    n1 = neigh1.astype(jnp.int32).reshape(N // 40, 40 * 25)
    n2 = neigh2.astype(jnp.int32).reshape(N // 160, 160 * 10)
    w4a1 = _bdiag4(W_agg1.T)
    w4a2 = _bdiag4(W_agg2.T)
    s4 = _bdiag4(jnp.ones((D, D), jnp.float32))

    e0f = _feature_map(features, W_map.T).reshape(N * D)
    e0f = lax.optimization_barrier(e0f)
    emb0p = e0f.reshape(NP, DP)
    s1p = _make_gather_sum(25, 40)(e0f.reshape(N, D), n1).reshape(NP, DP)
    emb1p = _sage_update_packed(emb0p, s1p, w4a1, s4, 1.0 / 26.0)
    s2p = _make_gather_sum(10, 160)(emb1p.reshape(N, D), n2).reshape(NP, DP)
    emb2p = _sage_update_packed(emb1p, s2p, w4a2, s4, 1.0 / 11.0)
    return emb2p.reshape(N, D)

# --- scband reference (transcript-rebuilt; emitter-appended) ---
"""Pipeline reference for scband-graph-sage-15668040696564 (READ-ONLY COPY).

The authoritative reference and input builder live on the scoring server;
editing this copy changes nothing except your own understanding.
"""

import jax, jax.numpy as jnp
import numpy as np

N_NODES = 100000
NUM_FEATURES = 128
EMBED_DIM = 32
S1 = 25
S2 = 10


def _sage_layer(emb, neigh, W):
    # mean over {node} U sampled_neighbors, like torch.mean over stacked rows
    nbr = jnp.take(emb, neigh, axis=0)            # [N, S, D] gather
    agg = (emb + nbr.sum(axis=1)) / (neigh.shape[1] + 1.0)
    out = jax.nn.relu(agg @ W.T)                  # nn.Linear(dim,dim,bias=False) + ReLU
    nrm = jnp.linalg.norm(out, axis=-1, keepdims=True)
    return out / jnp.maximum(nrm, 1e-12)          # F.normalize(dim=0) per node vector


def setup_inputs(seed: int = 0) -> dict:
    key = jax.random.key(seed)
    ks = jax.random.split(key, 6)
    features = jax.random.normal(ks[0], (N_NODES, NUM_FEATURES), dtype=jnp.float32)
    W_map = jax.random.normal(ks[1], (EMBED_DIM, NUM_FEATURES), dtype=jnp.float32) * (1.0 / np.sqrt(NUM_FEATURES))
    W_agg1 = jax.random.normal(ks[2], (EMBED_DIM, EMBED_DIM), dtype=jnp.float32) * (1.0 / np.sqrt(EMBED_DIM))
    W_agg2 = jax.random.normal(ks[3], (EMBED_DIM, EMBED_DIM), dtype=jnp.float32) * (1.0 / np.sqrt(EMBED_DIM))
    neigh1 = jax.random.randint(ks[4], (N_NODES, S1), 0, N_NODES, dtype=jnp.int64 if jax.config.jax_enable_x64 else jnp.int32)
    neigh2 = jax.random.randint(ks[5], (N_NODES, S2), 0, N_NODES, dtype=jnp.int64 if jax.config.jax_enable_x64 else jnp.int32)
    return {"features": features, "W_map": W_map, "W_agg1": W_agg1, "W_agg2": W_agg2, "neigh1": neigh1, "neigh2": neigh2}


def reference(features, W_map, W_agg1, W_agg2, neigh1, neigh2):
    # feature_mapper: nn.Linear(num_features, embed_dim, bias=False)
    emb = features @ W_map.T
    # depth-2 GraphSage with mean aggregator; dropout inactive (eval mode)
    emb = _sage_layer(emb, neigh1, W_agg1)  # k=1, fan-out neighbourhood_sizes[0]=25
    emb = _sage_layer(emb, neigh2, W_agg2)  # k=2, fan-out neighbourhood_sizes[1]=10
    return emb

if __name__ == "__main__":
    import jax
    _d = setup_inputs()
    print(jax.jit(kernel)(*tuple(_d.values())))

</pallas_src>

<mosaic_0001>
#map = affine_map<(d0, d1) -> (0, 0)>
#map1 = affine_map<(d0, d1) -> (0)>
module attributes {stable_mosaic.version = 14 : i64} {
  func.func @gsum(%arg0: i32, %arg1: i32, %arg2: memref<100000x32xf32, #tpu.memory_space<hbm>>, %arg3: memref<2500x1000xi32, #tpu.memory_space<hbm>>, %arg4: memref<3200000xf32, #tpu.memory_space<hbm>>, %arg5: memref<2x1000xi32, #tpu.memory_space<vmem>>, %arg6: memref<2x1000x32xf32, #tpu.memory_space<vmem>>, %arg7: memref<2x1280xf32, #tpu.memory_space<vmem>>, %arg8: memref<!tpu.dma_semaphore, #tpu.memory_space<semaphore_mem>>, %arg9: memref<!tpu.dma_semaphore, #tpu.memory_space<semaphore_mem>>, %arg10: memref<!tpu.dma_semaphore, #tpu.memory_space<semaphore_mem>>, %arg11: memref<!tpu.dma_semaphore, #tpu.memory_space<semaphore_mem>>, %arg12: memref<!tpu.dma_semaphore, #tpu.memory_space<semaphore_mem>>, %arg13: memref<!tpu.dma_semaphore, #tpu.memory_space<semaphore_mem>>) attributes {dimension_semantics = [#tpu.dimension_semantics<core_parallel>, #tpu.dimension_semantics<subcore_parallel>], iteration_bounds = array<i64: 2, 16>, scalar_prefetch = 0 : i64, scratch_operands = 9 : i64, tpu.core_type = #tpu.core_type<sc_vector_subcore>, window_params = [{transform_indices = #map}, {transform_indices = #map}, {transform_indices = #map1}]} {
    %mul3A = arith.constant 2 : i32
    %mul3A_0 = arith.muli %arg1, %mul3A : i32
    %add3A = arith.addi %mul3A_0, %arg0 : i32
    %add3A_1 = arith.constant 0 : i32
    %add3A_2 = arith.addi %add3A, %add3A_1 : i32
    %lt3A = arith.constant 2500 : i32
    %lt3A_3 = arith.cmpi slt, %add3A_2, %lt3A : i32
    %convert_element_type3A = arith.extui %lt3A_3 : i1 to i32
    %cond3A = arith.constant 0 : i32
    %cond3A_4 = arith.cmpi ne, %convert_element_type3A, %cond3A : i32
    scf.if %cond3A_4 {
      %add3A_45 = arith.constant 0 : i32
      %add3A_46 = arith.addi %add3A, %add3A_45 : i32
      %dma_start3A = arith.constant 0 : i32
      %dma_start3A_47 = arith.constant 0 : i32
      %dma_start3A_48 = tpu.memref_slice %arg5[%dma_start3A, %dma_start3A_47] : memref<2x1000xi32, #tpu.memory_space<vmem>> -> memref<1x1000xi32, #tpu.memory_space<vmem>>
      %dma_start3A_49 = tpu.memref_squeeze %dma_start3A_48 : memref<1x1000xi32, #tpu.memory_space<vmem>> -> memref<1000xi32, #tpu.memory_space<vmem>>
      %dma_start3A_50 = arith.constant 0 : i32
      %dma_start3A_51 = tpu.memref_slice %arg3[%add3A_46, %dma_start3A_50] : memref<2500x1000xi32, #tpu.memory_space<hbm>> -> memref<1x1000xi32, #tpu.memory_space<hbm>>
      %dma_start3A_52 = tpu.memref_squeeze %dma_start3A_51 : memref<1x1000xi32, #tpu.memory_space<hbm>> -> memref<1000xi32, #tpu.memory_space<hbm>>
      %dma_start3A_53 = arith.constant 0 : i32
      %dma_start3A_54 = tpu.memref_slice %arg5[%dma_start3A, %dma_start3A_53] : memref<2x1000xi32, #tpu.memory_space<vmem>> -> memref<1x1000xi32, #tpu.memory_space<vmem>>
      %dma_start3A_55 = tpu.memref_squeeze %dma_start3A_54 : memref<1x1000xi32, #tpu.memory_space<vmem>> -> memref<1000xi32, #tpu.memory_space<vmem>>
      %dma_start3A_56 = arith.constant 0 : i32
      %dma_start3A_57 = tpu.memref_slice %arg3[%add3A_46, %dma_start3A_56] : memref<2500x1000xi32, #tpu.memory_space<hbm>> -> memref<1x1000xi32, #tpu.memory_space<hbm>>
      %dma_start3A_58 = tpu.memref_squeeze %dma_start3A_57 : memref<1x1000xi32, #tpu.memory_space<hbm>> -> memref<1000xi32, #tpu.memory_space<hbm>>
      tpu.enqueue_dma source(%dma_start3A_58 : memref<1000xi32, #tpu.memory_space<hbm>>) target(%dma_start3A_55 : memref<1000xi32, #tpu.memory_space<vmem>>) target_semaphore(%arg8 : memref<!tpu.dma_semaphore, #tpu.memory_space<semaphore_mem>>)
    } else {
    }
    %add3A_5 = arith.constant 32 : i32
    %add3A_6 = arith.addi %add3A, %add3A_5 : i32
    %lt3A_7 = arith.constant 2500 : i32
    %lt3A_8 = arith.cmpi slt, %add3A_6, %lt3A_7 : i32
    %convert_element_type3A_9 = arith.extui %lt3A_8 : i1 to i32
    %cond3A_10 = arith.constant 0 : i32
    %cond3A_11 = arith.cmpi ne, %convert_element_type3A_9, %cond3A_10 : i32
    scf.if %cond3A_11 {
      %add3A_45 = arith.constant 32 : i32
      %add3A_46 = arith.addi %add3A, %add3A_45 : i32
      %dma_start3A = arith.constant 1 : i32
      %dma_start3A_47 = arith.constant 0 : i32
      %dma_start3A_48 = tpu.memref_slice %arg5[%dma_start3A, %dma_start3A_47] : memref<2x1000xi32, #tpu.memory_space<vmem>> -> memref<1x1000xi32, #tpu.memory_space<vmem>>
      %dma_start3A_49 = tpu.memref_squeeze %dma_start3A_48 : memref<1x1000xi32, #tpu.memory_space<vmem>> -> memref<1000xi32, #tpu.memory_space<vmem>>
      %dma_start3A_50 = arith.constant 0 : i32
      %dma_start3A_51 = tpu.memref_slice %arg3[%add3A_46, %dma_start3A_50] : memref<2500x1000xi32, #tpu.memory_space<hbm>> -> memref<1x1000xi32, #tpu.memory_space<hbm>>
      %dma_start3A_52 = tpu.memref_squeeze %dma_start3A_51 : memref<1x1000xi32, #tpu.memory_space<hbm>> -> memref<1000xi32, #tpu.memory_space<hbm>>
      %dma_start3A_53 = arith.constant 0 : i32
      %dma_start3A_54 = tpu.memref_slice %arg5[%dma_start3A, %dma_start3A_53] : memref<2x1000xi32, #tpu.memory_space<vmem>> -> memref<1x1000xi32, #tpu.memory_space<vmem>>
      %dma_start3A_55 = tpu.memref_squeeze %dma_start3A_54 : memref<1x1000xi32, #tpu.memory_space<vmem>> -> memref<1000xi32, #tpu.memory_space<vmem>>
      %dma_start3A_56 = arith.constant 0 : i32
      %dma_start3A_57 = tpu.memref_slice %arg3[%add3A_46, %dma_start3A_56] : memref<2500x1000xi32, #tpu.memory_space<hbm>> -> memref<1x1000xi32, #tpu.memory_space<hbm>>
      %dma_start3A_58 = tpu.memref_squeeze %dma_start3A_57 : memref<1x1000xi32, #tpu.memory_space<hbm>> -> memref<1000xi32, #tpu.memory_space<hbm>>
      tpu.enqueue_dma source(%dma_start3A_58 : memref<1000xi32, #tpu.memory_space<hbm>>) target(%dma_start3A_55 : memref<1000xi32, #tpu.memory_space<vmem>>) target_semaphore(%arg9 : memref<!tpu.dma_semaphore, #tpu.memory_space<semaphore_mem>>)
    } else {
    }
    %add3A_12 = arith.constant 0 : i32
    %add3A_13 = arith.addi %add3A, %add3A_12 : i32
    %lt3A_14 = arith.constant 2500 : i32
    %lt3A_15 = arith.cmpi slt, %add3A_13, %lt3A_14 : i32
    %convert_element_type3A_16 = arith.extui %lt3A_15 : i1 to i32
    %cond3A_17 = arith.constant 0 : i32
    %cond3A_18 = arith.cmpi ne, %convert_element_type3A_16, %cond3A_17 : i32
    scf.if %cond3A_18 {
      %add3A_45 = arith.constant 0 : i32
      %add3A_46 = arith.addi %add3A, %add3A_45 : i32
      %dma_wait3A = arith.constant 0 : i32
      %dma_wait3A_47 = arith.constant 0 : i32
      %dma_wait3A_48 = tpu.memref_slice %arg5[%dma_wait3A, %dma_wait3A_47] : memref<2x1000xi32, #tpu.memory_space<vmem>> -> memref<1x1000xi32, #tpu.memory_space<vmem>>
      %dma_wait3A_49 = tpu.memref_squeeze %dma_wait3A_48 : memref<1x1000xi32, #tpu.memory_space<vmem>> -> memref<1000xi32, #tpu.memory_space<vmem>>
      %dma_wait3A_50 = arith.constant 0 : i32
      %dma_wait3A_51 = tpu.memref_slice %arg3[%add3A_46, %dma_wait3A_50] : memref<2500x1000xi32, #tpu.memory_space<hbm>> -> memref<1x1000xi32, #tpu.memory_space<hbm>>
      %dma_wait3A_52 = tpu.memref_squeeze %dma_wait3A_51 : memref<1x1000xi32, #tpu.memory_space<hbm>> -> memref<1000xi32, #tpu.memory_space<hbm>>
      %dma_wait3A_53 = arith.constant 0 : i32
      %dma_wait3A_54 = tpu.memref_slice %arg5[%dma_wait3A, %dma_wait3A_53] : memref<2x1000xi32, #tpu.memory_space<vmem>> -> memref<1x1000xi32, #tpu.memory_space<vmem>>
      %dma_wait3A_55 = tpu.memref_squeeze %dma_wait3A_54 : memref<1x1000xi32, #tpu.memory_space<vmem>> -> memref<1000xi32, #tpu.memory_space<vmem>>
      %dma_wait3A_56 = arith.constant 0 : i32
      %dma_wait3A_57 = tpu.memref_slice %arg3[%add3A_46, %dma_wait3A_56] : memref<2500x1000xi32, #tpu.memory_space<hbm>> -> memref<1x1000xi32, #tpu.memory_space<hbm>>
      %dma_wait3A_58 = tpu.memref_squeeze %dma_wait3A_57 : memref<1x1000xi32, #tpu.memory_space<hbm>> -> memref<1000xi32, #tpu.memory_space<hbm>>
      tpu.wait_dma2 semaphore(%arg8 : memref<!tpu.dma_semaphore, #tpu.memory_space<semaphore_mem>>) src(%dma_wait3A_58 : memref<1000xi32, #tpu.memory_space<hbm>>) dst(%dma_wait3A_55 : memref<1000xi32, #tpu.memory_space<vmem>>)
    } else {
    }
    %add3A_19 = arith.constant 0 : i32
    %add3A_20 = arith.addi %add3A, %add3A_19 : i32
    %lt3A_21 = arith.constant 2500 : i32
    %lt3A_22 = arith.cmpi slt, %add3A_20, %lt3A_21 : i32
    %convert_element_type3A_23 = arith.extui %lt3A_22 : i1 to i32
    %cond3A_24 = arith.constant 0 : i32
    %cond3A_25 = arith.cmpi ne, %convert_element_type3A_23, %cond3A_24 : i32
    scf.if %cond3A_25 {
      %dma_start3A = arith.constant 0 : i32
      %dma_start3A_45 = arith.constant 0 : i32
      %dma_start3A_46 = arith.constant 0 : i32
      %dma_start3A_47 = arith.constant 0 : i32
      %dma_start3A_48 = tpu.memref_slice %arg6[%dma_start3A_45, %dma_start3A_46, %dma_start3A_47] : memref<2x1000x32xf32, #tpu.memory_space<vmem>> -> memref<1x1000x32xf32, #tpu.memory_space<vmem>>
      %dma_start3A_49 = tpu.memref_squeeze %dma_start3A_48 : memref<1x1000x32xf32, #tpu.memory_space<vmem>> -> memref<1000x32xf32, #tpu.memory_space<vmem>>
      %dma_start3A_50 = arith.constant 0 : i32
      %dma_start3A_51 = tpu.memref_slice %arg5[%dma_start3A, %dma_start3A_50] : memref<2x1000xi32, #tpu.memory_space<vmem>> -> memref<1x1000xi32, #tpu.memory_space<vmem>>
      %dma_start3A_52 = tpu.memref_squeeze %dma_start3A_51 : memref<1x1000xi32, #tpu.memory_space<vmem>> -> memref<1000xi32, #tpu.memory_space<vmem>>
      %dma_start3A_53 = arith.constant 0 : i32
      %dma_start3A_54 = arith.constant 0 : i32
      %dma_start3A_55 = tpu.memref_slice %arg2[%dma_start3A_53, %dma_start3A_54] : memref<100000x32xf32, #tpu.memory_space<hbm>> -> memref<100000x32xf32, #tpu.memory_space<hbm>>
      tpu.enqueue_indirect_dma source(%dma_start3A_55 : memref<100000x32xf32, #tpu.memory_space<hbm>>) target(%dma_start3A_49 : memref<1000x32xf32, #tpu.memory_space<vmem>>) offsets(%dma_start3A_52 : memref<1000xi32, #tpu.memory_space<vmem>>) semaphore(%arg10 : memref<!tpu.dma_semaphore, #tpu.memory_space<semaphore_mem>>)
    } else {
    }
    %scan3A = arith.constant 0 : i32
    %scan3A_26 = arith.constant 0 : i32
    %scan3A_27 = arith.constant 40 : i32
    %scan3A_28 = arith.addi %scan3A_26, %scan3A_27 : i32
    %scan3A_29 = arith.constant 1 : i32
    scf.for %scan3A_45 = %scan3A_26 to %scan3A_28 step %scan3A_29  : i32 {
      %mul3A_46 = arith.constant 2 : i32
      %mul3A_47 = arith.muli %scan3A_45, %mul3A_46 : i32
      %add3A_48 = arith.constant 0 : i32
      %add3A_49 = arith.addi %mul3A_47, %add3A_48 : i32
      %mul3A_50 = arith.constant 32 : i32
      %mul3A_51 = arith.muli %add3A_49, %mul3A_50 : i32
      %add3A_52 = arith.addi %add3A, %mul3A_51 : i32
      %lt3A_53 = arith.constant 2500 : i32
      %lt3A_54 = arith.cmpi slt, %add3A_52, %lt3A_53 : i32
      %convert_element_type3A_55 = arith.extui %lt3A_54 : i1 to i32
      %cond3A_56 = arith.constant 0 : i32
      %cond3A_57 = arith.cmpi ne, %convert_element_type3A_55, %cond3A_56 : i32
      scf.if %cond3A_57 {
        %dma_wait3A = arith.constant 0 : i32
        %dma_wait3A_169 = arith.constant 0 : i32
        %dma_wait3A_170 = arith.constant 0 : i32
        %dma_wait3A_171 = arith.constant 0 : i32
        %dma_wait3A_172 = tpu.memref_slice %arg6[%dma_wait3A_169, %dma_wait3A_170, %dma_wait3A_171] : memref<2x1000x32xf32, #tpu.memory_space<vmem>> -> memref<1x1000x32xf32, #tpu.memory_space<vmem>>
        %dma_wait3A_173 = tpu.memref_squeeze %dma_wait3A_172 : memref<1x1000x32xf32, #tpu.memory_space<vmem>> -> memref<1000x32xf32, #tpu.memory_space<vmem>>
        %dma_wait3A_174 = arith.constant 0 : i32
        %dma_wait3A_175 = tpu.memref_slice %arg5[%dma_wait3A, %dma_wait3A_174] : memref<2x1000xi32, #tpu.memory_space<vmem>> -> memref<1x1000xi32, #tpu.memory_space<vmem>>
        %dma_wait3A_176 = tpu.memref_squeeze %dma_wait3A_175 : memref<1x1000xi32, #tpu.memory_space<vmem>> -> memref<1000xi32, #tpu.memory_space<vmem>>
        %dma_wait3A_177 = arith.constant 0 : i32
        %dma_wait3A_178 = arith.constant 0 : i32
        %dma_wait3A_179 = tpu.memref_slice %arg2[%dma_wait3A_177, %dma_wait3A_178] : memref<100000x32xf32, #tpu.memory_space<hbm>> -> memref<100000x32xf32, #tpu.memory_space<hbm>>
        tpu.wait_indirect_dma semaphore(%arg10 : memref<!tpu.dma_semaphore, #tpu.memory_space<semaphore_mem>>) src(%dma_wait3A_179 : memref<100000x32xf32, #tpu.memory_space<hbm>>) dst(%dma_wait3A_173 : memref<1000x32xf32, #tpu.memory_space<vmem>>)
      } else {
      }
      %add3A_58 = arith.constant 2 : i32
      %add3A_59 = arith.addi %add3A_49, %add3A_58 : i32
      %mul3A_60 = arith.constant 32 : i32
      %mul3A_61 = arith.muli %add3A_59, %mul3A_60 : i32
      %add3A_62 = arith.addi %add3A, %mul3A_61 : i32
      %lt3A_63 = arith.constant 2500 : i32
      %lt3A_64 = arith.cmpi slt, %add3A_62, %lt3A_63 : i32
      %convert_element_type3A_65 = arith.extui %lt3A_64 : i1 to i32
      %cond3A_66 = arith.constant 0 : i32
      %cond3A_67 = arith.cmpi ne, %convert_element_type3A_65, %cond3A_66 : i32
      scf.if %cond3A_67 {
        %add3A_169 = arith.constant 2 : i32
        %add3A_170 = arith.addi %add3A_49, %add3A_169 : i32
        %mul3A_171 = arith.constant 32 : i32
        %mul3A_172 = arith.muli %add3A_170, %mul3A_171 : i32
        %add3A_173 = arith.addi %add3A, %mul3A_172 : i32
        %dma_start3A = arith.constant 0 : i32
        %dma_start3A_174 = arith.constant 0 : i32
        %dma_start3A_175 = tpu.memref_slice %arg5[%dma_start3A, %dma_start3A_174] : memref<2x1000xi32, #tpu.memory_space<vmem>> -> memref<1x1000xi32, #tpu.memory_space<vmem>>
        %dma_start3A_176 = tpu.memref_squeeze %dma_start3A_175 : memref<1x1000xi32, #tpu.memory_space<vmem>> -> memref<1000xi32, #tpu.memory_space<vmem>>
        %dma_start3A_177 = arith.constant 0 : i32
        %dma_start3A_178 = tpu.memref_slice %arg3[%add3A_173, %dma_start3A_177] : memref<2500x1000xi32, #tpu.memory_space<hbm>> -> memref<1x1000xi32, #tpu.memory_space<hbm>>
        %dma_start3A_179 = tpu.memref_squeeze %dma_start3A_178 : memref<1x1000xi32, #tpu.memory_space<hbm>> -> memref<1000xi32, #tpu.memory_space<hbm>>
        %dma_start3A_180 = arith.constant 0 : i32
        %dma_start3A_181 = tpu.memref_slice %arg5[%dma_start3A, %dma_start3A_180] : memref<2x1000xi32, #tpu.memory_space<vmem>> -> memref<1x1000xi32, #tpu.memory_space<vmem>>
        %dma_start3A_182 = tpu.memref_squeeze %dma_start3A_181 : memref<1x1000xi32, #tpu.memory_space<vmem>> -> memref<1000xi32, #tpu.memory_space<vmem>>
        %dma_start3A_183 = arith.constant 0 : i32
        %dma_start3A_184 = tpu.memref_slice %arg3[%add3A_173, %dma_start3A_183] : memref<2500x1000xi32, #tpu.memory_space<hbm>> -> memref<1x1000xi32, #tpu.memory_space<hbm>>
        %dma_start3A_185 = tpu.memref_squeeze %dma_start3A_184 : memref<1x1000xi32, #tpu.memory_space<hbm>> -> memref<1000xi32, #tpu.memory_space<hbm>>
        tpu.enqueue_dma source(%dma_start3A_185 : memref<1000xi32, #tpu.memory_space<hbm>>) target(%dma_start3A_182 : memref<1000xi32, #tpu.memory_space<vmem>>) target_semaphore(%arg8 : memref<!tpu.dma_semaphore, #tpu.memory_space<semaphore_mem>>)
      } else {
      }
      %add3A_68 = arith.constant 1 : i32
      %add3A_69 = arith.addi %add3A_49, %add3A_68 : i32
      %mul3A_70 = arith.constant 32 : i32
      %mul3A_71 = arith.muli %add3A_69, %mul3A_70 : i32
      %add3A_72 = arith.addi %add3A, %mul3A_71 : i32
      %lt3A_73 = arith.constant 2500 : i32
      %lt3A_74 = arith.cmpi slt, %add3A_72, %lt3A_73 : i32
      %convert_element_type3A_75 = arith.extui %lt3A_74 : i1 to i32
      %cond3A_76 = arith.constant 0 : i32
      %cond3A_77 = arith.cmpi ne, %convert_element_type3A_75, %cond3A_76 : i32
      scf.if %cond3A_77 {
        %add3A_169 = arith.constant 1 : i32
        %add3A_170 = arith.addi %add3A_49, %add3A_169 : i32
        %mul3A_171 = arith.constant 32 : i32
        %mul3A_172 = arith.muli %add3A_170, %mul3A_171 : i32
        %add3A_173 = arith.addi %add3A, %mul3A_172 : i32
        %dma_wait3A = arith.constant 1 : i32
        %dma_wait3A_174 = arith.constant 0 : i32
        %dma_wait3A_175 = tpu.memref_slice %arg5[%dma_wait3A, %dma_wait3A_174] : memref<2x1000xi32, #tpu.memory_space<vmem>> -> memref<1x1000xi32, #tpu.memory_space<vmem>>
        %dma_wait3A_176 = tpu.memref_squeeze %dma_wait3A_175 : memref<1x1000xi32, #tpu.memory_space<vmem>> -> memref<1000xi32, #tpu.memory_space<vmem>>
        %dma_wait3A_177 = arith.constant 0 : i32
        %dma_wait3A_178 = tpu.memref_slice %arg3[%add3A_173, %dma_wait3A_177] : memref<2500x1000xi32, #tpu.memory_space<hbm>> -> memref<1x1000xi32, #tpu.memory_space<hbm>>
        %dma_wait3A_179 = tpu.memref_squeeze %dma_wait3A_178 : memref<1x1000xi32, #tpu.memory_space<hbm>> -> memref<1000xi32, #tpu.memory_space<hbm>>
        %dma_wait3A_180 = arith.constant 0 : i32
        %dma_wait3A_181 = tpu.memref_slice %arg5[%dma_wait3A, %dma_wait3A_180] : memref<2x1000xi32, #tpu.memory_space<vmem>> -> memref<1x1000xi32, #tpu.memory_space<vmem>>
        %dma_wait3A_182 = tpu.memref_squeeze %dma_wait3A_181 : memref<1x1000xi32, #tpu.memory_space<vmem>> -> memref<1000xi32, #tpu.memory_space<vmem>>
        %dma_wait3A_183 = arith.constant 0 : i32
        %dma_wait3A_184 = tpu.memref_slice %arg3[%add3A_173, %dma_wait3A_183] : memref<2500x1000xi32, #tpu.memory_space<hbm>> -> memref<1x1000xi32, #tpu.memory_space<hbm>>
        %dma_wait3A_185 = tpu.memref_squeeze %dma_wait3A_184 : memref<1x1000xi32, #tpu.memory_space<hbm>> -> memref<1000xi32, #tpu.memory_space<hbm>>
        tpu.wait_dma2 semaphore(%arg9 : memref<!tpu.dma_semaphore, #tpu.memory_space<semaphore_mem>>) src(%dma_wait3A_185 : memref<1000xi32, #tpu.memory_space<hbm>>) dst(%dma_wait3A_182 : memref<1000xi32, #tpu.memory_space<vmem>>)
      } else {
      }
      %add3A_78 = arith.constant 1 : i32
      %add3A_79 = arith.addi %add3A_49, %add3A_78 : i32
      %mul3A_80 = arith.constant 32 : i32
      %mul3A_81 = arith.muli %add3A_79, %mul3A_80 : i32
      %add3A_82 = arith.addi %add3A, %mul3A_81 : i32
      %lt3A_83 = arith.constant 2500 : i32
      %lt3A_84 = arith.cmpi slt, %add3A_82, %lt3A_83 : i32
      %convert_element_type3A_85 = arith.extui %lt3A_84 : i1 to i32
      %cond3A_86 = arith.constant 0 : i32
      %cond3A_87 = arith.cmpi ne, %convert_element_type3A_85, %cond3A_86 : i32
      scf.if %cond3A_87 {
        %dma_start3A = arith.constant 1 : i32
        %dma_start3A_169 = arith.constant 1 : i32
        %dma_start3A_170 = arith.constant 0 : i32
        %dma_start3A_171 = arith.constant 0 : i32
        %dma_start3A_172 = tpu.memref_slice %arg6[%dma_start3A_169, %dma_start3A_170, %dma_start3A_171] : memref<2x1000x32xf32, #tpu.memory_space<vmem>> -> memref<1x1000x32xf32, #tpu.memory_space<vmem>>
        %dma_start3A_173 = tpu.memref_squeeze %dma_start3A_172 : memref<1x1000x32xf32, #tpu.memory_space<vmem>> -> memref<1000x32xf32, #tpu.memory_space<vmem>>
        %dma_start3A_174 = arith.constant 0 : i32
        %dma_start3A_175 = tpu.memref_slice %arg5[%dma_start3A, %dma_start3A_174] : memref<2x1000xi32, #tpu.memory_space<vmem>> -> memref<1x1000xi32, #tpu.memory_space<vmem>>
        %dma_start3A_176 = tpu.memref_squeeze %dma_start3A_175 : memref<1x1000xi32, #tpu.memory_space<vmem>> -> memref<1000xi32, #tpu.memory_space<vmem>>
        %dma_start3A_177 = arith.constant 0 : i32
        %dma_start3A_178 = arith.constant 0 : i32
        %dma_start3A_179 = tpu.memref_slice %arg2[%dma_start3A_177, %dma_start3A_178] : memref<100000x32xf32, #tpu.memory_space<hbm>> -> memref<100000x32xf32, #tpu.memory_space<hbm>>
        tpu.enqueue_indirect_dma source(%dma_start3A_179 : memref<100000x32xf32, #tpu.memory_space<hbm>>) target(%dma_start3A_173 : memref<1000x32xf32, #tpu.memory_space<vmem>>) offsets(%dma_start3A_176 : memref<1000xi32, #tpu.memory_space<vmem>>) semaphore(%arg11 : memref<!tpu.dma_semaphore, #tpu.memory_space<semaphore_mem>>)
      } else {
      }
      %ge3A = arith.constant 1 : i32
      %ge3A_88 = arith.cmpi sge, %scan3A_45, %ge3A : i32
      %sub3A = arith.constant 2 : i32
      %sub3A_89 = arith.subi %add3A_49, %sub3A : i32
      %mul3A_90 = arith.constant 32 : i32
      %mul3A_91 = arith.muli %sub3A_89, %mul3A_90 : i32
      %add3A_92 = arith.addi %add3A, %mul3A_91 : i32
      %lt3A_93 = arith.constant 2500 : i32
      %lt3A_94 = arith.cmpi slt, %add3A_92, %lt3A_93 : i32
      %and3A = arith.andi %ge3A_88, %lt3A_94 : i1
      %convert_element_type3A_95 = arith.extui %and3A : i1 to i32
      %cond3A_96 = arith.constant 0 : i32
      %cond3A_97 = arith.cmpi ne, %convert_element_type3A_95, %cond3A_96 : i32
      scf.if %cond3A_97 {
        %sub3A_169 = arith.constant 2 : i32
        %sub3A_170 = arith.subi %add3A_49, %sub3A_169 : i32
        %mul3A_171 = arith.constant 32 : i32
        %mul3A_172 = arith.muli %sub3A_170, %mul3A_171 : i32
        %add3A_173 = arith.addi %add3A, %mul3A_172 : i32
        %mul3A_174 = arith.constant 1280 : i32
        %mul3A_175 = arith.muli %add3A_173, %mul3A_174 : i32
        %multiple_of3A = tpu.assume_multiple %mul3A_175, 8 : i32
        %dma_wait3A = arith.constant 0 : i32
        %dma_wait3A_176 = arith.constant 0 : i32
        %dma_wait3A_177 = tpu.memref_slice %arg7[%dma_wait3A, %dma_wait3A_176] : memref<2x1280xf32, #tpu.memory_space<vmem>> -> memref<1x1280xf32, #tpu.memory_space<vmem>>
        %dma_wait3A_178 = tpu.memref_squeeze %dma_wait3A_177 : memref<1x1280xf32, #tpu.memory_space<vmem>> -> memref<1280xf32, #tpu.memory_space<vmem>>
        %dma_wait3A_179 = tpu.memref_slice %arg4[%multiple_of3A] : memref<3200000xf32, #tpu.memory_space<hbm>> -> memref<1280xf32, #tpu.memory_space<hbm>>
        %dma_wait3A_180 = tpu.memref_slice %arg4[%multiple_of3A] : memref<3200000xf32, #tpu.memory_space<hbm>> -> memref<1280xf32, #tpu.memory_space<hbm>>
        %dma_wait3A_181 = arith.constant 0 : i32
        %dma_wait3A_182 = tpu.memref_slice %arg7[%dma_wait3A, %dma_wait3A_181] : memref<2x1280xf32, #tpu.memory_space<vmem>> -> memref<1x1280xf32, #tpu.memory_space<vmem>>
        %dma_wait3A_183 = tpu.memref_squeeze %dma_wait3A_182 : memref<1x1280xf32, #tpu.memory_space<vmem>> -> memref<1280xf32, #tpu.memory_space<vmem>>
        tpu.wait_dma2 semaphore(%arg12 : memref<!tpu.dma_semaphore, #tpu.memory_space<semaphore_mem>>) src(%dma_wait3A_183 : memref<1280xf32, #tpu.memory_space<vmem>>) dst(%dma_wait3A_180 : memref<1280xf32, #tpu.memory_space<hbm>>)
      } else {
      }
      %mul3A_98 = arith.constant 32 : i32
      %mul3A_99 = arith.muli %add3A_49, %mul3A_98 : i32
      %add3A_100 = arith.addi %add3A, %mul3A_99 : i32
      %lt3A_101 = arith.constant 2500 : i32
      %lt3A_102 = arith.cmpi slt, %add3A_100, %lt3A_101 : i32
      %convert_element_type3A_103 = arith.extui %lt3A_102 : i1 to i32
      %cond3A_104 = arith.constant 0 : i32
      %cond3A_105 = arith.cmpi ne, %convert_element_type3A_103, %cond3A_104 : i32
      scf.if %cond3A_105 {
        %scan3A_169 = arith.constant 0 : i32
        %scan3A_170 = arith.constant 0 : i32
        %scan3A_171 = arith.constant 40 : i32
        %scan3A_172 = arith.addi %scan3A_170, %scan3A_171 : i32
        %scan3A_173 = arith.constant 1 : i32
        scf.for %scan3A_188 = %scan3A_170 to %scan3A_172 step %scan3A_173  : i32 {
          %mul3A_189 = arith.constant 25 : i32
          %mul3A_190 = arith.muli %scan3A_188, %mul3A_189 : i32
          %get3A = arith.constant 0 : i32
          %get3A_191 = arith.index_cast %get3A : i32 to index
          %get3A_192 = arith.index_cast %mul3A_190 : i32 to index
          %get3A_193 = arith.constant 0 : index
          %get3A_194 = tpu.vector_load %arg6[%get3A_191, %get3A_192, %get3A_193] {strides = array<i32>} : memref<2x1000x32xf32, #tpu.memory_space<vmem>>, vector<1x1x16xf32>,
          %get3A_195 = vector.shape_cast %get3A_194 : vector<1x1x16xf32> to vector<16xf32>
          %get3A_196 = arith.constant 0 : i32
          %get3A_197 = arith.index_cast %get3A_196 : i32 to index
          %get3A_198 = arith.index_cast %mul3A_190 : i32 to index
          %get3A_199 = arith.constant 16 : index
          %get3A_200 = tpu.vector_load %arg6[%get3A_197, %get3A_198, %get3A_199] {strides = array<i32>} : memref<2x1000x32xf32, #tpu.memory_space<vmem>>, vector<1x1x16xf32>,
          %get3A_201 = vector.shape_cast %get3A_200 : vector<1x1x16xf32> to vector<16xf32>
          %add3A_202 = arith.constant 1 : i32
          %add3A_203 = arith.addi %mul3A_190, %add3A_202 : i32
          %get3A_204 = arith.constant 0 : i32
          %get3A_205 = arith.index_cast %get3A_204 : i32 to index
          %get3A_206 = arith.index_cast %add3A_203 : i32 to index
          %get3A_207 = arith.constant 0 : index
          %get3A_208 = tpu.vector_load %arg6[%get3A_205, %get3A_206, %get3A_207] {strides = array<i32>} : memref<2x1000x32xf32, #tpu.memory_space<vmem>>, vector<1x1x16xf32>,
          %get3A_209 = vector.shape_cast %get3A_208 : vector<1x1x16xf32> to vector<16xf32>
          %add3A_210 = arith.addf %get3A_195, %get3A_209 : vector<16xf32>
          %add3A_211 = arith.constant 1 : i32
          %add3A_212 = arith.addi %mul3A_190, %add3A_211 : i32
          %get3A_213 = arith.constant 0 : i32
          %get3A_214 = arith.index_cast %get3A_213 : i32 to index
          %get3A_215 = arith.index_cast %add3A_212 : i32 to index
          %get3A_216 = arith.constant 16 : index
          %get3A_217 = tpu.vector_load %arg6[%get3A_214, %get3A_215, %get3A_216] {strides = array<i32>} : memref<2x1000x32xf32, #tpu.memory_space<vmem>>, vector<1x1x16xf32>,
          %get3A_218 = vector.shape_cast %get3A_217 : vector<1x1x16xf32> to vector<16xf32>
          %add3A_219 = arith.addf %get3A_201, %get3A_218 : vector<16xf32>
          %add3A_220 = arith.constant 2 : i32
          %add3A_221 = arith.addi %mul3A_190, %add3A_220 : i32
          %get3A_222 = arith.constant 0 : i32
          %get3A_223 = arith.index_cast %get3A_222 : i32 to index
          %get3A_224 = arith.index_cast %add3A_221 : i32 to index
          %get3A_225 = arith.constant 0 : index
          %get3A_226 = tpu.vector_load %arg6[%get3A_223, %get3A_224, %get3A_225] {strides = array<i32>} : memref<2x1000x32xf32, #tpu.memory_space<vmem>>, vector<1x1x16xf32>,
          %get3A_227 = vector.shape_cast %get3A_226 : vector<1x1x16xf32> to vector<16xf32>
          %add3A_228 = arith.addf %add3A_210, %get3A_227 : vector<16xf32>
          %add3A_229 = arith.constant 2 : i32
          %add3A_230 = arith.addi %mul3A_190, %add3A_229 : i32
          %get3A_231 = arith.constant 0 : i32
          %get3A_232 = arith.index_cast %get3A_231 : i32 to index
          %get3A_233 = arith.index_cast %add3A_230 : i32 to index
          %get3A_234 = arith.constant 16 : index
          %get3A_235 = tpu.vector_load %arg6[%get3A_232, %get3A_233, %get3A_234] {strides = array<i32>} : memref<2x1000x32xf32, #tpu.memory_space<vmem>>, vector<1x1x16xf32>,
          %get3A_236 = vector.shape_cast %get3A_235 : vector<1x1x16xf32> to vector<16xf32>
          %add3A_237 = arith.addf %add3A_219, %get3A_236 : vector<16xf32>
          %add3A_238 = arith.constant 3 : i32
          %add3A_239 = arith.addi %mul3A_190, %add3A_238 : i32
          %get3A_240 = arith.constant 0 : i32
          %get3A_241 = arith.index_cast %get3A_240 : i32 to index
          %get3A_242 = arith.index_cast %add3A_239 : i32 to index
          %get3A_243 = arith.constant 0 : index
          %get3A_244 = tpu.vector_load %arg6[%get3A_241, %get3A_242, %get3A_243] {strides = array<i32>} : memref<2x1000x32xf32, #tpu.memory_space<vmem>>, vector<1x1x16xf32>,
          %get3A_245 = vector.shape_cast %get3A_244 : vector<1x1x16xf32> to vector<16xf32>
          %add3A_246 = arith.addf %add3A_228, %get3A_245 : vector<16xf32>
          %add3A_247 = arith.constant 3 : i32
          %add3A_248 = arith.addi %mul3A_190, %add3A_247 : i32
          %get3A_249 = arith.constant 0 : i32
          %get3A_250 = arith.index_cast %get3A_249 : i32 to index
          %get3A_251 = arith.index_cast %add3A_248 : i32 to index
          %get3A_252 = arith.constant 16 : index
          %get3A_253 = tpu.vector_load %arg6[%get3A_250, %get3A_251, %get3A_252] {strides = array<i32>} : memref<2x1000x32xf32, #tpu.memory_space<vmem>>, vector<1x1x16xf32>,
          %get3A_254 = vector.shape_cast %get3A_253 : vector<1x1x16xf32> to vector<16xf32>
          %add3A_255 = arith.addf %add3A_237, %get3A_254 : vector<16xf32>
          %add3A_256 = arith.constant 4 : i32
          %add3A_257 = arith.addi %mul3A_190, %add3A_256 : i32
          %get3A_258 = arith.constant 0 : i32
          %get3A_259 = arith.index_cast %get3A_258 : i32 to index
          %get3A_260 = arith.index_cast %add3A_257 : i32 to index
          %get3A_261 = arith.constant 0 : index
          %get3A_262 = tpu.vector_load %arg6[%get3A_259, %get3A_260, %get3A_261] {strides = array<i32>} : memref<2x1000x32xf32, #tpu.memory_space<vmem>>, vector<1x1x16xf32>,
          %get3A_263 = vector.shape_cast %get3A_262 : vector<1x1x16xf32> to vector<16xf32>
          %add3A_264 = arith.addf %add3A_246, %get3A_263 : vector<16xf32>
          %add3A_265 = arith.constant 4 : i32
          %add3A_266 = arith.addi %mul3A_190, %add3A_265 : i32
          %get3A_267 = arith.constant 0 : i32
          %get3A_268 = arith.index_cast %get3A_267 : i32 to index
          %get3A_269 = arith.index_cast %add3A_266 : i32 to index
          %get3A_270 = arith.constant 16 : index
          %get3A_271 = tpu.vector_load %arg6[%get3A_268, %get3A_269, %get3A_270] {strides = array<i32>} : memref<2x1000x32xf32, #tpu.memory_space<vmem>>, vector<1x1x16xf32>,
          %get3A_272 = vector.shape_cast %get3A_271 : vector<1x1x16xf32> to vector<16xf32>
          %add3A_273 = arith.addf %add3A_255, %get3A_272 : vector<16xf32>
          %add3A_274 = arith.constant 5 : i32
          %add3A_275 = arith.addi %mul3A_190, %add3A_274 : i32
          %get3A_276 = arith.constant 0 : i32
          %get3A_277 = arith.index_cast %get3A_276 : i32 to index
          %get3A_278 = arith.index_cast %add3A_275 : i32 to index
          %get3A_279 = arith.constant 0 : index
          %get3A_280 = tpu.vector_load %arg6[%get3A_277, %get3A_278, %get3A_279] {strides = array<i32>} : memref<2x1000x32xf32, #tpu.memory_space<vmem>>, vector<1x1x16xf32>,
          %get3A_281 = vector.shape_cast %get3A_280 : vector<1x1x16xf32> to vector<16xf32>
          %add3A_282 = arith.addf %add3A_264, %get3A_281 : vector<16xf32>
          %add3A_283 = arith.constant 5 : i32
          %add3A_284 = arith.addi %mul3A_190, %add3A_283 : i32
          %get3A_285 = arith.constant 0 : i32
          %get3A_286 = arith.index_cast %get3A_285 : i32 to index
          %get3A_287 = arith.index_cast %add3A_284 : i32 to index
          %get3A_288 = arith.constant 16 : index
          %get3A_289 = tpu.vector_load %arg6[%get3A_286, %get3A_287, %get3A_288] {strides = array<i32>} : memref<2x1000x32xf32, #tpu.memory_space<vmem>>, vector<1x1x16xf32>,
          %get3A_290 = vector.shape_cast %get3A_289 : vector<1x1x16xf32> to vector<16xf32>
          %add3A_291 = arith.addf %add3A_273, %get3A_290 : vector<16xf32>
          %add3A_292 = arith.constant 6 : i32
          %add3A_293 = arith.addi %mul3A_190, %add3A_292 : i32
          %get3A_294 = arith.constant 0 : i32
          %get3A_295 = arith.index_cast %get3A_294 : i32 to index
          %get3A_296 = arith.index_cast %add3A_293 : i32 to index
          %get3A_297 = arith.constant 0 : index
          %get3A_298 = tpu.vector_load %arg6[%get3A_295, %get3A_296, %get3A_297] {strides = array<i32>} : memref<2x1000x32xf32, #tpu.memory_space<vmem>>, vector<1x1x16xf32>,
          %get3A_299 = vector.shape_cast %get3A_298 : vector<1x1x16xf32> to vector<16xf32>
          %add3A_300 = arith.addf %add3A_282, %get3A_299 : vector<16xf32>
          %add3A_301 = arith.constant 6 : i32
          %add3A_302 = arith.addi %mul3A_190, %add3A_301 : i32
          %get3A_303 = arith.constant 0 : i32
          %get3A_304 = arith.index_cast %get3A_303 : i32 to index
          %get3A_305 = arith.index_cast %add3A_302 : i32 to index
          %get3A_306 = arith.constant 16 : index
          %get3A_307 = tpu.vector_load %arg6[%get3A_304, %get3A_305, %get3A_306] {strides = array<i32>} : memref<2x1000x32xf32, #tpu.memory_space<vmem>>, vector<1x1x16xf32>,
          %get3A_308 = vector.shape_cast %get3A_307 : vector<1x1x16xf32> to vector<16xf32>
          %add3A_309 = arith.addf %add3A_291, %get3A_308 : vector<16xf32>
          %add3A_310 = arith.constant 7 : i32
          %add3A_311 = arith.addi %mul3A_190, %add3A_310 : i32
          %get3A_312 = arith.constant 0 : i32
          %get3A_313 = arith.index_cast %get3A_312 : i32 to index
          %get3A_314 = arith.index_cast %add3A_311 : i32 to index
          %get3A_315 = arith.constant 0 : index
          %get3A_316 = tpu.vector_load %arg6[%get3A_313, %get3A_314, %get3A_315] {strides = array<i32>} : memref<2x1000x32xf32, #tpu.memory_space<vmem>>, vector<1x1x16xf32>,
          %get3A_317 = vector.shape_cast %get3A_316 : vector<1x1x16xf32> to vector<16xf32>
          %add3A_318 = arith.addf %add3A_300, %get3A_317 : vector<16xf32>
          %add3A_319 = arith.constant 7 : i32
          %add3A_320 = arith.addi %mul3A_190, %add3A_319 : i32
          %get3A_321 = arith.constant 0 : i32
          %get3A_322 = arith.index_cast %get3A_321 : i32 to index
          %get3A_323 = arith.index_cast %add3A_320 : i32 to index
          %get3A_324 = arith.constant 16 : index
          %get3A_325 = tpu.vector_load %arg6[%get3A_322, %get3A_323, %get3A_324] {strides = array<i32>} : memref<2x1000x32xf32, #tpu.memory_space<vmem>>, vector<1x1x16xf32>,
          %get3A_326 = vector.shape_cast %get3A_325 : vector<1x1x16xf32> to vector<16xf32>
          %add3A_327 = arith.addf %add3A_309, %get3A_326 : vector<16xf32>
          %add3A_328 = arith.constant 8 : i32
          %add3A_329 = arith.addi %mul3A_190, %add3A_328 : i32
          %get3A_330 = arith.constant 0 : i32
          %get3A_331 = arith.index_cast %get3A_330 : i32 to index
          %get3A_332 = arith.index_cast %add3A_329 : i32 to index
          %get3A_333 = arith.constant 0 : index
          %get3A_334 = tpu.vector_load %arg6[%get3A_331, %get3A_332, %get3A_333] {strides = array<i32>} : memref<2x1000x32xf32, #tpu.memory_space<vmem>>, vector<1x1x16xf32>,
          %get3A_335 = vector.shape_cast %get3A_334 : vector<1x1x16xf32> to vector<16xf32>
          %add3A_336 = arith.addf %add3A_318, %get3A_335 : vector<16xf32>
          %add3A_337 = arith.constant 8 : i32
          %add3A_338 = arith.addi %mul3A_190, %add3A_337 : i32
          %get3A_339 = arith.constant 0 : i32
          %get3A_340 = arith.index_cast %get3A_339 : i32 to index
          %get3A_341 = arith.index_cast %add3A_338 : i32 to index
          %get3A_342 = arith.constant 16 : index
          %get3A_343 = tpu.vector_load %arg6[%get3A_340, %get3A_341, %get3A_342] {strides = array<i32>} : memref<2x1000x32xf32, #tpu.memory_space<vmem>>, vector<1x1x16xf32>,
          %get3A_344 = vector.shape_cast %get3A_343 : vector<1x1x16xf32> to vector<16xf32>
          %add3A_345 = arith.addf %add3A_327, %get3A_344 : vector<16xf32>
          %add3A_346 = arith.constant 9 : i32
          %add3A_347 = arith.addi %mul3A_190, %add3A_346 : i32
          %get3A_348 = arith.constant 0 : i32
          %get3A_349 = arith.index_cast %get3A_348 : i32 to index
          %get3A_350 = arith.index_cast %add3A_347 : i32 to index
          %get3A_351 = arith.constant 0 : index
          %get3A_352 = tpu.vector_load %arg6[%get3A_349, %get3A_350, %get3A_351] {strides = array<i32>} : memref<2x1000x32xf32, #tpu.memory_space<vmem>>, vector<1x1x16xf32>,
          %get3A_353 = vector.shape_cast %get3A_352 : vector<1x1x16xf32> to vector<16xf32>
          %add3A_354 = arith.addf %add3A_336, %get3A_353 : vector<16xf32>
          %add3A_355 = arith.constant 9 : i32
          %add3A_356 = arith.addi %mul3A_190, %add3A_355 : i32
          %get3A_357 = arith.constant 0 : i32
          %get3A_358 = arith.index_cast %get3A_357 : i32 to index
          %get3A_359 = arith.index_cast %add3A_356 : i32 to index
          %get3A_360 = arith.constant 16 : index
          %get3A_361 = tpu.vector_load %arg6[%get3A_358, %get3A_359, %get3A_360] {strides = array<i32>} : memref<2x1000x32xf32, #tpu.memory_space<vmem>>, vector<1x1x16xf32>,
          %get3A_362 = vector.shape_cast %get3A_361 : vector<1x1x16xf32> to vector<16xf32>
          %add3A_363 = arith.addf %add3A_345, %get3A_362 : vector<16xf32>
          %add3A_364 = arith.constant 10 : i32
          %add3A_365 = arith.addi %mul3A_190, %add3A_364 : i32
          %get3A_366 = arith.constant 0 : i32
          %get3A_367 = arith.index_cast %get3A_366 : i32 to index
          %get3A_368 = arith.index_cast %add3A_365 : i32 to index
          %get3A_369 = arith.constant 0 : index
          %get3A_370 = tpu.vector_load %arg6[%get3A_367, %get3A_368, %get3A_369] {strides = array<i32>} : memref<2x1000x32xf32, #tpu.memory_space<vmem>>, vector<1x1x16xf32>,
          %get3A_371 = vector.shape_cast %get3A_370 : vector<1x1x16xf32> to vector<16xf32>
          %add3A_372 = arith.addf %add3A_354, %get3A_371 : vector<16xf32>
          %add3A_373 = arith.constant 10 : i32
          %add3A_374 = arith.addi %mul3A_190, %add3A_373 : i32
          %get3A_375 = arith.constant 0 : i32
          %get3A_376 = arith.index_cast %get3A_375 : i32 to index
          %get3A_377 = arith.index_cast %add3A_374 : i32 to index
          %get3A_378 = arith.constant 16 : index
          %get3A_379 = tpu.vector_load %arg6[%get3A_376, %get3A_377, %get3A_378] {strides = array<i32>} : memref<2x1000x32xf32, #tpu.memory_space<vmem>>, vector<1x1x16xf32>,
          %get3A_380 = vector.shape_cast %get3A_379 : vector<1x1x16xf32> to vector<16xf32>
          %add3A_381 = arith.addf %add3A_363, %get3A_380 : vector<16xf32>
          %add3A_382 = arith.constant 11 : i32
          %add3A_383 = arith.addi %mul3A_190, %add3A_382 : i32
          %get3A_384 = arith.constant 0 : i32
          %get3A_385 = arith.index_cast %get3A_384 : i32 to index
          %get3A_386 = arith.index_cast %add3A_383 : i32 to index
          %get3A_387 = arith.constant 0 : index
          %get3A_388 = tpu.vector_load %arg6[%get3A_385, %get3A_386, %get3A_387] {strides = array<i32>} : memref<2x1000x32xf32, #tpu.memory_space<vmem>>, vector<1x1x16xf32>,
          %get3A_389 = vector.shape_cast %get3A_388 : vector<1x1x16xf32> to vector<16xf32>
          %add3A_390 = arith.addf %add3A_372, %get3A_389 : vector<16xf32>
          %add3A_391 = arith.constant 11 : i32
          %add3A_392 = arith.addi %mul3A_190, %add3A_391 : i32
          %get3A_393 = arith.constant 0 : i32
          %get3A_394 = arith.index_cast %get3A_393 : i32 to index
          %get3A_395 = arith.index_cast %add3A_392 : i32 to index
          %get3A_396 = arith.constant 16 : index
          %get3A_397 = tpu.vector_load %arg6[%get3A_394, %get3A_395, %get3A_396] {strides = array<i32>} : memref<2x1000x32xf32, #tpu.memory_space<vmem>>, vector<1x1x16xf32>,
          %get3A_398 = vector.shape_cast %get3A_397 : vector<1x1x16xf32> to vector<16xf32>
          %add3A_399 = arith.addf %add3A_381, %get3A_398 : vector<16xf32>
          %add3A_400 = arith.constant 12 : i32
          %add3A_401 = arith.addi %mul3A_190, %add3A_400 : i32
          %get3A_402 = arith.constant 0 : i32
          %get3A_403 = arith.index_cast %get3A_402 : i32 to index
          %get3A_404 = arith.index_cast %add3A_401 : i32 to index
          %get3A_405 = arith.constant 0 : index
          %get3A_406 = tpu.vector_load %arg6[%get3A_403, %get3A_404, %get3A_405] {strides = array<i32>} : memref<2x1000x32xf32, #tpu.memory_space<vmem>>, vector<1x1x16xf32>,
          %get3A_407 = vector.shape_cast %get3A_406 : vector<1x1x16xf32> to vector<16xf32>
          %add3A_408 = arith.addf %add3A_390, %get3A_407 : vector<16xf32>
          %add3A_409 = arith.constant 12 : i32
          %add3A_410 = arith.addi %mul3A_190, %add3A_409 : i32
          %get3A_411 = arith.constant 0 : i32
          %get3A_412 = arith.index_cast %get3A_411 : i32 to index
          %get3A_413 = arith.index_cast %add3A_410 : i32 to index
          %get3A_414 = arith.constant 16 : index
          %get3A_415 = tpu.vector_load %arg6[%get3A_412, %get3A_413, %get3A_414] {strides = array<i32>} : memref<2x1000x32xf32, #tpu.memory_space<vmem>>, vector<1x1x16xf32>,
          %get3A_416 = vector.shape_cast %get3A_415 : vector<1x1x16xf32> to vector<16xf32>
          %add3A_417 = arith.addf %add3A_399, %get3A_416 : vector<16xf32>
          %add3A_418 = arith.constant 13 : i32
          %add3A_419 = arith.addi %mul3A_190, %add3A_418 : i32
          %get3A_420 = arith.constant 0 : i32
          %get3A_421 = arith.index_cast %get3A_420 : i32 to index
          %get3A_422 = arith.index_cast %add3A_419 : i32 to index
          %get3A_423 = arith.constant 0 : index
          %get3A_424 = tpu.vector_load %arg6[%get3A_421, %get3A_422, %get3A_423] {strides = array<i32>} : memref<2x1000x32xf32, #tpu.memory_space<vmem>>, vector<1x1x16xf32>,
          %get3A_425 = vector.shape_cast %get3A_424 : vector<1x1x16xf32> to vector<16xf32>
          %add3A_426 = arith.addf %add3A_408, %get3A_425 : vector<16xf32>
          %add3A_427 = arith.constant 13 : i32
          %add3A_428 = arith.addi %mul3A_190, %add3A_427 : i32
          %get3A_429 = arith.constant 0 : i32
          %get3A_430 = arith.index_cast %get3A_429 : i32 to index
          %get3A_431 = arith.index_cast %add3A_428 : i32 to index
          %get3A_432 = arith.constant 16 : index
          %get3A_433 = tpu.vector_load %arg6[%get3A_430, %get3A_431, %get3A_432] {strides = array<i32>} : memref<2x1000x32xf32, #tpu.memory_space<vmem>>, vector<1x1x16xf32>,
          %get3A_434 = vector.shape_cast %get3A_433 : vector<1x1x16xf32> to vector<16xf32>
          %add3A_435 = arith.addf %add3A_417, %get3A_434 : vector<16xf32>
          %add3A_436 = arith.constant 14 : i32
          %add3A_437 = arith.addi %mul3A_190, %add3A_436 : i32
          %get3A_438 = arith.constant 0 : i32
          %get3A_439 = arith.index_cast %get3A_438 : i32 to index
          %get3A_440 = arith.index_cast %add3A_437 : i32 to index
          %get3A_441 = arith.constant 0 : index
          %get3A_442 = tpu.vector_load %arg6[%get3A_439, %get3A_440, %get3A_441] {strides = array<i32>} : memref<2x1000x32xf32, #tpu.memory_space<vmem>>, vector<1x1x16xf32>,
          %get3A_443 = vector.shape_cast %get3A_442 : vector<1x1x16xf32> to vector<16xf32>
          %add3A_444 = arith.addf %add3A_426, %get3A_443 : vector<16xf32>
          %add3A_445 = arith.constant 14 : i32
          %add3A_446 = arith.addi %mul3A_190, %add3A_445 : i32
          %get3A_447 = arith.constant 0 : i32
          %get3A_448 = arith.index_cast %get3A_447 : i32 to index
          %get3A_449 = arith.index_cast %add3A_446 : i32 to index
          %get3A_450 = arith.constant 16 : index
          %get3A_451 = tpu.vector_load %arg6[%get3A_448, %get3A_449, %get3A_450] {strides = array<i32>} : memref<2x1000x32xf32, #tpu.memory_space<vmem>>, vector<1x1x16xf32>,
          %get3A_452 = vector.shape_cast %get3A_451 : vector<1x1x16xf32> to vector<16xf32>
          %add3A_453 = arith.addf %add3A_435, %get3A_452 : vector<16xf32>
          %add3A_454 = arith.constant 15 : i32
          %add3A_455 = arith.addi %mul3A_190, %add3A_454 : i32
          %get3A_456 = arith.constant 0 : i32
          %get3A_457 = arith.index_cast %get3A_456 : i32 to index
          %get3A_458 = arith.index_cast %add3A_455 : i32 to index
          %get3A_459 = arith.constant 0 : index
          %get3A_460 = tpu.vector_load %arg6[%get3A_457, %get3A_458, %get3A_459] {strides = array<i32>} : memref<2x1000x32xf32, #tpu.memory_space<vmem>>, vector<1x1x16xf32>,
          %get3A_461 = vector.shape_cast %get3A_460 : vector<1x1x16xf32> to vector<16xf32>
          %add3A_462 = arith.addf %add3A_444, %get3A_461 : vector<16xf32>
          %add3A_463 = arith.constant 15 : i32
          %add3A_464 = arith.addi %mul3A_190, %add3A_463 : i32
          %get3A_465 = arith.constant 0 : i32
          %get3A_466 = arith.index_cast %get3A_465 : i32 to index
          %get3A_467 = arith.index_cast %add3A_464 : i32 to index
          %get3A_468 = arith.constant 16 : index
          %get3A_469 = tpu.vector_load %arg6[%get3A_466, %get3A_467, %get3A_468] {strides = array<i32>} : memref<2x1000x32xf32, #tpu.memory_space<vmem>>, vector<1x1x16xf32>,
          %get3A_470 = vector.shape_cast %get3A_469 : vector<1x1x16xf32> to vector<16xf32>
          %add3A_471 = arith.addf %add3A_453, %get3A_470 : vector<16xf32>
          %add3A_472 = arith.constant 16 : i32
          %add3A_473 = arith.addi %mul3A_190, %add3A_472 : i32
          %get3A_474 = arith.constant 0 : i32
          %get3A_475 = arith.index_cast %get3A_474 : i32 to index
          %get3A_476 = arith.index_cast %add3A_473 : i32 to index
          %get3A_477 = arith.constant 0 : index
          %get3A_478 = tpu.vector_load %arg6[%get3A_475, %get3A_476, %get3A_477] {strides = array<i32>} : memref<2x1000x32xf32, #tpu.memory_space<vmem>>, vector<1x1x16xf32>,
          %get3A_479 = vector.shape_cast %get3A_478 : vector<1x1x16xf32> to vector<16xf32>
          %add3A_480 = arith.addf %add3A_462, %get3A_479 : vector<16xf32>
          %add3A_481 = arith.constant 16 : i32
          %add3A_482 = arith.addi %mul3A_190, %add3A_481 : i32
          %get3A_483 = arith.constant 0 : i32
          %get3A_484 = arith.index_cast %get3A_483 : i32 to index
          %get3A_485 = arith.index_cast %add3A_482 : i32 to index
          %get3A_486 = arith.constant 16 : index
          %get3A_487 = tpu.vector_load %arg6[%get3A_484, %get3A_485, %get3A_486] {strides = array<i32>} : memref<2x1000x32xf32, #tpu.memory_space<vmem>>, vector<1x1x16xf32>,
          %get3A_488 = vector.shape_cast %get3A_487 : vector<1x1x16xf32> to vector<16xf32>
          %add3A_489 = arith.addf %add3A_471, %get3A_488 : vector<16xf32>
          %add3A_490 = arith.constant 17 : i32
          %add3A_491 = arith.addi %mul3A_190, %add3A_490 : i32
          %get3A_492 = arith.constant 0 : i32
          %get3A_493 = arith.index_cast %get3A_492 : i32 to index
          %get3A_494 = arith.index_cast %add3A_491 : i32 to index
          %get3A_495 = arith.constant 0 : index
          %get3A_496 = tpu.vector_load %arg6[%get3A_493, %get3A_494, %get3A_495] {strides = array<i32>} : memref<2x1000x32xf32, #tpu.memory_space<vmem>>, vector<1x1x16xf32>,
          %get3A_497 = vector.shape_cast %get3A_496 : vector<1x1x16xf32> to vector<16xf32>
          %add3A_498 = arith.addf %add3A_480, %get3A_497 : vector<16xf32>
          %add3A_499 = arith.constant 17 : i32
          %add3A_500 = arith.addi %mul3A_190, %add3A_499 : i32
          %get3A_501 = arith.constant 0 : i32
          %get3A_502 = arith.index_cast %get3A_501 : i32 to index
          %get3A_503 = arith.index_cast %add3A_500 : i32 to index
          %get3A_504 = arith.constant 16 : index
          %get3A_505 = tpu.vector_load %arg6[%get3A_502, %get3A_503, %get3A_504] {strides = array<i32>} : memref<2x1000x32xf32, #tpu.memory_space<vmem>>, vector<1x1x16xf32>,
          %get3A_506 = vector.shape_cast %get3A_505 : vector<1x1x16xf32> to vector<16xf32>
          %add3A_507 = arith.addf %add3A_489, %get3A_506 : vector<16xf32>
          %add3A_508 = arith.constant 18 : i32
          %add3A_509 = arith.addi %mul3A_190, %add3A_508 : i32
          %get3A_510 = arith.constant 0 : i32
          %get3A_511 = arith.index_cast %get3A_510 : i32 to index
          %get3A_512 = arith.index_cast %add3A_509 : i32 to index
          %get3A_513 = arith.constant 0 : index
          %get3A_514 = tpu.vector_load %arg6[%get3A_511, %get3A_512, %get3A_513] {strides = array<i32>} : memref<2x1000x32xf32, #tpu.memory_space<vmem>>, vector<1x1x16xf32>,
          %get3A_515 = vector.shape_cast %get3A_514 : vector<1x1x16xf32> to vector<16xf32>
          %add3A_516 = arith.addf %add3A_498, %get3A_515 : vector<16xf32>
          %add3A_517 = arith.constant 18 : i32
          %add3A_518 = arith.addi %mul3A_190, %add3A_517 : i32
          %get3A_519 = arith.constant 0 : i32
          %get3A_520 = arith.index_cast %get3A_519 : i32 to index
          %get3A_521 = arith.index_cast %add3A_518 : i32 to index
          %get3A_522 = arith.constant 16 : index
          %get3A_523 = tpu.vector_load %arg6[%get3A_520, %get3A_521, %get3A_522] {strides = array<i32>} : memref<2x1000x32xf32, #tpu.memory_space<vmem>>, vector<1x1x16xf32>,
          %get3A_524 = vector.shape_cast %get3A_523 : vector<1x1x16xf32> to vector<16xf32>
          %add3A_525 = arith.addf %add3A_507, %get3A_524 : vector<16xf32>
          %add3A_526 = arith.constant 19 : i32
          %add3A_527 = arith.addi %mul3A_190, %add3A_526 : i32
          %get3A_528 = arith.constant 0 : i32
          %get3A_529 = arith.index_cast %get3A_528 : i32 to index
          %get3A_530 = arith.index_cast %add3A_527 : i32 to index
          %get3A_531 = arith.constant 0 : index
          %get3A_532 = tpu.vector_load %arg6[%get3A_529, %get3A_530, %get3A_531] {strides = array<i32>} : memref<2x1000x32xf32, #tpu.memory_space<vmem>>, vector<1x1x16xf32>,
          %get3A_533 = vector.shape_cast %get3A_532 : vector<1x1x16xf32> to vector<16xf32>
          %add3A_534 = arith.addf %add3A_516, %get3A_533 : vector<16xf32>
          %add3A_535 = arith.constant 19 : i32
          %add3A_536 = arith.addi %mul3A_190, %add3A_535 : i32
          %get3A_537 = arith.constant 0 : i32
          %get3A_538 = arith.index_cast %get3A_537 : i32 to index
          %get3A_539 = arith.index_cast %add3A_536 : i32 to index
          %get3A_540 = arith.constant 16 : index
          %get3A_541 = tpu.vector_load %arg6[%get3A_538, %get3A_539, %get3A_540] {strides = array<i32>} : memref<2x1000x32xf32, #tpu.memory_space<vmem>>, vector<1x1x16xf32>,
          %get3A_542 = vector.shape_cast %get3A_541 : vector<1x1x16xf32> to vector<16xf32>
          %add3A_543 = arith.addf %add3A_525, %get3A_542 : vector<16xf32>
          %add3A_544 = arith.constant 20 : i32
          %add3A_545 = arith.addi %mul3A_190, %add3A_544 : i32
          %get3A_546 = arith.constant 0 : i32
          %get3A_547 = arith.index_cast %get3A_546 : i32 to index
          %get3A_548 = arith.index_cast %add3A_545 : i32 to index
          %get3A_549 = arith.constant 0 : index
          %get3A_550 = tpu.vector_load %arg6[%get3A_547, %get3A_548, %get3A_549] {strides = array<i32>} : memref<2x1000x32xf32, #tpu.memory_space<vmem>>, vector<1x1x16xf32>,
          %get3A_551 = vector.shape_cast %get3A_550 : vector<1x1x16xf32> to vector<16xf32>
          %add3A_552 = arith.addf %add3A_534, %get3A_551 : vector<16xf32>
          %add3A_553 = arith.constant 20 : i32
          %add3A_554 = arith.addi %mul3A_190, %add3A_553 : i32
          %get3A_555 = arith.constant 0 : i32
          %get3A_556 = arith.index_cast %get3A_555 : i32 to index
          %get3A_557 = arith.index_cast %add3A_554 : i32 to index
          %get3A_558 = arith.constant 16 : index
          %get3A_559 = tpu.vector_load %arg6[%get3A_556, %get3A_557, %get3A_558] {strides = array<i32>} : memref<2x1000x32xf32, #tpu.memory_space<vmem>>, vector<1x1x16xf32>,
          %get3A_560 = vector.shape_cast %get3A_559 : vector<1x1x16xf32> to vector<16xf32>
          %add3A_561 = arith.addf %add3A_543, %get3A_560 : vector<16xf32>
          %add3A_562 = arith.constant 21 : i32
          %add3A_563 = arith.addi %mul3A_190, %add3A_562 : i32
          %get3A_564 = arith.constant 0 : i32
          %get3A_565 = arith.index_cast %get3A_564 : i32 to index
          %get3A_566 = arith.index_cast %add3A_563 : i32 to index
          %get3A_567 = arith.constant 0 : index
          %get3A_568 = tpu.vector_load %arg6[%get3A_565, %get3A_566, %get3A_567] {strides = array<i32>} : memref<2x1000x32xf32, #tpu.memory_space<vmem>>, vector<1x1x16xf32>,
          %get3A_569 = vector.shape_cast %get3A_568 : vector<1x1x16xf32> to vector<16xf32>
          %add3A_570 = arith.addf %add3A_552, %get3A_569 : vector<16xf32>
          %add3A_571 = arith.constant 21 : i32
          %add3A_572 = arith.addi %mul3A_190, %add3A_571 : i32
          %get3A_573 = arith.constant 0 : i32
          %get3A_574 = arith.index_cast %get3A_573 : i32 to index
          %get3A_575 = arith.index_cast %add3A_572 : i32 to index
          %get3A_576 = arith.constant 16 : index
          %get3A_577 = tpu.vector_load %arg6[%get3A_574, %get3A_575, %get3A_576] {strides = array<i32>} : memref<2x1000x32xf32, #tpu.memory_space<vmem>>, vector<1x1x16xf32>,
          %get3A_578 = vector.shape_cast %get3A_577 : vector<1x1x16xf32> to vector<16xf32>
          %add3A_579 = arith.addf %add3A_561, %get3A_578 : vector<16xf32>
          %add3A_580 = arith.constant 22 : i32
          %add3A_581 = arith.addi %mul3A_190, %add3A_580 : i32
          %get3A_582 = arith.constant 0 : i32
          %get3A_583 = arith.index_cast %get3A_582 : i32 to index
          %get3A_584 = arith.index_cast %add3A_581 : i32 to index
          %get3A_585 = arith.constant 0 : index
          %get3A_586 = tpu.vector_load %arg6[%get3A_583, %get3A_584, %get3A_585] {strides = array<i32>} : memref<2x1000x32xf32, #tpu.memory_space<vmem>>, vector<1x1x16xf32>,
          %get3A_587 = vector.shape_cast %get3A_586 : vector<1x1x16xf32> to vector<16xf32>
          %add3A_588 = arith.addf %add3A_570, %get3A_587 : vector<16xf32>
          %add3A_589 = arith.constant 22 : i32
          %add3A_590 = arith.addi %mul3A_190, %add3A_589 : i32
          %get3A_591 = arith.constant 0 : i32
          %get3A_592 = arith.index_cast %get3A_591 : i32 to index
          %get3A_593 = arith.index_cast %add3A_590 : i32 to index
          %get3A_594 = arith.constant 16 : index
          %get3A_595 = tpu.vector_load %arg6[%get3A_592, %get3A_593, %get3A_594] {strides = array<i32>} : memref<2x1000x32xf32, #tpu.memory_space<vmem>>, vector<1x1x16xf32>,
          %get3A_596 = vector.shape_cast %get3A_595 : vector<1x1x16xf32> to vector<16xf32>
          %add3A_597 = arith.addf %add3A_579, %get3A_596 : vector<16xf32>
          %add3A_598 = arith.constant 23 : i32
          %add3A_599 = arith.addi %mul3A_190, %add3A_598 : i32
          %get3A_600 = arith.constant 0 : i32
          %get3A_601 = arith.index_cast %get3A_600 : i32 to index
          %get3A_602 = arith.index_cast %add3A_599 : i32 to index
          %get3A_603 = arith.constant 0 : index
          %get3A_604 = tpu.vector_load %arg6[%get3A_601, %get3A_602, %get3A_603] {strides = array<i32>} : memref<2x1000x32xf32, #tpu.memory_space<vmem>>, vector<1x1x16xf32>,
          %get3A_605 = vector.shape_cast %get3A_604 : vector<1x1x16xf32> to vector<16xf32>
          %add3A_606 = arith.addf %add3A_588, %get3A_605 : vector<16xf32>
          %add3A_607 = arith.constant 23 : i32
          %add3A_608 = arith.addi %mul3A_190, %add3A_607 : i32
          %get3A_609 = arith.constant 0 : i32
          %get3A_610 = arith.index_cast %get3A_609 : i32 to index
          %get3A_611 = arith.index_cast %add3A_608 : i32 to index
          %get3A_612 = arith.constant 16 : index
          %get3A_613 = tpu.vector_load %arg6[%get3A_610, %get3A_611, %get3A_612] {strides = array<i32>} : memref<2x1000x32xf32, #tpu.memory_space<vmem>>, vector<1x1x16xf32>,
          %get3A_614 = vector.shape_cast %get3A_613 : vector<1x1x16xf32> to vector<16xf32>
          %add3A_615 = arith.addf %add3A_597, %get3A_614 : vector<16xf32>
          %add3A_616 = arith.constant 24 : i32
          %add3A_617 = arith.addi %mul3A_190, %add3A_616 : i32
          %get3A_618 = arith.constant 0 : i32
          %get3A_619 = arith.index_cast %get3A_618 : i32 to index
          %get3A_620 = arith.index_cast %add3A_617 : i32 to index
          %get3A_621 = arith.constant 0 : index
          %get3A_622 = tpu.vector_load %arg6[%get3A_619, %get3A_620, %get3A_621] {strides = array<i32>} : memref<2x1000x32xf32, #tpu.memory_space<vmem>>, vector<1x1x16xf32>,
          %get3A_623 = vector.shape_cast %get3A_622 : vector<1x1x16xf32> to vector<16xf32>
          %add3A_624 = arith.addf %add3A_606, %get3A_623 : vector<16xf32>
          %add3A_625 = arith.constant 24 : i32
          %add3A_626 = arith.addi %mul3A_190, %add3A_625 : i32
          %get3A_627 = arith.constant 0 : i32
          %get3A_628 = arith.index_cast %get3A_627 : i32 to index
          %get3A_629 = arith.index_cast %add3A_626 : i32 to index
          %get3A_630 = arith.constant 16 : index
          %get3A_631 = tpu.vector_load %arg6[%get3A_628, %get3A_629, %get3A_630] {strides = array<i32>} : memref<2x1000x32xf32, #tpu.memory_space<vmem>>, vector<1x1x16xf32>,
          %get3A_632 = vector.shape_cast %get3A_631 : vector<1x1x16xf32> to vector<16xf32>
          %add3A_633 = arith.addf %add3A_615, %get3A_632 : vector<16xf32>
          %mul3A_634 = arith.constant 32 : i32
          %mul3A_635 = arith.muli %scan3A_188, %mul3A_634 : i32
          %multiple_of3A_636 = tpu.assume_multiple %mul3A_635, 8 : i32
          %swap3A = arith.constant 0 : i32
          %swap3A_637 = arith.index_cast %swap3A : i32 to index
          %swap3A_638 = arith.index_cast %multiple_of3A_636 : i32 to index
          %swap3A_639 = tpu.vector_load %arg7[%swap3A_637, %swap3A_638] {strides = array<i32>} : memref<2x1280xf32, #tpu.memory_space<vmem>>, vector<1x16xf32>,
          %swap3A_640 = vector.shape_cast %swap3A_639 : vector<1x16xf32> to vector<16xf32>
          %swap3A_641 = vector.shape_cast %add3A_624 : vector<16xf32> to vector<1x16xf32>
          tpu.vector_store %arg7[%swap3A_637, %swap3A_638], %swap3A_641 {strides = array<i32>} : memref<2x1280xf32, #tpu.memory_space<vmem>>, vector<1x16xf32>,
          %add3A_642 = arith.constant 16 : i32
          %add3A_643 = arith.addi %multiple_of3A_636, %add3A_642 : i32
          %swap3A_644 = arith.constant 0 : i32
          %swap3A_645 = arith.index_cast %swap3A_644 : i32 to index
          %swap3A_646 = arith.index_cast %add3A_643 : i32 to index
          %swap3A_647 = tpu.vector_load %arg7[%swap3A_645, %swap3A_646] {strides = array<i32>} : memref<2x1280xf32, #tpu.memory_space<vmem>>, vector<1x16xf32>,
          %swap3A_648 = vector.shape_cast %swap3A_647 : vector<1x16xf32> to vector<16xf32>
          %swap3A_649 = vector.shape_cast %add3A_633 : vector<16xf32> to vector<1x16xf32>
          tpu.vector_store %arg7[%swap3A_645, %swap3A_646], %swap3A_649 {strides = array<i32>} : memref<2x1280xf32, #tpu.memory_space<vmem>>, vector<1x16xf32>,
        }
        %scan3A_174 = arith.constant 40 : i32
        %mul3A_175 = arith.constant 32 : i32
        %mul3A_176 = arith.muli %add3A_49, %mul3A_175 : i32
        %add3A_177 = arith.addi %add3A, %mul3A_176 : i32
        %mul3A_178 = arith.constant 1280 : i32
        %mul3A_179 = arith.muli %add3A_177, %mul3A_178 : i32
        %multiple_of3A = tpu.assume_multiple %mul3A_179, 8 : i32
        %dma_start3A = arith.constant 0 : i32
        %dma_start3A_180 = arith.constant 0 : i32
        %dma_start3A_181 = tpu.memref_slice %arg7[%dma_start3A, %dma_start3A_180] : memref<2x1280xf32, #tpu.memory_space<vmem>> -> memref<1x1280xf32, #tpu.memory_space<vmem>>
        %dma_start3A_182 = tpu.memref_squeeze %dma_start3A_181 : memref<1x1280xf32, #tpu.memory_space<vmem>> -> memref<1280xf32, #tpu.memory_space<vmem>>
        %dma_start3A_183 = tpu.memref_slice %arg4[%multiple_of3A] : memref<3200000xf32, #tpu.memory_space<hbm>> -> memref<1280xf32, #tpu.memory_space<hbm>>
        %dma_start3A_184 = tpu.memref_slice %arg4[%multiple_of3A] : memref<3200000xf32, #tpu.memory_space<hbm>> -> memref<1280xf32, #tpu.memory_space<hbm>>
        %dma_start3A_185 = arith.constant 0 : i32
        %dma_start3A_186 = tpu.memref_slice %arg7[%dma_start3A, %dma_start3A_185] : memref<2x1280xf32, #tpu.memory_space<vmem>> -> memref<1x1280xf32, #tpu.memory_space<vmem>>
        %dma_start3A_187 = tpu.memref_squeeze %dma_start3A_186 : memref<1x1280xf32, #tpu.memory_space<vmem>> -> memref<1280xf32, #tpu.memory_space<vmem>>
        tpu.enqueue_dma source(%dma_start3A_187 : memref<1280xf32, #tpu.memory_space<vmem>>) target(%dma_start3A_184 : memref<1280xf32, #tpu.memory_space<hbm>>) target_semaphore(%arg12 : memref<!tpu.dma_semaphore, #tpu.memory_space<semaphore_mem>>)
      } else {
      }
      %mul3A_106 = arith.constant 2 : i32
      %mul3A_107 = arith.muli %scan3A_45, %mul3A_106 : i32
      %add3A_108 = arith.constant 1 : i32
      %add3A_109 = arith.addi %mul3A_107, %add3A_108 : i32
      %mul3A_110 = arith.constant 32 : i32
      %mul3A_111 = arith.muli %add3A_109, %mul3A_110 : i32
      %add3A_112 = arith.addi %add3A, %mul3A_111 : i32
      %lt3A_113 = arith.constant 2500 : i32
      %lt3A_114 = arith.cmpi slt, %add3A_112, %lt3A_113 : i32
      %convert_element_type3A_115 = arith.extui %lt3A_114 : i1 to i32
      %cond3A_116 = arith.constant 0 : i32
      %cond3A_117 = arith.cmpi ne, %convert_element_type3A_115, %cond3A_116 : i32
      scf.if %cond3A_117 {
        %dma_wait3A = arith.constant 1 : i32
        %dma_wait3A_169 = arith.constant 1 : i32
        %dma_wait3A_170 = arith.constant 0 : i32
        %dma_wait3A_171 = arith.constant 0 : i32
        %dma_wait3A_172 = tpu.memref_slice %arg6[%dma_wait3A_169, %dma_wait3A_170, %dma_wait3A_171] : memref<2x1000x32xf32, #tpu.memory_space<vmem>> -> memref<1x1000x32xf32, #tpu.memory_space<vmem>>
        %dma_wait3A_173 = tpu.memref_squeeze %dma_wait3A_172 : memref<1x1000x32xf32, #tpu.memory_space<vmem>> -> memref<1000x32xf32, #tpu.memory_space<vmem>>
        %dma_wait3A_174 = arith.constant 0 : i32
        %dma_wait3A_175 = tpu.memref_slice %arg5[%dma_wait3A, %dma_wait3A_174] : memref<2x1000xi32, #tpu.memory_space<vmem>> -> memref<1x1000xi32, #tpu.memory_space<vmem>>
        %dma_wait3A_176 = tpu.memref_squeeze %dma_wait3A_175 : memref<1x1000xi32, #tpu.memory_space<vmem>> -> memref<1000xi32, #tpu.memory_space<vmem>>
        %dma_wait3A_177 = arith.constant 0 : i32
        %dma_wait3A_178 = arith.constant 0 : i32
        %dma_wait3A_179 = tpu.memref_slice %arg2[%dma_wait3A_177, %dma_wait3A_178] : memref<100000x32xf32, #tpu.memory_space<hbm>> -> memref<100000x32xf32, #tpu.memory_space<hbm>>
        tpu.wait_indirect_dma semaphore(%arg11 : memref<!tpu.dma_semaphore, #tpu.memory_space<semaphore_mem>>) src(%dma_wait3A_179 : memref<100000x32xf32, #tpu.memory_space<hbm>>) dst(%dma_wait3A_173 : memref<1000x32xf32, #tpu.memory_space<vmem>>)
      } else {
      }
      %add3A_118 = arith.constant 2 : i32
      %add3A_119 = arith.addi %add3A_109, %add3A_118 : i32
      %mul3A_120 = arith.constant 32 : i32
      %mul3A_121 = arith.muli %add3A_119, %mul3A_120 : i32
      %add3A_122 = arith.addi %add3A, %mul3A_121 : i32
      %lt3A_123 = arith.constant 2500 : i32
      %lt3A_124 = arith.cmpi slt, %add3A_122, %lt3A_123 : i32
      %convert_element_type3A_125 = arith.extui %lt3A_124 : i1 to i32
      %cond3A_126 = arith.constant 0 : i32
      %cond3A_127 = arith.cmpi ne, %convert_element_type3A_125, %cond3A_126 : i32
      scf.if %cond3A_127 {
        %add3A_169 = arith.constant 2 : i32
        %add3A_170 = arith.addi %add3A_109, %add3A_169 : i32
        %mul3A_171 = arith.constant 32 : i32
        %mul3A_172 = arith.muli %add3A_170, %mul3A_171 : i32
        %add3A_173 = arith.addi %add3A, %mul3A_172 : i32
        %dma_start3A = arith.constant 1 : i32
        %dma_start3A_174 = arith.constant 0 : i32
        %dma_start3A_175 = tpu.memref_slice %arg5[%dma_start3A, %dma_start3A_174] : memref<2x1000xi32, #tpu.memory_space<vmem>> -> memref<1x1000xi32, #tpu.memory_space<vmem>>
        %dma_start3A_176 = tpu.memref_squeeze %dma_start3A_175 : memref<1x1000xi32, #tpu.memory_space<vmem>> -> memref<1000xi32, #tpu.memory_space<vmem>>
        %dma_start3A_177 = arith.constant 0 : i32
        %dma_start3A_178 = tpu.memref_slice %arg3[%add3A_173, %dma_start3A_177] : memref<2500x1000xi32, #tpu.memory_space<hbm>> -> memref<1x1000xi32, #tpu.memory_space<hbm>>
        %dma_start3A_179 = tpu.memref_squeeze %dma_start3A_178 : memref<1x1000xi32, #tpu.memory_space<hbm>> -> memref<1000xi32, #tpu.memory_space<hbm>>
        %dma_start3A_180 = arith.constant 0 : i32
        %dma_start3A_181 = tpu.memref_slice %arg5[%dma_start3A, %dma_start3A_180] : memref<2x1000xi32, #tpu.memory_space<vmem>> -> memref<1x1000xi32, #tpu.memory_space<vmem>>
        %dma_start3A_182 = tpu.memref_squeeze %dma_start3A_181 : memref<1x1000xi32, #tpu.memory_space<vmem>> -> memref<1000xi32, #tpu.memory_space<vmem>>
        %dma_start3A_183 = arith.constant 0 : i32
        %dma_start3A_184 = tpu.memref_slice %arg3[%add3A_173, %dma_start3A_183] : memref<2500x1000xi32, #tpu.memory_space<hbm>> -> memref<1x1000xi32, #tpu.memory_space<hbm>>
        %dma_start3A_185 = tpu.memref_squeeze %dma_start3A_184 : memref<1x1000xi32, #tpu.memory_space<hbm>> -> memref<1000xi32, #tpu.memory_space<hbm>>
        tpu.enqueue_dma source(%dma_start3A_185 : memref<1000xi32, #tpu.memory_space<hbm>>) target(%dma_start3A_182 : memref<1000xi32, #tpu.memory_space<vmem>>) target_semaphore(%arg9 : memref<!tpu.dma_semaphore, #tpu.memory_space<semaphore_mem>>)
      } else {
      }
      %add3A_128 = arith.constant 1 : i32
      %add3A_129 = arith.addi %add3A_109, %add3A_128 : i32
      %mul3A_130 = arith.constant 32 : i32
      %mul3A_131 = arith.muli %add3A_129, %mul3A_130 : i32
      %add3A_132 = arith.addi %add3A, %mul3A_131 : i32
      %lt3A_133 = arith.constant 2500 : i32
      %lt3A_134 = arith.cmpi slt, %add3A_132, %lt3A_133 : i32
      %convert_element_type3A_135 = arith.extui %lt3A_134 : i1 to i32
      %cond3A_136 = arith.constant 0 : i32
      %cond3A_137 = arith.cmpi ne, %convert_element_type3A_135, %cond3A_136 : i32
      scf.if %cond3A_137 {
        %add3A_169 = arith.constant 1 : i32
        %add3A_170 = arith.addi %add3A_109, %add3A_169 : i32
        %mul3A_171 = arith.constant 32 : i32
        %mul3A_172 = arith.muli %add3A_170, %mul3A_171 : i32
        %add3A_173 = arith.addi %add3A, %mul3A_172 : i32
        %dma_wait3A = arith.constant 0 : i32
        %dma_wait3A_174 = arith.constant 0 : i32
        %dma_wait3A_175 = tpu.memref_slice %arg5[%dma_wait3A, %dma_wait3A_174] : memref<2x1000xi32, #tpu.memory_space<vmem>> -> memref<1x1000xi32, #tpu.memory_space<vmem>>
        %dma_wait3A_176 = tpu.memref_squeeze %dma_wait3A_175 : memref<1x1000xi32, #tpu.memory_space<vmem>> -> memref<1000xi32, #tpu.memory_space<vmem>>
        %dma_wait3A_177 = arith.constant 0 : i32
        %dma_wait3A_178 = tpu.memref_slice %arg3[%add3A_173, %dma_wait3A_177] : memref<2500x1000xi32, #tpu.memory_space<hbm>> -> memref<1x1000xi32, #tpu.memory_space<hbm>>
        %dma_wait3A_179 = tpu.memref_squeeze %dma_wait3A_178 : memref<1x1000xi32, #tpu.memory_space<hbm>> -> memref<1000xi32, #tpu.memory_space<hbm>>
        %dma_wait3A_180 = arith.constant 0 : i32
        %dma_wait3A_181 = tpu.memref_slice %arg5[%dma_wait3A, %dma_wait3A_180] : memref<2x1000xi32, #tpu.memory_space<vmem>> -> memref<1x1000xi32, #tpu.memory_space<vmem>>
        %dma_wait3A_182 = tpu.memref_squeeze %dma_wait3A_181 : memref<1x1000xi32, #tpu.memory_space<vmem>> -> memref<1000xi32, #tpu.memory_space<vmem>>
        %dma_wait3A_183 = arith.constant 0 : i32
        %dma_wait3A_184 = tpu.memref_slice %arg3[%add3A_173, %dma_wait3A_183] : memref<2500x1000xi32, #tpu.memory_space<hbm>> -> memref<1x1000xi32, #tpu.memory_space<hbm>>
        %dma_wait3A_185 = tpu.memref_squeeze %dma_wait3A_184 : memref<1x1000xi32, #tpu.memory_space<hbm>> -> memref<1000xi32, #tpu.memory_space<hbm>>
        tpu.wait_dma2 semaphore(%arg8 : memref<!tpu.dma_semaphore, #tpu.memory_space<semaphore_mem>>) src(%dma_wait3A_185 : memref<1000xi32, #tpu.memory_space<hbm>>) dst(%dma_wait3A_182 : memref<1000xi32, #tpu.memory_space<vmem>>)
      } else {
      }
      %add3A_138 = arith.constant 1 : i32
      %add3A_139 = arith.addi %add3A_109, %add3A_138 : i32
      %mul3A_140 = arith.constant 32 : i32
      %mul3A_141 = arith.muli %add3A_139, %mul3A_140 : i32
      %add3A_142 = arith.addi %add3A, %mul3A_141 : i32
      %lt3A_143 = arith.constant 2500 : i32
      %lt3A_144 = arith.cmpi slt, %add3A_142, %lt3A_143 : i32
      %convert_element_type3A_145 = arith.extui %lt3A_144 : i1 to i32
      %cond3A_146 = arith.constant 0 : i32
      %cond3A_147 = arith.cmpi ne, %convert_element_type3A_145, %cond3A_146 : i32
      scf.if %cond3A_147 {
        %dma_start3A = arith.constant 0 : i32
        %dma_start3A_169 = arith.constant 0 : i32
        %dma_start3A_170 = arith.constant 0 : i32
        %dma_start3A_171 = arith.constant 0 : i32
        %dma_start3A_172 = tpu.memref_slice %arg6[%dma_start3A_169, %dma_start3A_170, %dma_start3A_171] : memref<2x1000x32xf32, #tpu.memory_space<vmem>> -> memref<1x1000x32xf32, #tpu.memory_space<vmem>>
        %dma_start3A_173 = tpu.memref_squeeze %dma_start3A_172 : memref<1x1000x32xf32, #tpu.memory_space<vmem>> -> memref<1000x32xf32, #tpu.memory_space<vmem>>
        %dma_start3A_174 = arith.constant 0 : i32
        %dma_start3A_175 = tpu.memref_slice %arg5[%dma_start3A, %dma_start3A_174] : memref<2x1000xi32, #tpu.memory_space<vmem>> -> memref<1x1000xi32, #tpu.memory_space<vmem>>
        %dma_start3A_176 = tpu.memref_squeeze %dma_start3A_175 : memref<1x1000xi32, #tpu.memory_space<vmem>> -> memref<1000xi32, #tpu.memory_space<vmem>>
        %dma_start3A_177 = arith.constant 0 : i32
        %dma_start3A_178 = arith.constant 0 : i32
        %dma_start3A_179 = tpu.memref_slice %arg2[%dma_start3A_177, %dma_start3A_178] : memref<100000x32xf32, #tpu.memory_space<hbm>> -> memref<100000x32xf32, #tpu.memory_space<hbm>>
        tpu.enqueue_indirect_dma source(%dma_start3A_179 : memref<100000x32xf32, #tpu.memory_space<hbm>>) target(%dma_start3A_173 : memref<1000x32xf32, #tpu.memory_space<vmem>>) offsets(%dma_start3A_176 : memref<1000xi32, #tpu.memory_space<vmem>>) semaphore(%arg10 : memref<!tpu.dma_semaphore, #tpu.memory_space<semaphore_mem>>)
      } else {
      }
      %ge3A_148 = arith.constant 1 : i32
      %ge3A_149 = arith.cmpi sge, %scan3A_45, %ge3A_148 : i32
      %sub3A_150 = arith.constant 2 : i32
      %sub3A_151 = arith.subi %add3A_109, %sub3A_150 : i32
      %mul3A_152 = arith.constant 32 : i32
      %mul3A_153 = arith.muli %sub3A_151, %mul3A_152 : i32
      %add3A_154 = arith.addi %add3A, %mul3A_153 : i32
      %lt3A_155 = arith.constant 2500 : i32
      %lt3A_156 = arith.cmpi slt, %add3A_154, %lt3A_155 : i32
      %and3A_157 = arith.andi %ge3A_149, %lt3A_156 : i1
      %convert_element_type3A_158 = arith.extui %and3A_157 : i1 to i32
      %cond3A_159 = arith.constant 0 : i32
      %cond3A_160 = arith.cmpi ne, %convert_element_type3A_158, %cond3A_159 : i32
      scf.if %cond3A_160 {
        %sub3A_169 = arith.constant 2 : i32
        %sub3A_170 = arith.subi %add3A_109, %sub3A_169 : i32
        %mul3A_171 = arith.constant 32 : i32
        %mul3A_172 = arith.muli %sub3A_170, %mul3A_171 : i32
        %add3A_173 = arith.addi %add3A, %mul3A_172 : i32
        %mul3A_174 = arith.constant 1280 : i32
        %mul3A_175 = arith.muli %add3A_173, %mul3A_174 : i32
        %multiple_of3A = tpu.assume_multiple %mul3A_175, 8 : i32
        %dma_wait3A = arith.constant 1 : i32
        %dma_wait3A_176 = arith.constant 0 : i32
        %dma_wait3A_177 = tpu.memref_slice %arg7[%dma_wait3A, %dma_wait3A_176] : memref<2x1280xf32, #tpu.memory_space<vmem>> -> memref<1x1280xf32, #tpu.memory_space<vmem>>
        %dma_wait3A_178 = tpu.memref_squeeze %dma_wait3A_177 : memref<1x1280xf32, #tpu.memory_space<vmem>> -> memref<1280xf32, #tpu.memory_space<vmem>>
        %dma_wait3A_179 = tpu.memref_slice %arg4[%multiple_of3A] : memref<3200000xf32, #tpu.memory_space<hbm>> -> memref<1280xf32, #tpu.memory_space<hbm>>
        %dma_wait3A_180 = tpu.memref_slice %arg4[%multiple_of3A] : memref<3200000xf32, #tpu.memory_space<hbm>> -> memref<1280xf32, #tpu.memory_space<hbm>>
        %dma_wait3A_181 = arith.constant 0 : i32
        %dma_wait3A_182 = tpu.memref_slice %arg7[%dma_wait3A, %dma_wait3A_181] : memref<2x1280xf32, #tpu.memory_space<vmem>> -> memref<1x1280xf32, #tpu.memory_space<vmem>>
        %dma_wait3A_183 = tpu.memref_squeeze %dma_wait3A_182 : memref<1x1280xf32, #tpu.memory_space<vmem>> -> memref<1280xf32, #tpu.memory_space<vmem>>
        tpu.wait_dma2 semaphore(%arg13 : memref<!tpu.dma_semaphore, #tpu.memory_space<semaphore_mem>>) src(%dma_wait3A_183 : memref<1280xf32, #tpu.memory_space<vmem>>) dst(%dma_wait3A_180 : memref<1280xf32, #tpu.memory_space<hbm>>)
      } else {
      }
      %mul3A_161 = arith.constant 32 : i32
      %mul3A_162 = arith.muli %add3A_109, %mul3A_161 : i32
      %add3A_163 = arith.addi %add3A, %mul3A_162 : i32
      %lt3A_164 = arith.constant 2500 : i32
      %lt3A_165 = arith.cmpi slt, %add3A_163, %lt3A_164 : i32
      %convert_element_type3A_166 = arith.extui %lt3A_165 : i1 to i32
      %cond3A_167 = arith.constant 0 : i32
      %cond3A_168 = arith.cmpi ne, %convert_element_type3A_166, %cond3A_167 : i32
      scf.if %cond3A_168 {
        %scan3A_169 = arith.constant 0 : i32
        %scan3A_170 = arith.constant 0 : i32
        %scan3A_171 = arith.constant 40 : i32
        %scan3A_172 = arith.addi %scan3A_170, %scan3A_171 : i32
        %scan3A_173 = arith.constant 1 : i32
        scf.for %scan3A_188 = %scan3A_170 to %scan3A_172 step %scan3A_173  : i32 {
          %mul3A_189 = arith.constant 25 : i32
          %mul3A_190 = arith.muli %scan3A_188, %mul3A_189 : i32
          %get3A = arith.constant 1 : i32
          %get3A_191 = arith.index_cast %get3A : i32 to index
          %get3A_192 = arith.index_cast %mul3A_190 : i32 to index
          %get3A_193 = arith.constant 0 : index
          %get3A_194 = tpu.vector_load %arg6[%get3A_191, %get3A_192, %get3A_193] {strides = array<i32>} : memref<2x1000x32xf32, #tpu.memory_space<vmem>>, vector<1x1x16xf32>,
          %get3A_195 = vector.shape_cast %get3A_194 : vector<1x1x16xf32> to vector<16xf32>
          %get3A_196 = arith.constant 1 : i32
          %get3A_197 = arith.index_cast %get3A_196 : i32 to index
          %get3A_198 = arith.index_cast %mul3A_190 : i32 to index
          %get3A_199 = arith.constant 16 : index
          %get3A_200 = tpu.vector_load %arg6[%get3A_197, %get3A_198, %get3A_199] {strides = array<i32>} : memref<2x1000x32xf32, #tpu.memory_space<vmem>>, vector<1x1x16xf32>,
          %get3A_201 = vector.shape_cast %get3A_200 : vector<1x1x16xf32> to vector<16xf32>
          %add3A_202 = arith.constant 1 : i32
          %add3A_203 = arith.addi %mul3A_190, %add3A_202 : i32
          %get3A_204 = arith.constant 1 : i32
          %get3A_205 = arith.index_cast %get3A_204 : i32 to index
          %get3A_206 = arith.index_cast %add3A_203 : i32 to index
          %get3A_207 = arith.constant 0 : index
          %get3A_208 = tpu.vector_load %arg6[%get3A_205, %get3A_206, %get3A_207] {strides = array<i32>} : memref<2x1000x32xf32, #tpu.memory_space<vmem>>, vector<1x1x16xf32>,
          %get3A_209 = vector.shape_cast %get3A_208 : vector<1x1x16xf32> to vector<16xf32>
          %add3A_210 = arith.addf %get3A_195, %get3A_209 : vector<16xf32>
          %add3A_211 = arith.constant 1 : i32
          %add3A_212 = arith.addi %mul3A_190, %add3A_211 : i32
          %get3A_213 = arith.constant 1 : i32
          %get3A_214 = arith.index_cast %get3A_213 : i32 to index
          %get3A_215 = arith.index_cast %add3A_212 : i32 to index
          %get3A_216 = arith.constant 16 : index
          %get3A_217 = tpu.vector_load %arg6[%get3A_214, %get3A_215, %get3A_216] {strides = array<i32>} : memref<2x1000x32xf32, #tpu.memory_space<vmem>>, vector<1x1x16xf32>,
          %get3A_218 = vector.shape_cast %get3A_217 : vector<1x1x16xf32> to vector<16xf32>
          %add3A_219 = arith.addf %get3A_201, %get3A_218 : vector<16xf32>
          %add3A_220 = arith.constant 2 : i32
          %add3A_221 = arith.addi %mul3A_190, %add3A_220 : i32
          %get3A_222 = arith.constant 1 : i32
          %get3A_223 = arith.index_cast %get3A_222 : i32 to index
          %get3A_224 = arith.index_cast %add3A_221 : i32 to index
          %get3A_225 = arith.constant 0 : index
          %get3A_226 = tpu.vector_load %arg6[%get3A_223, %get3A_224, %get3A_225] {strides = array<i32>} : memref<2x1000x32xf32, #tpu.memory_space<vmem>>, vector<1x1x16xf32>,
          %get3A_227 = vector.shape_cast %get3A_226 : vector<1x1x16xf32> to vector<16xf32>
          %add3A_228 = arith.addf %add3A_210, %get3A_227 : vector<16xf32>
          %add3A_229 = arith.constant 2 : i32
          %add3A_230 = arith.addi %mul3A_190, %add3A_229 : i32
          %get3A_231 = arith.constant 1 : i32
          %get3A_232 = arith.index_cast %get3A_231 : i32 to index
          %get3A_233 = arith.index_cast %add3A_230 : i32 to index
          %get3A_234 = arith.constant 16 : index
          %get3A_235 = tpu.vector_load %arg6[%get3A_232, %get3A_233, %get3A_234] {strides = array<i32>} : memref<2x1000x32xf32, #tpu.memory_space<vmem>>, vector<1x1x16xf32>,
          %get3A_236 = vector.shape_cast %get3A_235 : vector<1x1x16xf32> to vector<16xf32>
          %add3A_237 = arith.addf %add3A_219, %get3A_236 : vector<16xf32>
          %add3A_238 = arith.constant 3 : i32
          %add3A_239 = arith.addi %mul3A_190, %add3A_238 : i32
          %get3A_240 = arith.constant 1 : i32
          %get3A_241 = arith.index_cast %get3A_240 : i32 to index
          %get3A_242 = arith.index_cast %add3A_239 : i32 to index
          %get3A_243 = arith.constant 0 : index
          %get3A_244 = tpu.vector_load %arg6[%get3A_241, %get3A_242, %get3A_243] {strides = array<i32>} : memref<2x1000x32xf32, #tpu.memory_space<vmem>>, vector<1x1x16xf32>,
          %get3A_245 = vector.shape_cast %get3A_244 : vector<1x1x16xf32> to vector<16xf32>
          %add3A_246 = arith.addf %add3A_228, %get3A_245 : vector<16xf32>
          %add3A_247 = arith.constant 3 : i32
          %add3A_248 = arith.addi %mul3A_190, %add3A_247 : i32
          %get3A_249 = arith.constant 1 : i32
          %get3A_250 = arith.index_cast %get3A_249 : i32 to index
          %get3A_251 = arith.index_cast %add3A_248 : i32 to index
          %get3A_252 = arith.constant 16 : index
          %get3A_253 = tpu.vector_load %arg6[%get3A_250, %get3A_251, %get3A_252] {strides = array<i32>} : memref<2x1000x32xf32, #tpu.memory_space<vmem>>, vector<1x1x16xf32>,
          %get3A_254 = vector.shape_cast %get3A_253 : vector<1x1x16xf32> to vector<16xf32>
          %add3A_255 = arith.addf %add3A_237, %get3A_254 : vector<16xf32>
          %add3A_256 = arith.constant 4 : i32
          %add3A_257 = arith.addi %mul3A_190, %add3A_256 : i32
          %get3A_258 = arith.constant 1 : i32
          %get3A_259 = arith.index_cast %get3A_258 : i32 to index
          %get3A_260 = arith.index_cast %add3A_257 : i32 to index
          %get3A_261 = arith.constant 0 : index
          %get3A_262 = tpu.vector_load %arg6[%get3A_259, %get3A_260, %get3A_261] {strides = array<i32>} : memref<2x1000x32xf32, #tpu.memory_space<vmem>>, vector<1x1x16xf32>,
          %get3A_263 = vector.shape_cast %get3A_262 : vector<1x1x16xf32> to vector<16xf32>
          %add3A_264 = arith.addf %add3A_246, %get3A_263 : vector<16xf32>
          %add3A_265 = arith.constant 4 : i32
          %add3A_266 = arith.addi %mul3A_190, %add3A_265 : i32
          %get3A_267 = arith.constant 1 : i32
          %get3A_268 = arith.index_cast %get3A_267 : i32 to index
          %get3A_269 = arith.index_cast %add3A_266 : i32 to index
          %get3A_270 = arith.constant 16 : index
          %get3A_271 = tpu.vector_load %arg6[%get3A_268, %get3A_269, %get3A_270] {strides = array<i32>} : memref<2x1000x32xf32, #tpu.memory_space<vmem>>, vector<1x1x16xf32>,
          %get3A_272 = vector.shape_cast %get3A_271 : vector<1x1x16xf32> to vector<16xf32>
          %add3A_273 = arith.addf %add3A_255, %get3A_272 : vector<16xf32>
          %add3A_274 = arith.constant 5 : i32
          %add3A_275 = arith.addi %mul3A_190, %add3A_274 : i32
          %get3A_276 = arith.constant 1 : i32
          %get3A_277 = arith.index_cast %get3A_276 : i32 to index
          %get3A_278 = arith.index_cast %add3A_275 : i32 to index
          %get3A_279 = arith.constant 0 : index
          %get3A_280 = tpu.vector_load %arg6[%get3A_277, %get3A_278, %get3A_279] {strides = array<i32>} : memref<2x1000x32xf32, #tpu.memory_space<vmem>>, vector<1x1x16xf32>,
          %get3A_281 = vector.shape_cast %get3A_280 : vector<1x1x16xf32> to vector<16xf32>
          %add3A_282 = arith.addf %add3A_264, %get3A_281 : vector<16xf32>
          %add3A_283 = arith.constant 5 : i32
          %add3A_284 = arith.addi %mul3A_190, %add3A_283 : i32
          %get3A_285 = arith.constant 1 : i32
          %get3A_286 = arith.index_cast %get3A_285 : i32 to index
          %get3A_287 = arith.index_cast %add3A_284 : i32 to index
          %get3A_288 = arith.constant 16 : index
          %get3A_289 = tpu.vector_load %arg6[%get3A_286, %get3A_287, %get3A_288] {strides = array<i32>} : memref<2x1000x32xf32, #tpu.memory_space<vmem>>, vector<1x1x16xf32>,
          %get3A_290 = vector.shape_cast %get3A_289 : vector<1x1x16xf32> to vector<16xf32>
          %add3A_291 = arith.addf %add3A_273, %get3A_290 : vector<16xf32>
          %add3A_292 = arith.constant 6 : i32
          %add3A_293 = arith.addi %mul3A_190, %add3A_292 : i32
          %get3A_294 = arith.constant 1 : i32
          %get3A_295 = arith.index_cast %get3A_294 : i32 to index
          %get3A_296 = arith.index_cast %add3A_293 : i32 to index
          %get3A_297 = arith.constant 0 : index
          %get3A_298 = tpu.vector_load %arg6[%get3A_295, %get3A_296, %get3A_297] {strides = array<i32>} : memref<2x1000x32xf32, #tpu.memory_space<vmem>>, vector<1x1x16xf32>,
          %get3A_299 = vector.shape_cast %get3A_298 : vector<1x1x16xf32> to vector<16xf32>
          %add3A_300 = arith.addf %add3A_282, %get3A_299 : vector<16xf32>
          %add3A_301 = arith.constant 6 : i32
          %add3A_302 = arith.addi %mul3A_190, %add3A_301 : i32
          %get3A_303 = arith.constant 1 : i32
          %get3A_304 = arith.index_cast %get3A_303 : i32 to index
          %get3A_305 = arith.index_cast %add3A_302 : i32 to index
          %get3A_306 = arith.constant 16 : index
          %get3A_307 = tpu.vector_load %arg6[%get3A_304, %get3A_305, %get3A_306] {strides = array<i32>} : memref<2x1000x32xf32, #tpu.memory_space<vmem>>, vector<1x1x16xf32>,
          %get3A_308 = vector.shape_cast %get3A_307 : vector<1x1x16xf32> to vector<16xf32>
          %add3A_309 = arith.addf %add3A_291, %get3A_308 : vector<16xf32>
          %add3A_310 = arith.constant 7 : i32
          %add3A_311 = arith.addi %mul3A_190, %add3A_310 : i32
          %get3A_312 = arith.constant 1 : i32
          %get3A_313 = arith.index_cast %get3A_312 : i32 to index
          %get3A_314 = arith.index_cast %add3A_311 : i32 to index
          %get3A_315 = arith.constant 0 : index
          %get3A_316 = tpu.vector_load %arg6[%get3A_313, %get3A_314, %get3A_315] {strides = array<i32>} : memref<2x1000x32xf32, #tpu.memory_space<vmem>>, vector<1x1x16xf32>,
          %get3A_317 = vector.shape_cast %get3A_316 : vector<1x1x16xf32> to vector<16xf32>
          %add3A_318 = arith.addf %add3A_300, %get3A_317 : vector<16xf32>
          %add3A_319 = arith.constant 7 : i32
          %add3A_320 = arith.addi %mul3A_190, %add3A_319 : i32
          %get3A_321 = arith.constant 1 : i32
          %get3A_322 = arith.index_cast %get3A_321 : i32 to index
          %get3A_323 = arith.index_cast %add3A_320 : i32 to index
          %get3A_324 = arith.constant 16 : index
          %get3A_325 = tpu.vector_load %arg6[%get3A_322, %get3A_323, %get3A_324] {strides = array<i32>} : memref<2x1000x32xf32, #tpu.memory_space<vmem>>, vector<1x1x16xf32>,
          %get3A_326 = vector.shape_cast %get3A_325 : vector<1x1x16xf32> to vector<16xf32>
          %add3A_327 = arith.addf %add3A_309, %get3A_326 : vector<16xf32>
          %add3A_328 = arith.constant 8 : i32
          %add3A_329 = arith.addi %mul3A_190, %add3A_328 : i32
          %get3A_330 = arith.constant 1 : i32
          %get3A_331 = arith.index_cast %get3A_330 : i32 to index
          %get3A_332 = arith.index_cast %add3A_329 : i32 to index
          %get3A_333 = arith.constant 0 : index
          %get3A_334 = tpu.vector_load %arg6[%get3A_331, %get3A_332, %get3A_333] {strides = array<i32>} : memref<2x1000x32xf32, #tpu.memory_space<vmem>>, vector<1x1x16xf32>,
          %get3A_335 = vector.shape_cast %get3A_334 : vector<1x1x16xf32> to vector<16xf32>
          %add3A_336 = arith.addf %add3A_318, %get3A_335 : vector<16xf32>
          %add3A_337 = arith.constant 8 : i32
          %add3A_338 = arith.addi %mul3A_190, %add3A_337 : i32
          %get3A_339 = arith.constant 1 : i32
          %get3A_340 = arith.index_cast %get3A_339 : i32 to index
          %get3A_341 = arith.index_cast %add3A_338 : i32 to index
          %get3A_342 = arith.constant 16 : index
          %get3A_343 = tpu.vector_load %arg6[%get3A_340, %get3A_341, %get3A_342] {strides = array<i32>} : memref<2x1000x32xf32, #tpu.memory_space<vmem>>, vector<1x1x16xf32>,
          %get3A_344 = vector.shape_cast %get3A_343 : vector<1x1x16xf32> to vector<16xf32>
          %add3A_345 = arith.addf %add3A_327, %get3A_344 : vector<16xf32>
          %add3A_346 = arith.constant 9 : i32
          %add3A_347 = arith.addi %mul3A_190, %add3A_346 : i32
          %get3A_348 = arith.constant 1 : i32
          %get3A_349 = arith.index_cast %get3A_348 : i32 to index
          %get3A_350 = arith.index_cast %add3A_347 : i32 to index
          %get3A_351 = arith.constant 0 : index
          %get3A_352 = tpu.vector_load %arg6[%get3A_349, %get3A_350, %get3A_351] {strides = array<i32>} : memref<2x1000x32xf32, #tpu.memory_space<vmem>>, vector<1x1x16xf32>,
          %get3A_353 = vector.shape_cast %get3A_352 : vector<1x1x16xf32> to vector<16xf32>
          %add3A_354 = arith.addf %add3A_336, %get3A_353 : vector<16xf32>
          %add3A_355 = arith.constant 9 : i32
          %add3A_356 = arith.addi %mul3A_190, %add3A_355 : i32
          %get3A_357 = arith.constant 1 : i32
          %get3A_358 = arith.index_cast %get3A_357 : i32 to index
          %get3A_359 = arith.index_cast %add3A_356 : i32 to index
          %get3A_360 = arith.constant 16 : index
          %get3A_361 = tpu.vector_load %arg6[%get3A_358, %get3A_359, %get3A_360] {strides = array<i32>} : memref<2x1000x32xf32, #tpu.memory_space<vmem>>, vector<1x1x16xf32>,
          %get3A_362 = vector.shape_cast %get3A_361 : vector<1x1x16xf32> to vector<16xf32>
          %add3A_363 = arith.addf %add3A_345, %get3A_362 : vector<16xf32>
          %add3A_364 = arith.constant 10 : i32
          %add3A_365 = arith.addi %mul3A_190, %add3A_364 : i32
          %get3A_366 = arith.constant 1 : i32
          %get3A_367 = arith.index_cast %get3A_366 : i32 to index
          %get3A_368 = arith.index_cast %add3A_365 : i32 to index
          %get3A_369 = arith.constant 0 : index
          %get3A_370 = tpu.vector_load %arg6[%get3A_367, %get3A_368, %get3A_369] {strides = array<i32>} : memref<2x1000x32xf32, #tpu.memory_space<vmem>>, vector<1x1x16xf32>,
          %get3A_371 = vector.shape_cast %get3A_370 : vector<1x1x16xf32> to vector<16xf32>
          %add3A_372 = arith.addf %add3A_354, %get3A_371 : vector<16xf32>
          %add3A_373 = arith.constant 10 : i32
          %add3A_374 = arith.addi %mul3A_190, %add3A_373 : i32
          %get3A_375 = arith.constant 1 : i32
          %get3A_376 = arith.index_cast %get3A_375 : i32 to index
          %get3A_377 = arith.index_cast %add3A_374 : i32 to index
          %get3A_378 = arith.constant 16 : index
          %get3A_379 = tpu.vector_load %arg6[%get3A_376, %get3A_377, %get3A_378] {strides = array<i32>} : memref<2x1000x32xf32, #tpu.memory_space<vmem>>, vector<1x1x16xf32>,
          %get3A_380 = vector.shape_cast %get3A_379 : vector<1x1x16xf32> to vector<16xf32>
          %add3A_381 = arith.addf %add3A_363, %get3A_380 : vector<16xf32>
          %add3A_382 = arith.constant 11 : i32
          %add3A_383 = arith.addi %mul3A_190, %add3A_382 : i32
          %get3A_384 = arith.constant 1 : i32
          %get3A_385 = arith.index_cast %get3A_384 : i32 to index
          %get3A_386 = arith.index_cast %add3A_383 : i32 to index
          %get3A_387 = arith.constant 0 : index
          %get3A_388 = tpu.vector_load %arg6[%get3A_385, %get3A_386, %get3A_387] {strides = array<i32>} : memref<2x1000x32xf32, #tpu.memory_space<vmem>>, vector<1x1x16xf32>,
          %get3A_389 = vector.shape_cast %get3A_388 : vector<1x1x16xf32> to vector<16xf32>
          %add3A_390 = arith.addf %add3A_372, %get3A_389 : vector<16xf32>
          %add3A_391 = arith.constant 11 : i32
          %add3A_392 = arith.addi %mul3A_190, %add3A_391 : i32
          %get3A_393 = arith.constant 1 : i32
          %get3A_394 = arith.index_cast %get3A_393 : i32 to index
          %get3A_395 = arith.index_cast %add3A_392 : i32 to index
          %get3A_396 = arith.constant 16 : index
          %get3A_397 = tpu.vector_load %arg6[%get3A_394, %get3A_395, %get3A_396] {strides = array<i32>} : memref<2x1000x32xf32, #tpu.memory_space<vmem>>, vector<1x1x16xf32>,
          %get3A_398 = vector.shape_cast %get3A_397 : vector<1x1x16xf32> to vector<16xf32>
          %add3A_399 = arith.addf %add3A_381, %get3A_398 : vector<16xf32>
          %add3A_400 = arith.constant 12 : i32
          %add3A_401 = arith.addi %mul3A_190, %add3A_400 : i32
          %get3A_402 = arith.constant 1 : i32
          %get3A_403 = arith.index_cast %get3A_402 : i32 to index
          %get3A_404 = arith.index_cast %add3A_401 : i32 to index
          %get3A_405 = arith.constant 0 : index
          %get3A_406 = tpu.vector_load %arg6[%get3A_403, %get3A_404, %get3A_405] {strides = array<i32>} : memref<2x1000x32xf32, #tpu.memory_space<vmem>>, vector<1x1x16xf32>,
          %get3A_407 = vector.shape_cast %get3A_406 : vector<1x1x16xf32> to vector<16xf32>
          %add3A_408 = arith.addf %add3A_390, %get3A_407 : vector<16xf32>
          %add3A_409 = arith.constant 12 : i32
          %add3A_410 = arith.addi %mul3A_190, %add3A_409 : i32
          %get3A_411 = arith.constant 1 : i32
          %get3A_412 = arith.index_cast %get3A_411 : i32 to index
          %get3A_413 = arith.index_cast %add3A_410 : i32 to index
          %get3A_414 = arith.constant 16 : index
          %get3A_415 = tpu.vector_load %arg6[%get3A_412, %get3A_413, %get3A_414] {strides = array<i32>} : memref<2x1000x32xf32, #tpu.memory_space<vmem>>, vector<1x1x16xf32>,
          %get3A_416 = vector.shape_cast %get3A_415 : vector<1x1x16xf32> to vector<16xf32>
          %add3A_417 = arith.addf %add3A_399, %get3A_416 : vector<16xf32>
          %add3A_418 = arith.constant 13 : i32
          %add3A_419 = arith.addi %mul3A_190, %add3A_418 : i32
          %get3A_420 = arith.constant 1 : i32
          %get3A_421 = arith.index_cast %get3A_420 : i32 to index
          %get3A_422 = arith.index_cast %add3A_419 : i32 to index
          %get3A_423 = arith.constant 0 : index
          %get3A_424 = tpu.vector_load %arg6[%get3A_421, %get3A_422, %get3A_423] {strides = array<i32>} : memref<2x1000x32xf32, #tpu.memory_space<vmem>>, vector<1x1x16xf32>,
          %get3A_425 = vector.shape_cast %get3A_424 : vector<1x1x16xf32> to vector<16xf32>
          %add3A_426 = arith.addf %add3A_408, %get3A_425 : vector<16xf32>
          %add3A_427 = arith.constant 13 : i32
          %add3A_428 = arith.addi %mul3A_190, %add3A_427 : i32
          %get3A_429 = arith.constant 1 : i32
          %get3A_430 = arith.index_cast %get3A_429 : i32 to index
          %get3A_431 = arith.index_cast %add3A_428 : i32 to index
          %get3A_432 = arith.constant 16 : index
          %get3A_433 = tpu.vector_load %arg6[%get3A_430, %get3A_431, %get3A_432] {strides = array<i32>} : memref<2x1000x32xf32, #tpu.memory_space<vmem>>, vector<1x1x16xf32>,
          %get3A_434 = vector.shape_cast %get3A_433 : vector<1x1x16xf32> to vector<16xf32>
          %add3A_435 = arith.addf %add3A_417, %get3A_434 : vector<16xf32>
          %add3A_436 = arith.constant 14 : i32
          %add3A_437 = arith.addi %mul3A_190, %add3A_436 : i32
          %get3A_438 = arith.constant 1 : i32
          %get3A_439 = arith.index_cast %get3A_438 : i32 to index
          %get3A_440 = arith.index_cast %add3A_437 : i32 to index
          %get3A_441 = arith.constant 0 : index
          %get3A_442 = tpu.vector_load %arg6[%get3A_439, %get3A_440, %get3A_441] {strides = array<i32>} : memref<2x1000x32xf32, #tpu.memory_space<vmem>>, vector<1x1x16xf32>,
          %get3A_443 = vector.shape_cast %get3A_442 : vector<1x1x16xf32> to vector<16xf32>
          %add3A_444 = arith.addf %add3A_426, %get3A_443 : vector<16xf32>
          %add3A_445 = arith.constant 14 : i32
          %add3A_446 = arith.addi %mul3A_190, %add3A_445 : i32
          %get3A_447 = arith.constant 1 : i32
          %get3A_448 = arith.index_cast %get3A_447 : i32 to index
          %get3A_449 = arith.index_cast %add3A_446 : i32 to index
          %get3A_450 = arith.constant 16 : index
          %get3A_451 = tpu.vector_load %arg6[%get3A_448, %get3A_449, %get3A_450] {strides = array<i32>} : memref<2x1000x32xf32, #tpu.memory_space<vmem>>, vector<1x1x16xf32>,
          %get3A_452 = vector.shape_cast %get3A_451 : vector<1x1x16xf32> to vector<16xf32>
          %add3A_453 = arith.addf %add3A_435, %get3A_452 : vector<16xf32>
          %add3A_454 = arith.constant 15 : i32
          %add3A_455 = arith.addi %mul3A_190, %add3A_454 : i32
          %get3A_456 = arith.constant 1 : i32
          %get3A_457 = arith.index_cast %get3A_456 : i32 to index
          %get3A_458 = arith.index_cast %add3A_455 : i32 to index
          %get3A_459 = arith.constant 0 : index
          %get3A_460 = tpu.vector_load %arg6[%get3A_457, %get3A_458, %get3A_459] {strides = array<i32>} : memref<2x1000x32xf32, #tpu.memory_space<vmem>>, vector<1x1x16xf32>,
          %get3A_461 = vector.shape_cast %get3A_460 : vector<1x1x16xf32> to vector<16xf32>
          %add3A_462 = arith.addf %add3A_444, %get3A_461 : vector<16xf32>
          %add3A_463 = arith.constant 15 : i32
          %add3A_464 = arith.addi %mul3A_190, %add3A_463 : i32
          %get3A_465 = arith.constant 1 : i32
          %get3A_466 = arith.index_cast %get3A_465 : i32 to index
          %get3A_467 = arith.index_cast %add3A_464 : i32 to index
          %get3A_468 = arith.constant 16 : index
          %get3A_469 = tpu.vector_load %arg6[%get3A_466, %get3A_467, %get3A_468] {strides = array<i32>} : memref<2x1000x32xf32, #tpu.memory_space<vmem>>, vector<1x1x16xf32>,
          %get3A_470 = vector.shape_cast %get3A_469 : vector<1x1x16xf32> to vector<16xf32>
          %add3A_471 = arith.addf %add3A_453, %get3A_470 : vector<16xf32>
          %add3A_472 = arith.constant 16 : i32
          %add3A_473 = arith.addi %mul3A_190, %add3A_472 : i32
          %get3A_474 = arith.constant 1 : i32
          %get3A_475 = arith.index_cast %get3A_474 : i32 to index
          %get3A_476 = arith.index_cast %add3A_473 : i32 to index
          %get3A_477 = arith.constant 0 : index
          %get3A_478 = tpu.vector_load %arg6[%get3A_475, %get3A_476, %get3A_477] {strides = array<i32>} : memref<2x1000x32xf32, #tpu.memory_space<vmem>>, vector<1x1x16xf32>,
          %get3A_479 = vector.shape_cast %get3A_478 : vector<1x1x16xf32> to vector<16xf32>
          %add3A_480 = arith.addf %add3A_462, %get3A_479 : vector<16xf32>
          %add3A_481 = arith.constant 16 : i32
          %add3A_482 = arith.addi %mul3A_190, %add3A_481 : i32
          %get3A_483 = arith.constant 1 : i32
          %get3A_484 = arith.index_cast %get3A_483 : i32 to index
          %get3A_485 = arith.index_cast %add3A_482 : i32 to index
          %get3A_486 = arith.constant 16 : index
          %get3A_487 = tpu.vector_load %arg6[%get3A_484, %get3A_485, %get3A_486] {strides = array<i32>} : memref<2x1000x32xf32, #tpu.memory_space<vmem>>, vector<1x1x16xf32>,
          %get3A_488 = vector.shape_cast %get3A_487 : vector<1x1x16xf32> to vector<16xf32>
          %add3A_489 = arith.addf %add3A_471, %get3A_488 : vector<16xf32>
          %add3A_490 = arith.constant 17 : i32
          %add3A_491 = arith.addi %mul3A_190, %add3A_490 : i32
          %get3A_492 = arith.constant 1 : i32
          %get3A_493 = arith.index_cast %get3A_492 : i32 to index
          %get3A_494 = arith.index_cast %add3A_491 : i32 to index
          %get3A_495 = arith.constant 0 : index
          %get3A_496 = tpu.vector_load %arg6[%get3A_493, %get3A_494, %get3A_495] {strides = array<i32>} : memref<2x1000x32xf32, #tpu.memory_space<vmem>>, vector<1x1x16xf32>,
          %get3A_497 = vector.shape_cast %get3A_496 : vector<1x1x16xf32> to vector<16xf32>
          %add3A_498 = arith.addf %add3A_480, %get3A_497 : vector<16xf32>
          %add3A_499 = arith.constant 17 : i32
          %add3A_500 = arith.addi %mul3A_190, %add3A_499 : i32
          %get3A_501 = arith.constant 1 : i32
          %get3A_502 = arith.index_cast %get3A_501 : i32 to index
          %get3A_503 = arith.index_cast %add3A_500 : i32 to index
          %get3A_504 = arith.constant 16 : index
          %get3A_505 = tpu.vector_load %arg6[%get3A_502, %get3A_503, %get3A_504] {strides = array<i32>} : memref<2x1000x32xf32, #tpu.memory_space<vmem>>, vector<1x1x16xf32>,
          %get3A_506 = vector.shape_cast %get3A_505 : vector<1x1x16xf32> to vector<16xf32>
          %add3A_507 = arith.addf %add3A_489, %get3A_506 : vector<16xf32>
          %add3A_508 = arith.constant 18 : i32
          %add3A_509 = arith.addi %mul3A_190, %add3A_508 : i32
          %get3A_510 = arith.constant 1 : i32
          %get3A_511 = arith.index_cast %get3A_510 : i32 to index
          %get3A_512 = arith.index_cast %add3A_509 : i32 to index
          %get3A_513 = arith.constant 0 : index
          %get3A_514 = tpu.vector_load %arg6[%get3A_511, %get3A_512, %get3A_513] {strides = array<i32>} : memref<2x1000x32xf32, #tpu.memory_space<vmem>>, vector<1x1x16xf32>,
          %get3A_515 = vector.shape_cast %get3A_514 : vector<1x1x16xf32> to vector<16xf32>
          %add3A_516 = arith.addf %add3A_498, %get3A_515 : vector<16xf32>
          %add3A_517 = arith.constant 18 : i32
          %add3A_518 = arith.addi %mul3A_190, %add3A_517 : i32
          %get3A_519 = arith.constant 1 : i32
          %get3A_520 = arith.index_cast %get3A_519 : i32 to index
          %get3A_521 = arith.index_cast %add3A_518 : i32 to index
          %get3A_522 = arith.constant 16 : index
          %get3A_523 = tpu.vector_load %arg6[%get3A_520, %get3A_521, %get3A_522] {strides = array<i32>} : memref<2x1000x32xf32, #tpu.memory_space<vmem>>, vector<1x1x16xf32>,
          %get3A_524 = vector.shape_cast %get3A_523 : vector<1x1x16xf32> to vector<16xf32>
          %add3A_525 = arith.addf %add3A_507, %get3A_524 : vector<16xf32>
          %add3A_526 = arith.constant 19 : i32
          %add3A_527 = arith.addi %mul3A_190, %add3A_526 : i32
          %get3A_528 = arith.constant 1 : i32
          %get3A_529 = arith.index_cast %get3A_528 : i32 to index
          %get3A_530 = arith.index_cast %add3A_527 : i32 to index
          %get3A_531 = arith.constant 0 : index
          %get3A_532 = tpu.vector_load %arg6[%get3A_529, %get3A_530, %get3A_531] {strides = array<i32>} : memref<2x1000x32xf32, #tpu.memory_space<vmem>>, vector<1x1x16xf32>,
          %get3A_533 = vector.shape_cast %get3A_532 : vector<1x1x16xf32> to vector<16xf32>
          %add3A_534 = arith.addf %add3A_516, %get3A_533 : vector<16xf32>
          %add3A_535 = arith.constant 19 : i32
          %add3A_536 = arith.addi %mul3A_190, %add3A_535 : i32
          %get3A_537 = arith.constant 1 : i32
          %get3A_538 = arith.index_cast %get3A_537 : i32 to index
          %get3A_539 = arith.index_cast %add3A_536 : i32 to index
          %get3A_540 = arith.constant 16 : index
          %get3A_541 = tpu.vector_load %arg6[%get3A_538, %get3A_539, %get3A_540] {strides = array<i32>} : memref<2x1000x32xf32, #tpu.memory_space<vmem>>, vector<1x1x16xf32>,
          %get3A_542 = vector.shape_cast %get3A_541 : vector<1x1x16xf32> to vector<16xf32>
          %add3A_543 = arith.addf %add3A_525, %get3A_542 : vector<16xf32>
          %add3A_544 = arith.constant 20 : i32
          %add3A_545 = arith.addi %mul3A_190, %add3A_544 : i32
          %get3A_546 = arith.constant 1 : i32
          %get3A_547 = arith.index_cast %get3A_546 : i32 to index
          %get3A_548 = arith.index_cast %add3A_545 : i32 to index
          %get3A_549 = arith.constant 0 : index
          %get3A_550 = tpu.vector_load %arg6[%get3A_547, %get3A_548, %get3A_549] {strides = array<i32>} : memref<2x1000x32xf32, #tpu.memory_space<vmem>>, vector<1x1x16xf32>,
          %get3A_551 = vector.shape_cast %get3A_550 : vector<1x1x16xf32> to vector<16xf32>
          %add3A_552 = arith.addf %add3A_534, %get3A_551 : vector<16xf32>
          %add3A_553 = arith.constant 20 : i32
          %add3A_554 = arith.addi %mul3A_190, %add3A_553 : i32
          %get3A_555 = arith.constant 1 : i32
          %get3A_556 = arith.index_cast %get3A_555 : i32 to index
          %get3A_557 = arith.index_cast %add3A_554 : i32 to index
          %get3A_558 = arith.constant 16 : index
          %get3A_559 = tpu.vector_load %arg6[%get3A_556, %get3A_557, %get3A_558] {strides = array<i32>} : memref<2x1000x32xf32, #tpu.memory_space<vmem>>, vector<1x1x16xf32>,
          %get3A_560 = vector.shape_cast %get3A_559 : vector<1x1x16xf32> to vector<16xf32>
          %add3A_561 = arith.addf %add3A_543, %get3A_560 : vector<16xf32>
          %add3A_562 = arith.constant 21 : i32
          %add3A_563 = arith.addi %mul3A_190, %add3A_562 : i32
          %get3A_564 = arith.constant 1 : i32
          %get3A_565 = arith.index_cast %get3A_564 : i32 to index
          %get3A_566 = arith.index_cast %add3A_563 : i32 to index
          %get3A_567 = arith.constant 0 : index
          %get3A_568 = tpu.vector_load %arg6[%get3A_565, %get3A_566, %get3A_567] {strides = array<i32>} : memref<2x1000x32xf32, #tpu.memory_space<vmem>>, vector<1x1x16xf32>,
          %get3A_569 = vector.shape_cast %get3A_568 : vector<1x1x16xf32> to vector<16xf32>
          %add3A_570 = arith.addf %add3A_552, %get3A_569 : vector<16xf32>
          %add3A_571 = arith.constant 21 : i32
          %add3A_572 = arith.addi %mul3A_190, %add3A_571 : i32
          %get3A_573 = arith.constant 1 : i32
          %get3A_574 = arith.index_cast %get3A_573 : i32 to index
          %get3A_575 = arith.index_cast %add3A_572 : i32 to index
          %get3A_576 = arith.constant 16 : index
          %get3A_577 = tpu.vector_load %arg6[%get3A_574, %get3A_575, %get3A_576] {strides = array<i32>} : memref<2x1000x32xf32, #tpu.memory_space<vmem>>, vector<1x1x16xf32>,
          %get3A_578 = vector.shape_cast %get3A_577 : vector<1x1x16xf32> to vector<16xf32>
          %add3A_579 = arith.addf %add3A_561, %get3A_578 : vector<16xf32>
          %add3A_580 = arith.constant 22 : i32
          %add3A_581 = arith.addi %mul3A_190, %add3A_580 : i32
          %get3A_582 = arith.constant 1 : i32
          %get3A_583 = arith.index_cast %get3A_582 : i32 to index
          %get3A_584 = arith.index_cast %add3A_581 : i32 to index
          %get3A_585 = arith.constant 0 : index
          %get3A_586 = tpu.vector_load %arg6[%get3A_583, %get3A_584, %get3A_585] {strides = array<i32>} : memref<2x1000x32xf32, #tpu.memory_space<vmem>>, vector<1x1x16xf32>,
          %get3A_587 = vector.shape_cast %get3A_586 : vector<1x1x16xf32> to vector<16xf32>
          %add3A_588 = arith.addf %add3A_570, %get3A_587 : vector<16xf32>
          %add3A_589 = arith.constant 22 : i32
          %add3A_590 = arith.addi %mul3A_190, %add3A_589 : i32
          %get3A_591 = arith.constant 1 : i32
          %get3A_592 = arith.index_cast %get3A_591 : i32 to index
          %get3A_593 = arith.index_cast %add3A_590 : i32 to index
          %get3A_594 = arith.constant 16 : index
          %get3A_595 = tpu.vector_load %arg6[%get3A_592, %get3A_593, %get3A_594] {strides = array<i32>} : memref<2x1000x32xf32, #tpu.memory_space<vmem>>, vector<1x1x16xf32>,
          %get3A_596 = vector.shape_cast %get3A_595 : vector<1x1x16xf32> to vector<16xf32>
          %add3A_597 = arith.addf %add3A_579, %get3A_596 : vector<16xf32>
          %add3A_598 = arith.constant 23 : i32
          %add3A_599 = arith.addi %mul3A_190, %add3A_598 : i32
          %get3A_600 = arith.constant 1 : i32
          %get3A_601 = arith.index_cast %get3A_600 : i32 to index
          %get3A_602 = arith.index_cast %add3A_599 : i32 to index
          %get3A_603 = arith.constant 0 : index
          %get3A_604 = tpu.vector_load %arg6[%get3A_601, %get3A_602, %get3A_603] {strides = array<i32>} : memref<2x1000x32xf32, #tpu.memory_space<vmem>>, vector<1x1x16xf32>,
          %get3A_605 = vector.shape_cast %get3A_604 : vector<1x1x16xf32> to vector<16xf32>
          %add3A_606 = arith.addf %add3A_588, %get3A_605 : vector<16xf32>
          %add3A_607 = arith.constant 23 : i32
          %add3A_608 = arith.addi %mul3A_190, %add3A_607 : i32
          %get3A_609 = arith.constant 1 : i32
          %get3A_610 = arith.index_cast %get3A_609 : i32 to index
          %get3A_611 = arith.index_cast %add3A_608 : i32 to index
          %get3A_612 = arith.constant 16 : index
          %get3A_613 = tpu.vector_load %arg6[%get3A_610, %get3A_611, %get3A_612] {strides = array<i32>} : memref<2x1000x32xf32, #tpu.memory_space<vmem>>, vector<1x1x16xf32>,
          %get3A_614 = vector.shape_cast %get3A_613 : vector<1x1x16xf32> to vector<16xf32>
          %add3A_615 = arith.addf %add3A_597, %get3A_614 : vector<16xf32>
          %add3A_616 = arith.constant 24 : i32
          %add3A_617 = arith.addi %mul3A_190, %add3A_616 : i32
          %get3A_618 = arith.constant 1 : i32
          %get3A_619 = arith.index_cast %get3A_618 : i32 to index
          %get3A_620 = arith.index_cast %add3A_617 : i32 to index
          %get3A_621 = arith.constant 0 : index
          %get3A_622 = tpu.vector_load %arg6[%get3A_619, %get3A_620, %get3A_621] {strides = array<i32>} : memref<2x1000x32xf32, #tpu.memory_space<vmem>>, vector<1x1x16xf32>,
          %get3A_623 = vector.shape_cast %get3A_622 : vector<1x1x16xf32> to vector<16xf32>
          %add3A_624 = arith.addf %add3A_606, %get3A_623 : vector<16xf32>
          %add3A_625 = arith.constant 24 : i32
          %add3A_626 = arith.addi %mul3A_190, %add3A_625 : i32
          %get3A_627 = arith.constant 1 : i32
          %get3A_628 = arith.index_cast %get3A_627 : i32 to index
          %get3A_629 = arith.index_cast %add3A_626 : i32 to index
          %get3A_630 = arith.constant 16 : index
          %get3A_631 = tpu.vector_load %arg6[%get3A_628, %get3A_629, %get3A_630] {strides = array<i32>} : memref<2x1000x32xf32, #tpu.memory_space<vmem>>, vector<1x1x16xf32>,
          %get3A_632 = vector.shape_cast %get3A_631 : vector<1x1x16xf32> to vector<16xf32>
          %add3A_633 = arith.addf %add3A_615, %get3A_632 : vector<16xf32>
          %mul3A_634 = arith.constant 32 : i32
          %mul3A_635 = arith.muli %scan3A_188, %mul3A_634 : i32
          %multiple_of3A_636 = tpu.assume_multiple %mul3A_635, 8 : i32
          %swap3A = arith.constant 1 : i32
          %swap3A_637 = arith.index_cast %swap3A : i32 to index
          %swap3A_638 = arith.index_cast %multiple_of3A_636 : i32 to index
          %swap3A_639 = tpu.vector_load %arg7[%swap3A_637, %swap3A_638] {strides = array<i32>} : memref<2x1280xf32, #tpu.memory_space<vmem>>, vector<1x16xf32>,
          %swap3A_640 = vector.shape_cast %swap3A_639 : vector<1x16xf32> to vector<16xf32>
          %swap3A_641 = vector.shape_cast %add3A_624 : vector<16xf32> to vector<1x16xf32>
          tpu.vector_store %arg7[%swap3A_637, %swap3A_638], %swap3A_641 {strides = array<i32>} : memref<2x1280xf32, #tpu.memory_space<vmem>>, vector<1x16xf32>,
          %add3A_642 = arith.constant 16 : i32
          %add3A_643 = arith.addi %multiple_of3A_636, %add3A_642 : i32
          %swap3A_644 = arith.constant 1 : i32
          %swap3A_645 = arith.index_cast %swap3A_644 : i32 to index
          %swap3A_646 = arith.index_cast %add3A_643 : i32 to index
          %swap3A_647 = tpu.vector_load %arg7[%swap3A_645, %swap3A_646] {strides = array<i32>} : memref<2x1280xf32, #tpu.memory_space<vmem>>, vector<1x16xf32>,
          %swap3A_648 = vector.shape_cast %swap3A_647 : vector<1x16xf32> to vector<16xf32>
          %swap3A_649 = vector.shape_cast %add3A_633 : vector<16xf32> to vector<1x16xf32>
          tpu.vector_store %arg7[%swap3A_645, %swap3A_646], %swap3A_649 {strides = array<i32>} : memref<2x1280xf32, #tpu.memory_space<vmem>>, vector<1x16xf32>,
        }
        %scan3A_174 = arith.constant 40 : i32
        %mul3A_175 = arith.constant 32 : i32
        %mul3A_176 = arith.muli %add3A_109, %mul3A_175 : i32
        %add3A_177 = arith.addi %add3A, %mul3A_176 : i32
        %mul3A_178 = arith.constant 1280 : i32
        %mul3A_179 = arith.muli %add3A_177, %mul3A_178 : i32
        %multiple_of3A = tpu.assume_multiple %mul3A_179, 8 : i32
        %dma_start3A = arith.constant 1 : i32
        %dma_start3A_180 = arith.constant 0 : i32
        %dma_start3A_181 = tpu.memref_slice %arg7[%dma_start3A, %dma_start3A_180] : memref<2x1280xf32, #tpu.memory_space<vmem>> -> memref<1x1280xf32, #tpu.memory_space<vmem>>
        %dma_start3A_182 = tpu.memref_squeeze %dma_start3A_181 : memref<1x1280xf32, #tpu.memory_space<vmem>> -> memref<1280xf32, #tpu.memory_space<vmem>>
        %dma_start3A_183 = tpu.memref_slice %arg4[%multiple_of3A] : memref<3200000xf32, #tpu.memory_space<hbm>> -> memref<1280xf32, #tpu.memory_space<hbm>>
        %dma_start3A_184 = tpu.memref_slice %arg4[%multiple_of3A] : memref<3200000xf32, #tpu.memory_space<hbm>> -> memref<1280xf32, #tpu.memory_space<hbm>>
        %dma_start3A_185 = arith.constant 0 : i32
        %dma_start3A_186 = tpu.memref_slice %arg7[%dma_start3A, %dma_start3A_185] : memref<2x1280xf32, #tpu.memory_space<vmem>> -> memref<1x1280xf32, #tpu.memory_space<vmem>>
        %dma_start3A_187 = tpu.memref_squeeze %dma_start3A_186 : memref<1x1280xf32, #tpu.memory_space<vmem>> -> memref<1280xf32, #tpu.memory_space<vmem>>
        tpu.enqueue_dma source(%dma_start3A_187 : memref<1280xf32, #tpu.memory_space<vmem>>) target(%dma_start3A_184 : memref<1280xf32, #tpu.memory_space<hbm>>) target_semaphore(%arg13 : memref<!tpu.dma_semaphore, #tpu.memory_space<semaphore_mem>>)
      } else {
      }
    }
    %scan3A_30 = arith.constant 40 : i32
    %add3A_31 = arith.constant 2496 : i32
    %add3A_32 = arith.addi %add3A, %add3A_31 : i32
    %lt3A_33 = arith.constant 2500 : i32
    %lt3A_34 = arith.cmpi slt, %add3A_32, %lt3A_33 : i32
    %convert_element_type3A_35 = arith.extui %lt3A_34 : i1 to i32
    %cond3A_36 = arith.constant 0 : i32
    %cond3A_37 = arith.cmpi ne, %convert_element_type3A_35, %cond3A_36 : i32
    scf.if %cond3A_37 {
      %add3A_45 = arith.constant 2496 : i32
      %add3A_46 = arith.addi %add3A, %add3A_45 : i32
      %mul3A_47 = arith.constant 1280 : i32
      %mul3A_48 = arith.muli %add3A_46, %mul3A_47 : i32
      %multiple_of3A = tpu.assume_multiple %mul3A_48, 8 : i32
      %dma_wait3A = arith.constant 0 : i32
      %dma_wait3A_49 = arith.constant 0 : i32
      %dma_wait3A_50 = tpu.memref_slice %arg7[%dma_wait3A, %dma_wait3A_49] : memref<2x1280xf32, #tpu.memory_space<vmem>> -> memref<1x1280xf32, #tpu.memory_space<vmem>>
      %dma_wait3A_51 = tpu.memref_squeeze %dma_wait3A_50 : memref<1x1280xf32, #tpu.memory_space<vmem>> -> memref<1280xf32, #tpu.memory_space<vmem>>
      %dma_wait3A_52 = tpu.memref_slice %arg4[%multiple_of3A] : memref<3200000xf32, #tpu.memory_space<hbm>> -> memref<1280xf32, #tpu.memory_space<hbm>>
      %dma_wait3A_53 = tpu.memref_slice %arg4[%multiple_of3A] : memref<3200000xf32, #tpu.memory_space<hbm>> -> memref<1280xf32, #tpu.memory_space<hbm>>
      %dma_wait3A_54 = arith.constant 0 : i32
      %dma_wait3A_55 = tpu.memref_slice %arg7[%dma_wait3A, %dma_wait3A_54] : memref<2x1280xf32, #tpu.memory_space<vmem>> -> memref<1x1280xf32, #tpu.memory_space<vmem>>
      %dma_wait3A_56 = tpu.memref_squeeze %dma_wait3A_55 : memref<1x1280xf32, #tpu.memory_space<vmem>> -> memref<1280xf32, #tpu.memory_space<vmem>>
      tpu.wait_dma2 semaphore(%arg12 : memref<!tpu.dma_semaphore, #tpu.memory_space<semaphore_mem>>) src(%dma_wait3A_56 : memref<1280xf32, #tpu.memory_space<vmem>>) dst(%dma_wait3A_53 : memref<1280xf32, #tpu.memory_space<hbm>>)
    } else {
    }
    %add3A_38 = arith.constant 2528 : i32
    %add3A_39 = arith.addi %add3A, %add3A_38 : i32
    %lt3A_40 = arith.constant 2500 : i32
    %lt3A_41 = arith.cmpi slt, %add3A_39, %lt3A_40 : i32
    %convert_element_type3A_42 = arith.extui %lt3A_41 : i1 to i32
    %cond3A_43 = arith.constant 0 : i32
    %cond3A_44 = arith.cmpi ne, %convert_element_type3A_42, %cond3A_43 : i32
    scf.if %cond3A_44 {
      %add3A_45 = arith.constant 2528 : i32
      %add3A_46 = arith.addi %add3A, %add3A_45 : i32
      %mul3A_47 = arith.constant 1280 : i32
      %mul3A_48 = arith.muli %add3A_46, %mul3A_47 : i32
      %multiple_of3A = tpu.assume_multiple %mul3A_48, 8 : i32
      %dma_wait3A = arith.constant 1 : i32
      %dma_wait3A_49 = arith.constant 0 : i32
      %dma_wait3A_50 = tpu.memref_slice %arg7[%dma_wait3A, %dma_wait3A_49] : memref<2x1280xf32, #tpu.memory_space<vmem>> -> memref<1x1280xf32, #tpu.memory_space<vmem>>
      %dma_wait3A_51 = tpu.memref_squeeze %dma_wait3A_50 : memref<1x1280xf32, #tpu.memory_space<vmem>> -> memref<1280xf32, #tpu.memory_space<vmem>>
      %dma_wait3A_52 = tpu.memref_slice %arg4[%multiple_of3A] : memref<3200000xf32, #tpu.memory_space<hbm>> -> memref<1280xf32, #tpu.memory_space<hbm>>
      %dma_wait3A_53 = tpu.memref_slice %arg4[%multiple_of3A] : memref<3200000xf32, #tpu.memory_space<hbm>> -> memref<1280xf32, #tpu.memory_space<hbm>>
      %dma_wait3A_54 = arith.constant 0 : i32
      %dma_wait3A_55 = tpu.memref_slice %arg7[%dma_wait3A, %dma_wait3A_54] : memref<2x1280xf32, #tpu.memory_space<vmem>> -> memref<1x1280xf32, #tpu.memory_space<vmem>>
      %dma_wait3A_56 = tpu.memref_squeeze %dma_wait3A_55 : memref<1x1280xf32, #tpu.memory_space<vmem>> -> memref<1280xf32, #tpu.memory_space<vmem>>
      tpu.wait_dma2 semaphore(%arg13 : memref<!tpu.dma_semaphore, #tpu.memory_space<semaphore_mem>>) src(%dma_wait3A_56 : memref<1280xf32, #tpu.memory_space<vmem>>) dst(%dma_wait3A_53 : memref<1280xf32, #tpu.memory_space<hbm>>)
    } else {
    }
    return
  }
}

#map = affine_map<(d0, d1) -> (0, 0)>
#map1 = affine_map<(d0, d1) -> (0)>
module attributes {stable_mosaic.version = 14 : i64} {
  func.func @gsum(%arg0: i32, %arg1: i32, %arg2: memref<100000x32xf32, #tpu.memory_space<hbm>>, %arg3: memref<625x1600xi32, #tpu.memory_space<hbm>>, %arg4: memref<3200000xf32, #tpu.memory_space<hbm>>, %arg5: memref<2x1600xi32, #tpu.memory_space<vmem>>, %arg6: memref<2x1600x32xf32, #tpu.memory_space<vmem>>, %arg7: memref<2x5120xf32, #tpu.memory_space<vmem>>, %arg8: memref<!tpu.dma_semaphore, #tpu.memory_space<semaphore_mem>>, %arg9: memref<!tpu.dma_semaphore, #tpu.memory_space<semaphore_mem>>, %arg10: memref<!tpu.dma_semaphore, #tpu.memory_space<semaphore_mem>>, %arg11: memref<!tpu.dma_semaphore, #tpu.memory_space<semaphore_mem>>, %arg12: memref<!tpu.dma_semaphore, #tpu.memory_space<semaphore_mem>>, %arg13: memref<!tpu.dma_semaphore, #tpu.memory_space<semaphore_mem>>) attributes {dimension_semantics = [#tpu.dimension_semantics<core_parallel>, #tpu.dimension_semantics<subcore_parallel>], iteration_bounds = array<i64: 2, 16>, scalar_prefetch = 0 : i64, scratch_operands = 9 : i64, tpu.core_type = #tpu.core_type<sc_vector_subcore>, window_params = [{transform_indices = #map}, {transform_indices = #map}, {transform_indices = #map1}]} {
    %mul3A = arith.constant 2 : i32
    %mul3A_0 = arith.muli %arg1, %mul3A : i32
    %add3A = arith.addi %mul3A_0, %arg0 : i32
    %add3A_1 = arith.constant 0 : i32
    %add3A_2 = arith.addi %add3A, %add3A_1 : i32
    %lt3A = arith.constant 625 : i32
    %lt3A_3 = arith.cmpi slt, %add3A_2, %lt3A : i32
    %convert_element_type3A = arith.extui %lt3A_3 : i1 to i32
    %cond3A = arith.constant 0 : i32
    %cond3A_4 = arith.cmpi ne, %convert_element_type3A, %cond3A : i32
    scf.if %cond3A_4 {
      %add3A_45 = arith.constant 0 : i32
      %add3A_46 = arith.addi %add3A, %add3A_45 : i32
      %dma_start3A = arith.constant 0 : i32
      %dma_start3A_47 = arith.constant 0 : i32
      %dma_start3A_48 = tpu.memref_slice %arg5[%dma_start3A, %dma_start3A_47] : memref<2x1600xi32, #tpu.memory_space<vmem>> -> memref<1x1600xi32, #tpu.memory_space<vmem>>
      %dma_start3A_49 = tpu.memref_squeeze %dma_start3A_48 : memref<1x1600xi32, #tpu.memory_space<vmem>> -> memref<1600xi32, #tpu.memory_space<vmem>>
      %dma_start3A_50 = arith.constant 0 : i32
      %dma_start3A_51 = tpu.memref_slice %arg3[%add3A_46, %dma_start3A_50] : memref<625x1600xi32, #tpu.memory_space<hbm>> -> memref<1x1600xi32, #tpu.memory_space<hbm>>
      %dma_start3A_52 = tpu.memref_squeeze %dma_start3A_51 : memref<1x1600xi32, #tpu.memory_space<hbm>> -> memref<1600xi32, #tpu.memory_space<hbm>>
      %dma_start3A_53 = arith.constant 0 : i32
      %dma_start3A_54 = tpu.memref_slice %arg5[%dma_start3A, %dma_start3A_53] : memref<2x1600xi32, #tpu.memory_space<vmem>> -> memref<1x1600xi32, #tpu.memory_space<vmem>>
      %dma_start3A_55 = tpu.memref_squeeze %dma_start3A_54 : memref<1x1600xi32, #tpu.memory_space<vmem>> -> memref<1600xi32, #tpu.memory_space<vmem>>
      %dma_start3A_56 = arith.constant 0 : i32
      %dma_start3A_57 = tpu.memref_slice %arg3[%add3A_46, %dma_start3A_56] : memref<625x1600xi32, #tpu.memory_space<hbm>> -> memref<1x1600xi32, #tpu.memory_space<hbm>>
      %dma_start3A_58 = tpu.memref_squeeze %dma_start3A_57 : memref<1x1600xi32, #tpu.memory_space<hbm>> -> memref<1600xi32, #tpu.memory_space<hbm>>
      tpu.enqueue_dma source(%dma_start3A_58 : memref<1600xi32, #tpu.memory_space<hbm>>) target(%dma_start3A_55 : memref<1600xi32, #tpu.memory_space<vmem>>) target_semaphore(%arg8 : memref<!tpu.dma_semaphore, #tpu.memory_space<semaphore_mem>>)
    } else {
    }
    %add3A_5 = arith.constant 32 : i32
    %add3A_6 = arith.addi %add3A, %add3A_5 : i32
    %lt3A_7 = arith.constant 625 : i32
    %lt3A_8 = arith.cmpi slt, %add3A_6, %lt3A_7 : i32
    %convert_element_type3A_9 = arith.extui %lt3A_8 : i1 to i32
    %cond3A_10 = arith.constant 0 : i32
    %cond3A_11 = arith.cmpi ne, %convert_element_type3A_9, %cond3A_10 : i32
    scf.if %cond3A_11 {
      %add3A_45 = arith.constant 32 : i32
      %add3A_46 = arith.addi %add3A, %add3A_45 : i32
      %dma_start3A = arith.constant 1 : i32
      %dma_start3A_47 = arith.constant 0 : i32
      %dma_start3A_48 = tpu.memref_slice %arg5[%dma_start3A, %dma_start3A_47] : memref<2x1600xi32, #tpu.memory_space<vmem>> -> memref<1x1600xi32, #tpu.memory_space<vmem>>
      %dma_start3A_49 = tpu.memref_squeeze %dma_start3A_48 : memref<1x1600xi32, #tpu.memory_space<vmem>> -> memref<1600xi32, #tpu.memory_space<vmem>>
      %dma_start3A_50 = arith.constant 0 : i32
      %dma_start3A_51 = tpu.memref_slice %arg3[%add3A_46, %dma_start3A_50] : memref<625x1600xi32, #tpu.memory_space<hbm>> -> memref<1x1600xi32, #tpu.memory_space<hbm>>
      %dma_start3A_52 = tpu.memref_squeeze %dma_start3A_51 : memref<1x1600xi32, #tpu.memory_space<hbm>> -> memref<1600xi32, #tpu.memory_space<hbm>>
      %dma_start3A_53 = arith.constant 0 : i32
      %dma_start3A_54 = tpu.memref_slice %arg5[%dma_start3A, %dma_start3A_53] : memref<2x1600xi32, #tpu.memory_space<vmem>> -> memref<1x1600xi32, #tpu.memory_space<vmem>>
      %dma_start3A_55 = tpu.memref_squeeze %dma_start3A_54 : memref<1x1600xi32, #tpu.memory_space<vmem>> -> memref<1600xi32, #tpu.memory_space<vmem>>
      %dma_start3A_56 = arith.constant 0 : i32
      %dma_start3A_57 = tpu.memref_slice %arg3[%add3A_46, %dma_start3A_56] : memref<625x1600xi32, #tpu.memory_space<hbm>> -> memref<1x1600xi32, #tpu.memory_space<hbm>>
      %dma_start3A_58 = tpu.memref_squeeze %dma_start3A_57 : memref<1x1600xi32, #tpu.memory_space<hbm>> -> memref<1600xi32, #tpu.memory_space<hbm>>
      tpu.enqueue_dma source(%dma_start3A_58 : memref<1600xi32, #tpu.memory_space<hbm>>) target(%dma_start3A_55 : memref<1600xi32, #tpu.memory_space<vmem>>) target_semaphore(%arg9 : memref<!tpu.dma_semaphore, #tpu.memory_space<semaphore_mem>>)
    } else {
    }
    %add3A_12 = arith.constant 0 : i32
    %add3A_13 = arith.addi %add3A, %add3A_12 : i32
    %lt3A_14 = arith.constant 625 : i32
    %lt3A_15 = arith.cmpi slt, %add3A_13, %lt3A_14 : i32
    %convert_element_type3A_16 = arith.extui %lt3A_15 : i1 to i32
    %cond3A_17 = arith.constant 0 : i32
    %cond3A_18 = arith.cmpi ne, %convert_element_type3A_16, %cond3A_17 : i32
    scf.if %cond3A_18 {
      %add3A_45 = arith.constant 0 : i32
      %add3A_46 = arith.addi %add3A, %add3A_45 : i32
      %dma_wait3A = arith.constant 0 : i32
      %dma_wait3A_47 = arith.constant 0 : i32
      %dma_wait3A_48 = tpu.memref_slice %arg5[%dma_wait3A, %dma_wait3A_47] : memref<2x1600xi32, #tpu.memory_space<vmem>> -> memref<1x1600xi32, #tpu.memory_space<vmem>>
      %dma_wait3A_49 = tpu.memref_squeeze %dma_wait3A_48 : memref<1x1600xi32, #tpu.memory_space<vmem>> -> memref<1600xi32, #tpu.memory_space<vmem>>
      %dma_wait3A_50 = arith.constant 0 : i32
      %dma_wait3A_51 = tpu.memref_slice %arg3[%add3A_46, %dma_wait3A_50] : memref<625x1600xi32, #tpu.memory_space<hbm>> -> memref<1x1600xi32, #tpu.memory_space<hbm>>
      %dma_wait3A_52 = tpu.memref_squeeze %dma_wait3A_51 : memref<1x1600xi32, #tpu.memory_space<hbm>> -> memref<1600xi32, #tpu.memory_space<hbm>>
      %dma_wait3A_53 = arith.constant 0 : i32
      %dma_wait3A_54 = tpu.memref_slice %arg5[%dma_wait3A, %dma_wait3A_53] : memref<2x1600xi32, #tpu.memory_space<vmem>> -> memref<1x1600xi32, #tpu.memory_space<vmem>>
      %dma_wait3A_55 = tpu.memref_squeeze %dma_wait3A_54 : memref<1x1600xi32, #tpu.memory_space<vmem>> -> memref<1600xi32, #tpu.memory_space<vmem>>
      %dma_wait3A_56 = arith.constant 0 : i32
      %dma_wait3A_57 = tpu.memref_slice %arg3[%add3A_46, %dma_wait3A_56] : memref<625x1600xi32, #tpu.memory_space<hbm>> -> memref<1x1600xi32, #tpu.memory_space<hbm>>
      %dma_wait3A_58 = tpu.memref_squeeze %dma_wait3A_57 : memref<1x1600xi32, #tpu.memory_space<hbm>> -> memref<1600xi32, #tpu.memory_space<hbm>>
      tpu.wait_dma2 semaphore(%arg8 : memref<!tpu.dma_semaphore, #tpu.memory_space<semaphore_mem>>) src(%dma_wait3A_58 : memref<1600xi32, #tpu.memory_space<hbm>>) dst(%dma_wait3A_55 : memref<1600xi32, #tpu.memory_space<vmem>>)
    } else {
    }
    %add3A_19 = arith.constant 0 : i32
    %add3A_20 = arith.addi %add3A, %add3A_19 : i32
    %lt3A_21 = arith.constant 625 : i32
    %lt3A_22 = arith.cmpi slt, %add3A_20, %lt3A_21 : i32
    %convert_element_type3A_23 = arith.extui %lt3A_22 : i1 to i32
    %cond3A_24 = arith.constant 0 : i32
    %cond3A_25 = arith.cmpi ne, %convert_element_type3A_23, %cond3A_24 : i32
    scf.if %cond3A_25 {
      %dma_start3A = arith.constant 0 : i32
      %dma_start3A_45 = arith.constant 0 : i32
      %dma_start3A_46 = arith.constant 0 : i32
      %dma_start3A_47 = arith.constant 0 : i32
      %dma_start3A_48 = tpu.memref_slice %arg6[%dma_start3A_45, %dma_start3A_46, %dma_start3A_47] : memref<2x1600x32xf32, #tpu.memory_space<vmem>> -> memref<1x1600x32xf32, #tpu.memory_space<vmem>>
      %dma_start3A_49 = tpu.memref_squeeze %dma_start3A_48 : memref<1x1600x32xf32, #tpu.memory_space<vmem>> -> memref<1600x32xf32, #tpu.memory_space<vmem>>
      %dma_start3A_50 = arith.constant 0 : i32
      %dma_start3A_51 = tpu.memref_slice %arg5[%dma_start3A, %dma_start3A_50] : memref<2x1600xi32, #tpu.memory_space<vmem>> -> memref<1x1600xi32, #tpu.memory_space<vmem>>
      %dma_start3A_52 = tpu.memref_squeeze %dma_start3A_51 : memref<1x1600xi32, #tpu.memory_space<vmem>> -> memref<1600xi32, #tpu.memory_space<vmem>>
      %dma_start3A_53 = arith.constant 0 : i32
      %dma_start3A_54 = arith.constant 0 : i32
      %dma_start3A_55 = tpu.memref_slice %arg2[%dma_start3A_53, %dma_start3A_54] : memref<100000x32xf32, #tpu.memory_space<hbm>> -> memref<100000x32xf32, #tpu.memory_space<hbm>>
      tpu.enqueue_indirect_dma source(%dma_start3A_55 : memref<100000x32xf32, #tpu.memory_space<hbm>>) target(%dma_start3A_49 : memref<1600x32xf32, #tpu.memory_space<vmem>>) offsets(%dma_start3A_52 : memref<1600xi32, #tpu.memory_space<vmem>>) semaphore(%arg10 : memref<!tpu.dma_semaphore, #tpu.memory_space<semaphore_mem>>)
    } else {
    }
    %scan3A = arith.constant 0 : i32
    %scan3A_26 = arith.constant 0 : i32
    %scan3A_27 = arith.constant 10 : i32
    %scan3A_28 = arith.addi %scan3A_26, %scan3A_27 : i32
    %scan3A_29 = arith.constant 1 : i32
    scf.for %scan3A_45 = %scan3A_26 to %scan3A_28 step %scan3A_29  : i32 {
      %mul3A_46 = arith.constant 2 : i32
      %mul3A_47 = arith.muli %scan3A_45, %mul3A_46 : i32
      %add3A_48 = arith.constant 0 : i32
      %add3A_49 = arith.addi %mul3A_47, %add3A_48 : i32
      %mul3A_50 = arith.constant 32 : i32
      %mul3A_51 = arith.muli %add3A_49, %mul3A_50 : i32
      %add3A_52 = arith.addi %add3A, %mul3A_51 : i32
      %lt3A_53 = arith.constant 625 : i32
      %lt3A_54 = arith.cmpi slt, %add3A_52, %lt3A_53 : i32
      %convert_element_type3A_55 = arith.extui %lt3A_54 : i1 to i32
      %cond3A_56 = arith.constant 0 : i32
      %cond3A_57 = arith.cmpi ne, %convert_element_type3A_55, %cond3A_56 : i32
      scf.if %cond3A_57 {
        %dma_wait3A = arith.constant 0 : i32
        %dma_wait3A_169 = arith.constant 0 : i32
        %dma_wait3A_170 = arith.constant 0 : i32
        %dma_wait3A_171 = arith.constant 0 : i32
        %dma_wait3A_172 = tpu.memref_slice %arg6[%dma_wait3A_169, %dma_wait3A_170, %dma_wait3A_171] : memref<2x1600x32xf32, #tpu.memory_space<vmem>> -> memref<1x1600x32xf32, #tpu.memory_space<vmem>>
        %dma_wait3A_173 = tpu.memref_squeeze %dma_wait3A_172 : memref<1x1600x32xf32, #tpu.memory_space<vmem>> -> memref<1600x32xf32, #tpu.memory_space<vmem>>
        %dma_wait3A_174 = arith.constant 0 : i32
        %dma_wait3A_175 = tpu.memref_slice %arg5[%dma_wait3A, %dma_wait3A_174] : memref<2x1600xi32, #tpu.memory_space<vmem>> -> memref<1x1600xi32, #tpu.memory_space<vmem>>
        %dma_wait3A_176 = tpu.memref_squeeze %dma_wait3A_175 : memref<1x1600xi32, #tpu.memory_space<vmem>> -> memref<1600xi32, #tpu.memory_space<vmem>>
        %dma_wait3A_177 = arith.constant 0 : i32
        %dma_wait3A_178 = arith.constant 0 : i32
        %dma_wait3A_179 = tpu.memref_slice %arg2[%dma_wait3A_177, %dma_wait3A_178] : memref<100000x32xf32, #tpu.memory_space<hbm>> -> memref<100000x32xf32, #tpu.memory_space<hbm>>
        tpu.wait_indirect_dma semaphore(%arg10 : memref<!tpu.dma_semaphore, #tpu.memory_space<semaphore_mem>>) src(%dma_wait3A_179 : memref<100000x32xf32, #tpu.memory_space<hbm>>) dst(%dma_wait3A_173 : memref<1600x32xf32, #tpu.memory_space<vmem>>)
      } else {
      }
      %add3A_58 = arith.constant 2 : i32
      %add3A_59 = arith.addi %add3A_49, %add3A_58 : i32
      %mul3A_60 = arith.constant 32 : i32
      %mul3A_61 = arith.muli %add3A_59, %mul3A_60 : i32
      %add3A_62 = arith.addi %add3A, %mul3A_61 : i32
      %lt3A_63 = arith.constant 625 : i32
      %lt3A_64 = arith.cmpi slt, %add3A_62, %lt3A_63 : i32
      %convert_element_type3A_65 = arith.extui %lt3A_64 : i1 to i32
      %cond3A_66 = arith.constant 0 : i32
      %cond3A_67 = arith.cmpi ne, %convert_element_type3A_65, %cond3A_66 : i32
      scf.if %cond3A_67 {
        %add3A_169 = arith.constant 2 : i32
        %add3A_170 = arith.addi %add3A_49, %add3A_169 : i32
        %mul3A_171 = arith.constant 32 : i32
        %mul3A_172 = arith.muli %add3A_170, %mul3A_171 : i32
        %add3A_173 = arith.addi %add3A, %mul3A_172 : i32
        %dma_start3A = arith.constant 0 : i32
        %dma_start3A_174 = arith.constant 0 : i32
        %dma_start3A_175 = tpu.memref_slice %arg5[%dma_start3A, %dma_start3A_174] : memref<2x1600xi32, #tpu.memory_space<vmem>> -> memref<1x1600xi32, #tpu.memory_space<vmem>>
        %dma_start3A_176 = tpu.memref_squeeze %dma_start3A_175 : memref<1x1600xi32, #tpu.memory_space<vmem>> -> memref<1600xi32, #tpu.memory_space<vmem>>
        %dma_start3A_177 = arith.constant 0 : i32
        %dma_start3A_178 = tpu.memref_slice %arg3[%add3A_173, %dma_start3A_177] : memref<625x1600xi32, #tpu.memory_space<hbm>> -> memref<1x1600xi32, #tpu.memory_space<hbm>>
        %dma_start3A_179 = tpu.memref_squeeze %dma_start3A_178 : memref<1x1600xi32, #tpu.memory_space<hbm>> -> memref<1600xi32, #tpu.memory_space<hbm>>
        %dma_start3A_180 = arith.constant 0 : i32
        %dma_start3A_181 = tpu.memref_slice %arg5[%dma_start3A, %dma_start3A_180] : memref<2x1600xi32, #tpu.memory_space<vmem>> -> memref<1x1600xi32, #tpu.memory_space<vmem>>
        %dma_start3A_182 = tpu.memref_squeeze %dma_start3A_181 : memref<1x1600xi32, #tpu.memory_space<vmem>> -> memref<1600xi32, #tpu.memory_space<vmem>>
        %dma_start3A_183 = arith.constant 0 : i32
        %dma_start3A_184 = tpu.memref_slice %arg3[%add3A_173, %dma_start3A_183] : memref<625x1600xi32, #tpu.memory_space<hbm>> -> memref<1x1600xi32, #tpu.memory_space<hbm>>
        %dma_start3A_185 = tpu.memref_squeeze %dma_start3A_184 : memref<1x1600xi32, #tpu.memory_space<hbm>> -> memref<1600xi32, #tpu.memory_space<hbm>>
        tpu.enqueue_dma source(%dma_start3A_185 : memref<1600xi32, #tpu.memory_space<hbm>>) target(%dma_start3A_182 : memref<1600xi32, #tpu.memory_space<vmem>>) target_semaphore(%arg8 : memref<!tpu.dma_semaphore, #tpu.memory_space<semaphore_mem>>)
      } else {
      }
      %add3A_68 = arith.constant 1 : i32
      %add3A_69 = arith.addi %add3A_49, %add3A_68 : i32
      %mul3A_70 = arith.constant 32 : i32
      %mul3A_71 = arith.muli %add3A_69, %mul3A_70 : i32
      %add3A_72 = arith.addi %add3A, %mul3A_71 : i32
      %lt3A_73 = arith.constant 625 : i32
      %lt3A_74 = arith.cmpi slt, %add3A_72, %lt3A_73 : i32
      %convert_element_type3A_75 = arith.extui %lt3A_74 : i1 to i32
      %cond3A_76 = arith.constant 0 : i32
      %cond3A_77 = arith.cmpi ne, %convert_element_type3A_75, %cond3A_76 : i32
      scf.if %cond3A_77 {
        %add3A_169 = arith.constant 1 : i32
        %add3A_170 = arith.addi %add3A_49, %add3A_169 : i32
        %mul3A_171 = arith.constant 32 : i32
        %mul3A_172 = arith.muli %add3A_170, %mul3A_171 : i32
        %add3A_173 = arith.addi %add3A, %mul3A_172 : i32
        %dma_wait3A = arith.constant 1 : i32
        %dma_wait3A_174 = arith.constant 0 : i32
        %dma_wait3A_175 = tpu.memref_slice %arg5[%dma_wait3A, %dma_wait3A_174] : memref<2x1600xi32, #tpu.memory_space<vmem>> -> memref<1x1600xi32, #tpu.memory_space<vmem>>
        %dma_wait3A_176 = tpu.memref_squeeze %dma_wait3A_175 : memref<1x1600xi32, #tpu.memory_space<vmem>> -> memref<1600xi32, #tpu.memory_space<vmem>>
        %dma_wait3A_177 = arith.constant 0 : i32
        %dma_wait3A_178 = tpu.memref_slice %arg3[%add3A_173, %dma_wait3A_177] : memref<625x1600xi32, #tpu.memory_space<hbm>> -> memref<1x1600xi32, #tpu.memory_space<hbm>>
        %dma_wait3A_179 = tpu.memref_squeeze %dma_wait3A_178 : memref<1x1600xi32, #tpu.memory_space<hbm>> -> memref<1600xi32, #tpu.memory_space<hbm>>
        %dma_wait3A_180 = arith.constant 0 : i32
        %dma_wait3A_181 = tpu.memref_slice %arg5[%dma_wait3A, %dma_wait3A_180] : memref<2x1600xi32, #tpu.memory_space<vmem>> -> memref<1x1600xi32, #tpu.memory_space<vmem>>
        %dma_wait3A_182 = tpu.memref_squeeze %dma_wait3A_181 : memref<1x1600xi32, #tpu.memory_space<vmem>> -> memref<1600xi32, #tpu.memory_space<vmem>>
        %dma_wait3A_183 = arith.constant 0 : i32
        %dma_wait3A_184 = tpu.memref_slice %arg3[%add3A_173, %dma_wait3A_183] : memref<625x1600xi32, #tpu.memory_space<hbm>> -> memref<1x1600xi32, #tpu.memory_space<hbm>>
        %dma_wait3A_185 = tpu.memref_squeeze %dma_wait3A_184 : memref<1x1600xi32, #tpu.memory_space<hbm>> -> memref<1600xi32, #tpu.memory_space<hbm>>
        tpu.wait_dma2 semaphore(%arg9 : memref<!tpu.dma_semaphore, #tpu.memory_space<semaphore_mem>>) src(%dma_wait3A_185 : memref<1600xi32, #tpu.memory_space<hbm>>) dst(%dma_wait3A_182 : memref<1600xi32, #tpu.memory_space<vmem>>)
      } else {
      }
      %add3A_78 = arith.constant 1 : i32
      %add3A_79 = arith.addi %add3A_49, %add3A_78 : i32
      %mul3A_80 = arith.constant 32 : i32
      %mul3A_81 = arith.muli %add3A_79, %mul3A_80 : i32
      %add3A_82 = arith.addi %add3A, %mul3A_81 : i32
      %lt3A_83 = arith.constant 625 : i32
      %lt3A_84 = arith.cmpi slt, %add3A_82, %lt3A_83 : i32
      %convert_element_type3A_85 = arith.extui %lt3A_84 : i1 to i32
      %cond3A_86 = arith.constant 0 : i32
      %cond3A_87 = arith.cmpi ne, %convert_element_type3A_85, %cond3A_86 : i32
      scf.if %cond3A_87 {
        %dma_start3A = arith.constant 1 : i32
        %dma_start3A_169 = arith.constant 1 : i32
        %dma_start3A_170 = arith.constant 0 : i32
        %dma_start3A_171 = arith.constant 0 : i32
        %dma_start3A_172 = tpu.memref_slice %arg6[%dma_start3A_169, %dma_start3A_170, %dma_start3A_171] : memref<2x1600x32xf32, #tpu.memory_space<vmem>> -> memref<1x1600x32xf32, #tpu.memory_space<vmem>>
        %dma_start3A_173 = tpu.memref_squeeze %dma_start3A_172 : memref<1x1600x32xf32, #tpu.memory_space<vmem>> -> memref<1600x32xf32, #tpu.memory_space<vmem>>
        %dma_start3A_174 = arith.constant 0 : i32
        %dma_start3A_175 = tpu.memref_slice %arg5[%dma_start3A, %dma_start3A_174] : memref<2x1600xi32, #tpu.memory_space<vmem>> -> memref<1x1600xi32, #tpu.memory_space<vmem>>
        %dma_start3A_176 = tpu.memref_squeeze %dma_start3A_175 : memref<1x1600xi32, #tpu.memory_space<vmem>> -> memref<1600xi32, #tpu.memory_space<vmem>>
        %dma_start3A_177 = arith.constant 0 : i32
        %dma_start3A_178 = arith.constant 0 : i32
        %dma_start3A_179 = tpu.memref_slice %arg2[%dma_start3A_177, %dma_start3A_178] : memref<100000x32xf32, #tpu.memory_space<hbm>> -> memref<100000x32xf32, #tpu.memory_space<hbm>>
        tpu.enqueue_indirect_dma source(%dma_start3A_179 : memref<100000x32xf32, #tpu.memory_space<hbm>>) target(%dma_start3A_173 : memref<1600x32xf32, #tpu.memory_space<vmem>>) offsets(%dma_start3A_176 : memref<1600xi32, #tpu.memory_space<vmem>>) semaphore(%arg11 : memref<!tpu.dma_semaphore, #tpu.memory_space<semaphore_mem>>)
      } else {
      }
      %ge3A = arith.constant 1 : i32
      %ge3A_88 = arith.cmpi sge, %scan3A_45, %ge3A : i32
      %sub3A = arith.constant 2 : i32
      %sub3A_89 = arith.subi %add3A_49, %sub3A : i32
      %mul3A_90 = arith.constant 32 : i32
      %mul3A_91 = arith.muli %sub3A_89, %mul3A_90 : i32
      %add3A_92 = arith.addi %add3A, %mul3A_91 : i32
      %lt3A_93 = arith.constant 625 : i32
      %lt3A_94 = arith.cmpi slt, %add3A_92, %lt3A_93 : i32
      %and3A = arith.andi %ge3A_88, %lt3A_94 : i1
      %convert_element_type3A_95 = arith.extui %and3A : i1 to i32
      %cond3A_96 = arith.constant 0 : i32
      %cond3A_97 = arith.cmpi ne, %convert_element_type3A_95, %cond3A_96 : i32
      scf.if %cond3A_97 {
        %sub3A_169 = arith.constant 2 : i32
        %sub3A_170 = arith.subi %add3A_49, %sub3A_169 : i32
        %mul3A_171 = arith.constant 32 : i32
        %mul3A_172 = arith.muli %sub3A_170, %mul3A_171 : i32
        %add3A_173 = arith.addi %add3A, %mul3A_172 : i32
        %mul3A_174 = arith.constant 5120 : i32
        %mul3A_175 = arith.muli %add3A_173, %mul3A_174 : i32
        %multiple_of3A = tpu.assume_multiple %mul3A_175, 8 : i32
        %dma_wait3A = arith.constant 0 : i32
        %dma_wait3A_176 = arith.constant 0 : i32
        %dma_wait3A_177 = tpu.memref_slice %arg7[%dma_wait3A, %dma_wait3A_176] : memref<2x5120xf32, #tpu.memory_space<vmem>> -> memref<1x5120xf32, #tpu.memory_space<vmem>>
        %dma_wait3A_178 = tpu.memref_squeeze %dma_wait3A_177 : memref<1x5120xf32, #tpu.memory_space<vmem>> -> memref<5120xf32, #tpu.memory_space<vmem>>
        %dma_wait3A_179 = tpu.memref_slice %arg4[%multiple_of3A] : memref<3200000xf32, #tpu.memory_space<hbm>> -> memref<5120xf32, #tpu.memory_space<hbm>>
        %dma_wait3A_180 = tpu.memref_slice %arg4[%multiple_of3A] : memref<3200000xf32, #tpu.memory_space<hbm>> -> memref<5120xf32, #tpu.memory_space<hbm>>
        %dma_wait3A_181 = arith.constant 0 : i32
        %dma_wait3A_182 = tpu.memref_slice %arg7[%dma_wait3A, %dma_wait3A_181] : memref<2x5120xf32, #tpu.memory_space<vmem>> -> memref<1x5120xf32, #tpu.memory_space<vmem>>
        %dma_wait3A_183 = tpu.memref_squeeze %dma_wait3A_182 : memref<1x5120xf32, #tpu.memory_space<vmem>> -> memref<5120xf32, #tpu.memory_space<vmem>>
        tpu.wait_dma2 semaphore(%arg12 : memref<!tpu.dma_semaphore, #tpu.memory_space<semaphore_mem>>) src(%dma_wait3A_183 : memref<5120xf32, #tpu.memory_space<vmem>>) dst(%dma_wait3A_180 : memref<5120xf32, #tpu.memory_space<hbm>>)
      } else {
      }
      %mul3A_98 = arith.constant 32 : i32
      %mul3A_99 = arith.muli %add3A_49, %mul3A_98 : i32
      %add3A_100 = arith.addi %add3A, %mul3A_99 : i32
      %lt3A_101 = arith.constant 625 : i32
      %lt3A_102 = arith.cmpi slt, %add3A_100, %lt3A_101 : i32
      %convert_element_type3A_103 = arith.extui %lt3A_102 : i1 to i32
      %cond3A_104 = arith.constant 0 : i32
      %cond3A_105 = arith.cmpi ne, %convert_element_type3A_103, %cond3A_104 : i32
      scf.if %cond3A_105 {
        %scan3A_169 = arith.constant 0 : i32
        %scan3A_170 = arith.constant 0 : i32
        %scan3A_171 = arith.constant 160 : i32
        %scan3A_172 = arith.addi %scan3A_170, %scan3A_171 : i32
        %scan3A_173 = arith.constant 1 : i32
        scf.for %scan3A_188 = %scan3A_170 to %scan3A_172 step %scan3A_173  : i32 {
          %mul3A_189 = arith.constant 10 : i32
          %mul3A_190 = arith.muli %scan3A_188, %mul3A_189 : i32
          %get3A = arith.constant 0 : i32
          %get3A_191 = arith.index_cast %get3A : i32 to index
          %get3A_192 = arith.index_cast %mul3A_190 : i32 to index
          %get3A_193 = arith.constant 0 : index
          %get3A_194 = tpu.vector_load %arg6[%get3A_191, %get3A_192, %get3A_193] {strides = array<i32>} : memref<2x1600x32xf32, #tpu.memory_space<vmem>>, vector<1x1x16xf32>,
          %get3A_195 = vector.shape_cast %get3A_194 : vector<1x1x16xf32> to vector<16xf32>
          %get3A_196 = arith.constant 0 : i32
          %get3A_197 = arith.index_cast %get3A_196 : i32 to index
          %get3A_198 = arith.index_cast %mul3A_190 : i32 to index
          %get3A_199 = arith.constant 16 : index
          %get3A_200 = tpu.vector_load %arg6[%get3A_197, %get3A_198, %get3A_199] {strides = array<i32>} : memref<2x1600x32xf32, #tpu.memory_space<vmem>>, vector<1x1x16xf32>,
          %get3A_201 = vector.shape_cast %get3A_200 : vector<1x1x16xf32> to vector<16xf32>
          %add3A_202 = arith.constant 1 : i32
          %add3A_203 = arith.addi %mul3A_190, %add3A_202 : i32
          %get3A_204 = arith.constant 0 : i32
          %get3A_205 = arith.index_cast %get3A_204 : i32 to index
          %get3A_206 = arith.index_cast %add3A_203 : i32 to index
          %get3A_207 = arith.constant 0 : index
          %get3A_208 = tpu.vector_load %arg6[%get3A_205, %get3A_206, %get3A_207] {strides = array<i32>} : memref<2x1600x32xf32, #tpu.memory_space<vmem>>, vector<1x1x16xf32>,
          %get3A_209 = vector.shape_cast %get3A_208 : vector<1x1x16xf32> to vector<16xf32>
          %add3A_210 = arith.addf %get3A_195, %get3A_209 : vector<16xf32>
          %add3A_211 = arith.constant 1 : i32
          %add3A_212 = arith.addi %mul3A_190, %add3A_211 : i32
          %get3A_213 = arith.constant 0 : i32
          %get3A_214 = arith.index_cast %get3A_213 : i32 to index
          %get3A_215 = arith.index_cast %add3A_212 : i32 to index
          %get3A_216 = arith.constant 16 : index
          %get3A_217 = tpu.vector_load %arg6[%get3A_214, %get3A_215, %get3A_216] {strides = array<i32>} : memref<2x1600x32xf32, #tpu.memory_space<vmem>>, vector<1x1x16xf32>,
          %get3A_218 = vector.shape_cast %get3A_217 : vector<1x1x16xf32> to vector<16xf32>
          %add3A_219 = arith.addf %get3A_201, %get3A_218 : vector<16xf32>
          %add3A_220 = arith.constant 2 : i32
          %add3A_221 = arith.addi %mul3A_190, %add3A_220 : i32
          %get3A_222 = arith.constant 0 : i32
          %get3A_223 = arith.index_cast %get3A_222 : i32 to index
          %get3A_224 = arith.index_cast %add3A_221 : i32 to index
          %get3A_225 = arith.constant 0 : index
          %get3A_226 = tpu.vector_load %arg6[%get3A_223, %get3A_224, %get3A_225] {strides = array<i32>} : memref<2x1600x32xf32, #tpu.memory_space<vmem>>, vector<1x1x16xf32>,
          %get3A_227 = vector.shape_cast %get3A_226 : vector<1x1x16xf32> to vector<16xf32>
          %add3A_228 = arith.addf %add3A_210, %get3A_227 : vector<16xf32>
          %add3A_229 = arith.constant 2 : i32
          %add3A_230 = arith.addi %mul3A_190, %add3A_229 : i32
          %get3A_231 = arith.constant 0 : i32
          %get3A_232 = arith.index_cast %get3A_231 : i32 to index
          %get3A_233 = arith.index_cast %add3A_230 : i32 to index
          %get3A_234 = arith.constant 16 : index
          %get3A_235 = tpu.vector_load %arg6[%get3A_232, %get3A_233, %get3A_234] {strides = array<i32>} : memref<2x1600x32xf32, #tpu.memory_space<vmem>>, vector<1x1x16xf32>,
          %get3A_236 = vector.shape_cast %get3A_235 : vector<1x1x16xf32> to vector<16xf32>
          %add3A_237 = arith.addf %add3A_219, %get3A_236 : vector<16xf32>
          %add3A_238 = arith.constant 3 : i32
          %add3A_239 = arith.addi %mul3A_190, %add3A_238 : i32
          %get3A_240 = arith.constant 0 : i32
          %get3A_241 = arith.index_cast %get3A_240 : i32 to index
          %get3A_242 = arith.index_cast %add3A_239 : i32 to index
          %get3A_243 = arith.constant 0 : index
          %get3A_244 = tpu.vector_load %arg6[%get3A_241, %get3A_242, %get3A_243] {strides = array<i32>} : memref<2x1600x32xf32, #tpu.memory_space<vmem>>, vector<1x1x16xf32>,
          %get3A_245 = vector.shape_cast %get3A_244 : vector<1x1x16xf32> to vector<16xf32>
          %add3A_246 = arith.addf %add3A_228, %get3A_245 : vector<16xf32>
          %add3A_247 = arith.constant 3 : i32
          %add3A_248 = arith.addi %mul3A_190, %add3A_247 : i32
          %get3A_249 = arith.constant 0 : i32
          %get3A_250 = arith.index_cast %get3A_249 : i32 to index
          %get3A_251 = arith.index_cast %add3A_248 : i32 to index
          %get3A_252 = arith.constant 16 : index
          %get3A_253 = tpu.vector_load %arg6[%get3A_250, %get3A_251, %get3A_252] {strides = array<i32>} : memref<2x1600x32xf32, #tpu.memory_space<vmem>>, vector<1x1x16xf32>,
          %get3A_254 = vector.shape_cast %get3A_253 : vector<1x1x16xf32> to vector<16xf32>
          %add3A_255 = arith.addf %add3A_237, %get3A_254 : vector<16xf32>
          %add3A_256 = arith.constant 4 : i32
          %add3A_257 = arith.addi %mul3A_190, %add3A_256 : i32
          %get3A_258 = arith.constant 0 : i32
          %get3A_259 = arith.index_cast %get3A_258 : i32 to index
          %get3A_260 = arith.index_cast %add3A_257 : i32 to index
          %get3A_261 = arith.constant 0 : index
          %get3A_262 = tpu.vector_load %arg6[%get3A_259, %get3A_260, %get3A_261] {strides = array<i32>} : memref<2x1600x32xf32, #tpu.memory_space<vmem>>, vector<1x1x16xf32>,
          %get3A_263 = vector.shape_cast %get3A_262 : vector<1x1x16xf32> to vector<16xf32>
          %add3A_264 = arith.addf %add3A_246, %get3A_263 : vector<16xf32>
          %add3A_265 = arith.constant 4 : i32
          %add3A_266 = arith.addi %mul3A_190, %add3A_265 : i32
          %get3A_267 = arith.constant 0 : i32
          %get3A_268 = arith.index_cast %get3A_267 : i32 to index
          %get3A_269 = arith.index_cast %add3A_266 : i32 to index
          %get3A_270 = arith.constant 16 : index
          %get3A_271 = tpu.vector_load %arg6[%get3A_268, %get3A_269, %get3A_270] {strides = array<i32>} : memref<2x1600x32xf32, #tpu.memory_space<vmem>>, vector<1x1x16xf32>,
          %get3A_272 = vector.shape_cast %get3A_271 : vector<1x1x16xf32> to vector<16xf32>
          %add3A_273 = arith.addf %add3A_255, %get3A_272 : vector<16xf32>
          %add3A_274 = arith.constant 5 : i32
          %add3A_275 = arith.addi %mul3A_190, %add3A_274 : i32
          %get3A_276 = arith.constant 0 : i32
          %get3A_277 = arith.index_cast %get3A_276 : i32 to index
          %get3A_278 = arith.index_cast %add3A_275 : i32 to index
          %get3A_279 = arith.constant 0 : index
          %get3A_280 = tpu.vector_load %arg6[%get3A_277, %get3A_278, %get3A_279] {strides = array<i32>} : memref<2x1600x32xf32, #tpu.memory_space<vmem>>, vector<1x1x16xf32>,
          %get3A_281 = vector.shape_cast %get3A_280 : vector<1x1x16xf32> to vector<16xf32>
          %add3A_282 = arith.addf %add3A_264, %get3A_281 : vector<16xf32>
          %add3A_283 = arith.constant 5 : i32
          %add3A_284 = arith.addi %mul3A_190, %add3A_283 : i32
          %get3A_285 = arith.constant 0 : i32
          %get3A_286 = arith.index_cast %get3A_285 : i32 to index
          %get3A_287 = arith.index_cast %add3A_284 : i32 to index
          %get3A_288 = arith.constant 16 : index
          %get3A_289 = tpu.vector_load %arg6[%get3A_286, %get3A_287, %get3A_288] {strides = array<i32>} : memref<2x1600x32xf32, #tpu.memory_space<vmem>>, vector<1x1x16xf32>,
          %get3A_290 = vector.shape_cast %get3A_289 : vector<1x1x16xf32> to vector<16xf32>
          %add3A_291 = arith.addf %add3A_273, %get3A_290 : vector<16xf32>
          %add3A_292 = arith.constant 6 : i32
          %add3A_293 = arith.addi %mul3A_190, %add3A_292 : i32
          %get3A_294 = arith.constant 0 : i32
          %get3A_295 = arith.index_cast %get3A_294 : i32 to index
          %get3A_296 = arith.index_cast %add3A_293 : i32 to index
          %get3A_297 = arith.constant 0 : index
          %get3A_298 = tpu.vector_load %arg6[%get3A_295, %get3A_296, %get3A_297] {strides = array<i32>} : memref<2x1600x32xf32, #tpu.memory_space<vmem>>, vector<1x1x16xf32>,
          %get3A_299 = vector.shape_cast %get3A_298 : vector<1x1x16xf32> to vector<16xf32>
          %add3A_300 = arith.addf %add3A_282, %get3A_299 : vector<16xf32>
          %add3A_301 = arith.constant 6 : i32
          %add3A_302 = arith.addi %mul3A_190, %add3A_301 : i32
          %get3A_303 = arith.constant 0 : i32
          %get3A_304 = arith.index_cast %get3A_303 : i32 to index
          %get3A_305 = arith.index_cast %add3A_302 : i32 to index
          %get3A_306 = arith.constant 16 : index
          %get3A_307 = tpu.vector_load %arg6[%get3A_304, %get3A_305, %get3A_306] {strides = array<i32>} : memref<2x1600x32xf32, #tpu.memory_space<vmem>>, vector<1x1x16xf32>,
          %get3A_308 = vector.shape_cast %get3A_307 : vector<1x1x16xf32> to vector<16xf32>
          %add3A_309 = arith.addf %add3A_291, %get3A_308 : vector<16xf32>
          %add3A_310 = arith.constant 7 : i32
          %add3A_311 = arith.addi %mul3A_190, %add3A_310 : i32
          %get3A_312 = arith.constant 0 : i32
          %get3A_313 = arith.index_cast %get3A_312 : i32 to index
          %get3A_314 = arith.index_cast %add3A_311 : i32 to index
          %get3A_315 = arith.constant 0 : index
          %get3A_316 = tpu.vector_load %arg6[%get3A_313, %get3A_314, %get3A_315] {strides = array<i32>} : memref<2x1600x32xf32, #tpu.memory_space<vmem>>, vector<1x1x16xf32>,
          %get3A_317 = vector.shape_cast %get3A_316 : vector<1x1x16xf32> to vector<16xf32>
          %add3A_318 = arith.addf %add3A_300, %get3A_317 : vector<16xf32>
          %add3A_319 = arith.constant 7 : i32
          %add3A_320 = arith.addi %mul3A_190, %add3A_319 : i32
          %get3A_321 = arith.constant 0 : i32
          %get3A_322 = arith.index_cast %get3A_321 : i32 to index
          %get3A_323 = arith.index_cast %add3A_320 : i32 to index
          %get3A_324 = arith.constant 16 : index
          %get3A_325 = tpu.vector_load %arg6[%get3A_322, %get3A_323, %get3A_324] {strides = array<i32>} : memref<2x1600x32xf32, #tpu.memory_space<vmem>>, vector<1x1x16xf32>,
          %get3A_326 = vector.shape_cast %get3A_325 : vector<1x1x16xf32> to vector<16xf32>
          %add3A_327 = arith.addf %add3A_309, %get3A_326 : vector<16xf32>
          %add3A_328 = arith.constant 8 : i32
          %add3A_329 = arith.addi %mul3A_190, %add3A_328 : i32
          %get3A_330 = arith.constant 0 : i32
          %get3A_331 = arith.index_cast %get3A_330 : i32 to index
          %get3A_332 = arith.index_cast %add3A_329 : i32 to index
          %get3A_333 = arith.constant 0 : index
          %get3A_334 = tpu.vector_load %arg6[%get3A_331, %get3A_332, %get3A_333] {strides = array<i32>} : memref<2x1600x32xf32, #tpu.memory_space<vmem>>, vector<1x1x16xf32>,
          %get3A_335 = vector.shape_cast %get3A_334 : vector<1x1x16xf32> to vector<16xf32>
          %add3A_336 = arith.addf %add3A_318, %get3A_335 : vector<16xf32>
          %add3A_337 = arith.constant 8 : i32
          %add3A_338 = arith.addi %mul3A_190, %add3A_337 : i32
          %get3A_339 = arith.constant 0 : i32
          %get3A_340 = arith.index_cast %get3A_339 : i32 to index
          %get3A_341 = arith.index_cast %add3A_338 : i32 to index
          %get3A_342 = arith.constant 16 : index
          %get3A_343 = tpu.vector_load %arg6[%get3A_340, %get3A_341, %get3A_342] {strides = array<i32>} : memref<2x1600x32xf32, #tpu.memory_space<vmem>>, vector<1x1x16xf32>,
          %get3A_344 = vector.shape_cast %get3A_343 : vector<1x1x16xf32> to vector<16xf32>
          %add3A_345 = arith.addf %add3A_327, %get3A_344 : vector<16xf32>
          %add3A_346 = arith.constant 9 : i32
          %add3A_347 = arith.addi %mul3A_190, %add3A_346 : i32
          %get3A_348 = arith.constant 0 : i32
          %get3A_349 = arith.index_cast %get3A_348 : i32 to index
          %get3A_350 = arith.index_cast %add3A_347 : i32 to index
          %get3A_351 = arith.constant 0 : index
          %get3A_352 = tpu.vector_load %arg6[%get3A_349, %get3A_350, %get3A_351] {strides = array<i32>} : memref<2x1600x32xf32, #tpu.memory_space<vmem>>, vector<1x1x16xf32>,
          %get3A_353 = vector.shape_cast %get3A_352 : vector<1x1x16xf32> to vector<16xf32>
          %add3A_354 = arith.addf %add3A_336, %get3A_353 : vector<16xf32>
          %add3A_355 = arith.constant 9 : i32
          %add3A_356 = arith.addi %mul3A_190, %add3A_355 : i32
          %get3A_357 = arith.constant 0 : i32
          %get3A_358 = arith.index_cast %get3A_357 : i32 to index
          %get3A_359 = arith.index_cast %add3A_356 : i32 to index
          %get3A_360 = arith.constant 16 : index
          %get3A_361 = tpu.vector_load %arg6[%get3A_358, %get3A_359, %get3A_360] {strides = array<i32>} : memref<2x1600x32xf32, #tpu.memory_space<vmem>>, vector<1x1x16xf32>,
          %get3A_362 = vector.shape_cast %get3A_361 : vector<1x1x16xf32> to vector<16xf32>
          %add3A_363 = arith.addf %add3A_345, %get3A_362 : vector<16xf32>
          %mul3A_364 = arith.constant 32 : i32
          %mul3A_365 = arith.muli %scan3A_188, %mul3A_364 : i32
          %multiple_of3A_366 = tpu.assume_multiple %mul3A_365, 8 : i32
          %swap3A = arith.constant 0 : i32
          %swap3A_367 = arith.index_cast %swap3A : i32 to index
          %swap3A_368 = arith.index_cast %multiple_of3A_366 : i32 to index
          %swap3A_369 = tpu.vector_load %arg7[%swap3A_367, %swap3A_368] {strides = array<i32>} : memref<2x5120xf32, #tpu.memory_space<vmem>>, vector<1x16xf32>,
          %swap3A_370 = vector.shape_cast %swap3A_369 : vector<1x16xf32> to vector<16xf32>
          %swap3A_371 = vector.shape_cast %add3A_354 : vector<16xf32> to vector<1x16xf32>
          tpu.vector_store %arg7[%swap3A_367, %swap3A_368], %swap3A_371 {strides = array<i32>} : memref<2x5120xf32, #tpu.memory_space<vmem>>, vector<1x16xf32>,
          %add3A_372 = arith.constant 16 : i32
          %add3A_373 = arith.addi %multiple_of3A_366, %add3A_372 : i32
          %swap3A_374 = arith.constant 0 : i32
          %swap3A_375 = arith.index_cast %swap3A_374 : i32 to index
          %swap3A_376 = arith.index_cast %add3A_373 : i32 to index
          %swap3A_377 = tpu.vector_load %arg7[%swap3A_375, %swap3A_376] {strides = array<i32>} : memref<2x5120xf32, #tpu.memory_space<vmem>>, vector<1x16xf32>,
          %swap3A_378 = vector.shape_cast %swap3A_377 : vector<1x16xf32> to vector<16xf32>
          %swap3A_379 = vector.shape_cast %add3A_363 : vector<16xf32> to vector<1x16xf32>
          tpu.vector_store %arg7[%swap3A_375, %swap3A_376], %swap3A_379 {strides = array<i32>} : memref<2x5120xf32, #tpu.memory_space<vmem>>, vector<1x16xf32>,
        }
        %scan3A_174 = arith.constant 160 : i32
        %mul3A_175 = arith.constant 32 : i32
        %mul3A_176 = arith.muli %add3A_49, %mul3A_175 : i32
        %add3A_177 = arith.addi %add3A, %mul3A_176 : i32
        %mul3A_178 = arith.constant 5120 : i32
        %mul3A_179 = arith.muli %add3A_177, %mul3A_178 : i32
        %multiple_of3A = tpu.assume_multiple %mul3A_179, 8 : i32
        %dma_start3A = arith.constant 0 : i32
        %dma_start3A_180 = arith.constant 0 : i32
        %dma_start3A_181 = tpu.memref_slice %arg7[%dma_start3A, %dma_start3A_180] : memref<2x5120xf32, #tpu.memory_space<vmem>> -> memref<1x5120xf32, #tpu.memory_space<vmem>>
        %dma_start3A_182 = tpu.memref_squeeze %dma_start3A_181 : memref<1x5120xf32, #tpu.memory_space<vmem>> -> memref<5120xf32, #tpu.memory_space<vmem>>
        %dma_start3A_183 = tpu.memref_slice %arg4[%multiple_of3A] : memref<3200000xf32, #tpu.memory_space<hbm>> -> memref<5120xf32, #tpu.memory_space<hbm>>
        %dma_start3A_184 = tpu.memref_slice %arg4[%multiple_of3A] : memref<3200000xf32, #tpu.memory_space<hbm>> -> memref<5120xf32, #tpu.memory_space<hbm>>
        %dma_start3A_185 = arith.constant 0 : i32
        %dma_start3A_186 = tpu.memref_slice %arg7[%dma_start3A, %dma_start3A_185] : memref<2x5120xf32, #tpu.memory_space<vmem>> -> memref<1x5120xf32, #tpu.memory_space<vmem>>
        %dma_start3A_187 = tpu.memref_squeeze %dma_start3A_186 : memref<1x5120xf32, #tpu.memory_space<vmem>> -> memref<5120xf32, #tpu.memory_space<vmem>>
        tpu.enqueue_dma source(%dma_start3A_187 : memref<5120xf32, #tpu.memory_space<vmem>>) target(%dma_start3A_184 : memref<5120xf32, #tpu.memory_space<hbm>>) target_semaphore(%arg12 : memref<!tpu.dma_semaphore, #tpu.memory_space<semaphore_mem>>)
      } else {
      }
      %mul3A_106 = arith.constant 2 : i32
      %mul3A_107 = arith.muli %scan3A_45, %mul3A_106 : i32
      %add3A_108 = arith.constant 1 : i32
      %add3A_109 = arith.addi %mul3A_107, %add3A_108 : i32
      %mul3A_110 = arith.constant 32 : i32
      %mul3A_111 = arith.muli %add3A_109, %mul3A_110 : i32
      %add3A_112 = arith.addi %add3A, %mul3A_111 : i32
      %lt3A_113 = arith.constant 625 : i32
      %lt3A_114 = arith.cmpi slt, %add3A_112, %lt3A_113 : i32
      %convert_element_type3A_115 = arith.extui %lt3A_114 : i1 to i32
      %cond3A_116 = arith.constant 0 : i32
      %cond3A_117 = arith.cmpi ne, %convert_element_type3A_115, %cond3A_116 : i32
      scf.if %cond3A_117 {
        %dma_wait3A = arith.constant 1 : i32
        %dma_wait3A_169 = arith.constant 1 : i32
        %dma_wait3A_170 = arith.constant 0 : i32
        %dma_wait3A_171 = arith.constant 0 : i32
        %dma_wait3A_172 = tpu.memref_slice %arg6[%dma_wait3A_169, %dma_wait3A_170, %dma_wait3A_171] : memref<2x1600x32xf32, #tpu.memory_space<vmem>> -> memref<1x1600x32xf32, #tpu.memory_space<vmem>>
        %dma_wait3A_173 = tpu.memref_squeeze %dma_wait3A_172 : memref<1x1600x32xf32, #tpu.memory_space<vmem>> -> memref<1600x32xf32, #tpu.memory_space<vmem>>
        %dma_wait3A_174 = arith.constant 0 : i32
        %dma_wait3A_175 = tpu.memref_slice %arg5[%dma_wait3A, %dma_wait3A_174] : memref<2x1600xi32, #tpu.memory_space<vmem>> -> memref<1x1600xi32, #tpu.memory_space<vmem>>
        %dma_wait3A_176 = tpu.memref_squeeze %dma_wait3A_175 : memref<1x1600xi32, #tpu.memory_space<vmem>> -> memref<1600xi32, #tpu.memory_space<vmem>>
        %dma_wait3A_177 = arith.constant 0 : i32
        %dma_wait3A_178 = arith.constant 0 : i32
        %dma_wait3A_179 = tpu.memref_slice %arg2[%dma_wait3A_177, %dma_wait3A_178] : memref<100000x32xf32, #tpu.memory_space<hbm>> -> memref<100000x32xf32, #tpu.memory_space<hbm>>
        tpu.wait_indirect_dma semaphore(%arg11 : memref<!tpu.dma_semaphore, #tpu.memory_space<semaphore_mem>>) src(%dma_wait3A_179 : memref<100000x32xf32, #tpu.memory_space<hbm>>) dst(%dma_wait3A_173 : memref<1600x32xf32, #tpu.memory_space<vmem>>)
      } else {
      }
      %add3A_118 = arith.constant 2 : i32
      %add3A_119 = arith.addi %add3A_109, %add3A_118 : i32
      %mul3A_120 = arith.constant 32 : i32
      %mul3A_121 = arith.muli %add3A_119, %mul3A_120 : i32
      %add3A_122 = arith.addi %add3A, %mul3A_121 : i32
      %lt3A_123 = arith.constant 625 : i32
      %lt3A_124 = arith.cmpi slt, %add3A_122, %lt3A_123 : i32
      %convert_element_type3A_125 = arith.extui %lt3A_124 : i1 to i32
      %cond3A_126 = arith.constant 0 : i32
      %cond3A_127 = arith.cmpi ne, %convert_element_type3A_125, %cond3A_126 : i32
      scf.if %cond3A_127 {
        %add3A_169 = arith.constant 2 : i32
        %add3A_170 = arith.addi %add3A_109, %add3A_169 : i32
        %mul3A_171 = arith.constant 32 : i32
        %mul3A_172 = arith.muli %add3A_170, %mul3A_171 : i32
        %add3A_173 = arith.addi %add3A, %mul3A_172 : i32
        %dma_start3A = arith.constant 1 : i32
        %dma_start3A_174 = arith.constant 0 : i32
        %dma_start3A_175 = tpu.memref_slice %arg5[%dma_start3A, %dma_start3A_174] : memref<2x1600xi32, #tpu.memory_space<vmem>> -> memref<1x1600xi32, #tpu.memory_space<vmem>>
        %dma_start3A_176 = tpu.memref_squeeze %dma_start3A_175 : memref<1x1600xi32, #tpu.memory_space<vmem>> -> memref<1600xi32, #tpu.memory_space<vmem>>
        %dma_start3A_177 = arith.constant 0 : i32
        %dma_start3A_178 = tpu.memref_slice %arg3[%add3A_173, %dma_start3A_177] : memref<625x1600xi32, #tpu.memory_space<hbm>> -> memref<1x1600xi32, #tpu.memory_space<hbm>>
        %dma_start3A_179 = tpu.memref_squeeze %dma_start3A_178 : memref<1x1600xi32, #tpu.memory_space<hbm>> -> memref<1600xi32, #tpu.memory_space<hbm>>
        %dma_start3A_180 = arith.constant 0 : i32
        %dma_start3A_181 = tpu.memref_slice %arg5[%dma_start3A, %dma_start3A_180] : memref<2x1600xi32, #tpu.memory_space<vmem>> -> memref<1x1600xi32, #tpu.memory_space<vmem>>
        %dma_start3A_182 = tpu.memref_squeeze %dma_start3A_181 : memref<1x1600xi32, #tpu.memory_space<vmem>> -> memref<1600xi32, #tpu.memory_space<vmem>>
        %dma_start3A_183 = arith.constant 0 : i32
        %dma_start3A_184 = tpu.memref_slice %arg3[%add3A_173, %dma_start3A_183] : memref<625x1600xi32, #tpu.memory_space<hbm>> -> memref<1x1600xi32, #tpu.memory_space<hbm>>
        %dma_start3A_185 = tpu.memref_squeeze %dma_start3A_184 : memref<1x1600xi32, #tpu.memory_space<hbm>> -> memref<1600xi32, #tpu.memory_space<hbm>>
        tpu.enqueue_dma source(%dma_start3A_185 : memref<1600xi32, #tpu.memory_space<hbm>>) target(%dma_start3A_182 : memref<1600xi32, #tpu.memory_space<vmem>>) target_semaphore(%arg9 : memref<!tpu.dma_semaphore, #tpu.memory_space<semaphore_mem>>)
      } else {
      }
      %add3A_128 = arith.constant 1 : i32
      %add3A_129 = arith.addi %add3A_109, %add3A_128 : i32
      %mul3A_130 = arith.constant 32 : i32
      %mul3A_131 = arith.muli %add3A_129, %mul3A_130 : i32
      %add3A_132 = arith.addi %add3A, %mul3A_131 : i32
      %lt3A_133 = arith.constant 625 : i32
      %lt3A_134 = arith.cmpi slt, %add3A_132, %lt3A_133 : i32
      %convert_element_type3A_135 = arith.extui %lt3A_134 : i1 to i32
      %cond3A_136 = arith.constant 0 : i32
      %cond3A_137 = arith.cmpi ne, %convert_element_type3A_135, %cond3A_136 : i32
      scf.if %cond3A_137 {
        %add3A_169 = arith.constant 1 : i32
        %add3A_170 = arith.addi %add3A_109, %add3A_169 : i32
        %mul3A_171 = arith.constant 32 : i32
        %mul3A_172 = arith.muli %add3A_170, %mul3A_171 : i32
        %add3A_173 = arith.addi %add3A, %mul3A_172 : i32
        %dma_wait3A = arith.constant 0 : i32
        %dma_wait3A_174 = arith.constant 0 : i32
        %dma_wait3A_175 = tpu.memref_slice %arg5[%dma_wait3A, %dma_wait3A_174] : memref<2x1600xi32, #tpu.memory_space<vmem>> -> memref<1x1600xi32, #tpu.memory_space<vmem>>
        %dma_wait3A_176 = tpu.memref_squeeze %dma_wait3A_175 : memref<1x1600xi32, #tpu.memory_space<vmem>> -> memref<1600xi32, #tpu.memory_space<vmem>>
        %dma_wait3A_177 = arith.constant 0 : i32
        %dma_wait3A_178 = tpu.memref_slice %arg3[%add3A_173, %dma_wait3A_177] : memref<625x1600xi32, #tpu.memory_space<hbm>> -> memref<1x1600xi32, #tpu.memory_space<hbm>>
        %dma_wait3A_179 = tpu.memref_squeeze %dma_wait3A_178 : memref<1x1600xi32, #tpu.memory_space<hbm>> -> memref<1600xi32, #tpu.memory_space<hbm>>
        %dma_wait3A_180 = arith.constant 0 : i32
        %dma_wait3A_181 = tpu.memref_slice %arg5[%dma_wait3A, %dma_wait3A_180] : memref<2x1600xi32, #tpu.memory_space<vmem>> -> memref<1x1600xi32, #tpu.memory_space<vmem>>
        %dma_wait3A_182 = tpu.memref_squeeze %dma_wait3A_181 : memref<1x1600xi32, #tpu.memory_space<vmem>> -> memref<1600xi32, #tpu.memory_space<vmem>>
        %dma_wait3A_183 = arith.constant 0 : i32
        %dma_wait3A_184 = tpu.memref_slice %arg3[%add3A_173, %dma_wait3A_183] : memref<625x1600xi32, #tpu.memory_space<hbm>> -> memref<1x1600xi32, #tpu.memory_space<hbm>>
        %dma_wait3A_185 = tpu.memref_squeeze %dma_wait3A_184 : memref<1x1600xi32, #tpu.memory_space<hbm>> -> memref<1600xi32, #tpu.memory_space<hbm>>
        tpu.wait_dma2 semaphore(%arg8 : memref<!tpu.dma_semaphore, #tpu.memory_space<semaphore_mem>>) src(%dma_wait3A_185 : memref<1600xi32, #tpu.memory_space<hbm>>) dst(%dma_wait3A_182 : memref<1600xi32, #tpu.memory_space<vmem>>)
      } else {
      }
      %add3A_138 = arith.constant 1 : i32
      %add3A_139 = arith.addi %add3A_109, %add3A_138 : i32
      %mul3A_140 = arith.constant 32 : i32
      %mul3A_141 = arith.muli %add3A_139, %mul3A_140 : i32
      %add3A_142 = arith.addi %add3A, %mul3A_141 : i32
      %lt3A_143 = arith.constant 625 : i32
      %lt3A_144 = arith.cmpi slt, %add3A_142, %lt3A_143 : i32
      %convert_element_type3A_145 = arith.extui %lt3A_144 : i1 to i32
      %cond3A_146 = arith.constant 0 : i32
      %cond3A_147 = arith.cmpi ne, %convert_element_type3A_145, %cond3A_146 : i32
      scf.if %cond3A_147 {
        %dma_start3A = arith.constant 0 : i32
        %dma_start3A_169 = arith.constant 0 : i32
        %dma_start3A_170 = arith.constant 0 : i32
        %dma_start3A_171 = arith.constant 0 : i32
        %dma_start3A_172 = tpu.memref_slice %arg6[%dma_start3A_169, %dma_start3A_170, %dma_start3A_171] : memref<2x1600x32xf32, #tpu.memory_space<vmem>> -> memref<1x1600x32xf32, #tpu.memory_space<vmem>>
        %dma_start3A_173 = tpu.memref_squeeze %dma_start3A_172 : memref<1x1600x32xf32, #tpu.memory_space<vmem>> -> memref<1600x32xf32, #tpu.memory_space<vmem>>
        %dma_start3A_174 = arith.constant 0 : i32
        %dma_start3A_175 = tpu.memref_slice %arg5[%dma_start3A, %dma_start3A_174] : memref<2x1600xi32, #tpu.memory_space<vmem>> -> memref<1x1600xi32, #tpu.memory_space<vmem>>
        %dma_start3A_176 = tpu.memref_squeeze %dma_start3A_175 : memref<1x1600xi32, #tpu.memory_space<vmem>> -> memref<1600xi32, #tpu.memory_space<vmem>>
        %dma_start3A_177 = arith.constant 0 : i32
        %dma_start3A_178 = arith.constant 0 : i32
        %dma_start3A_179 = tpu.memref_slice %arg2[%dma_start3A_177, %dma_start3A_178] : memref<100000x32xf32, #tpu.memory_space<hbm>> -> memref<100000x32xf32, #tpu.memory_space<hbm>>
        tpu.enqueue_indirect_dma source(%dma_start3A_179 : memref<100000x32xf32, #tpu.memory_space<hbm>>) target(%dma_start3A_173 : memref<1600x32xf32, #tpu.memory_space<vmem>>) offsets(%dma_start3A_176 : memref<1600xi32, #tpu.memory_space<vmem>>) semaphore(%arg10 : memref<!tpu.dma_semaphore, #tpu.memory_space<semaphore_mem>>)
      } else {
      }
      %ge3A_148 = arith.constant 1 : i32
      %ge3A_149 = arith.cmpi sge, %scan3A_45, %ge3A_148 : i32
      %sub3A_150 = arith.constant 2 : i32
      %sub3A_151 = arith.subi %add3A_109, %sub3A_150 : i32
      %mul3A_152 = arith.constant 32 : i32
      %mul3A_153 = arith.muli %sub3A_151, %mul3A_152 : i32
      %add3A_154 = arith.addi %add3A, %mul3A_153 : i32
      %lt3A_155 = arith.constant 625 : i32
      %lt3A_156 = arith.cmpi slt, %add3A_154, %lt3A_155 : i32
      %and3A_157 = arith.andi %ge3A_149, %lt3A_156 : i1
      %convert_element_type3A_158 = arith.extui %and3A_157 : i1 to i32
      %cond3A_159 = arith.constant 0 : i32
      %cond3A_160 = arith.cmpi ne, %convert_element_type3A_158, %cond3A_159 : i32
      scf.if %cond3A_160 {
        %sub3A_169 = arith.constant 2 : i32
        %sub3A_170 = arith.subi %add3A_109, %sub3A_169 : i32
        %mul3A_171 = arith.constant 32 : i32
        %mul3A_172 = arith.muli %sub3A_170, %mul3A_171 : i32
        %add3A_173 = arith.addi %add3A, %mul3A_172 : i32
        %mul3A_174 = arith.constant 5120 : i32
        %mul3A_175 = arith.muli %add3A_173, %mul3A_174 : i32
        %multiple_of3A = tpu.assume_multiple %mul3A_175, 8 : i32
        %dma_wait3A = arith.constant 1 : i32
        %dma_wait3A_176 = arith.constant 0 : i32
        %dma_wait3A_177 = tpu.memref_slice %arg7[%dma_wait3A, %dma_wait3A_176] : memref<2x5120xf32, #tpu.memory_space<vmem>> -> memref<1x5120xf32, #tpu.memory_space<vmem>>
        %dma_wait3A_178 = tpu.memref_squeeze %dma_wait3A_177 : memref<1x5120xf32, #tpu.memory_space<vmem>> -> memref<5120xf32, #tpu.memory_space<vmem>>
        %dma_wait3A_179 = tpu.memref_slice %arg4[%multiple_of3A] : memref<3200000xf32, #tpu.memory_space<hbm>> -> memref<5120xf32, #tpu.memory_space<hbm>>
        %dma_wait3A_180 = tpu.memref_slice %arg4[%multiple_of3A] : memref<3200000xf32, #tpu.memory_space<hbm>> -> memref<5120xf32, #tpu.memory_space<hbm>>
        %dma_wait3A_181 = arith.constant 0 : i32
        %dma_wait3A_182 = tpu.memref_slice %arg7[%dma_wait3A, %dma_wait3A_181] : memref<2x5120xf32, #tpu.memory_space<vmem>> -> memref<1x5120xf32, #tpu.memory_space<vmem>>
        %dma_wait3A_183 = tpu.memref_squeeze %dma_wait3A_182 : memref<1x5120xf32, #tpu.memory_space<vmem>> -> memref<5120xf32, #tpu.memory_space<vmem>>
        tpu.wait_dma2 semaphore(%arg13 : memref<!tpu.dma_semaphore, #tpu.memory_space<semaphore_mem>>) src(%dma_wait3A_183 : memref<5120xf32, #tpu.memory_space<vmem>>) dst(%dma_wait3A_180 : memref<5120xf32, #tpu.memory_space<hbm>>)
      } else {
      }
      %mul3A_161 = arith.constant 32 : i32
      %mul3A_162 = arith.muli %add3A_109, %mul3A_161 : i32
      %add3A_163 = arith.addi %add3A, %mul3A_162 : i32
      %lt3A_164 = arith.constant 625 : i32
      %lt3A_165 = arith.cmpi slt, %add3A_163, %lt3A_164 : i32
      %convert_element_type3A_166 = arith.extui %lt3A_165 : i1 to i32
      %cond3A_167 = arith.constant 0 : i32
      %cond3A_168 = arith.cmpi ne, %convert_element_type3A_166, %cond3A_167 : i32
      scf.if %cond3A_168 {
        %scan3A_169 = arith.constant 0 : i32
        %scan3A_170 = arith.constant 0 : i32
        %scan3A_171 = arith.constant 160 : i32
        %scan3A_172 = arith.addi %scan3A_170, %scan3A_171 : i32
        %scan3A_173 = arith.constant 1 : i32
        scf.for %scan3A_188 = %scan3A_170 to %scan3A_172 step %scan3A_173  : i32 {
          %mul3A_189 = arith.constant 10 : i32
          %mul3A_190 = arith.muli %scan3A_188, %mul3A_189 : i32
          %get3A = arith.constant 1 : i32
          %get3A_191 = arith.index_cast %get3A : i32 to index
          %get3A_192 = arith.index_cast %mul3A_190 : i32 to index
          %get3A_193 = arith.constant 0 : index
          %get3A_194 = tpu.vector_load %arg6[%get3A_191, %get3A_192, %get3A_193] {strides = array<i32>} : memref<2x1600x32xf32, #tpu.memory_space<vmem>>, vector<1x1x16xf32>,
          %get3A_195 = vector.shape_cast %get3A_194 : vector<1x1x16xf32> to vector<16xf32>
          %get3A_196 = arith.constant 1 : i32
          %get3A_197 = arith.index_cast %get3A_196 : i32 to index
          %get3A_198 = arith.index_cast %mul3A_190 : i32 to index
          %get3A_199 = arith.constant 16 : index
          %get3A_200 = tpu.vector_load %arg6[%get3A_197, %get3A_198, %get3A_199] {strides = array<i32>} : memref<2x1600x32xf32, #tpu.memory_space<vmem>>, vector<1x1x16xf32>,
          %get3A_201 = vector.shape_cast %get3A_200 : vector<1x1x16xf32> to vector<16xf32>
          %add3A_202 = arith.constant 1 : i32
          %add3A_203 = arith.addi %mul3A_190, %add3A_202 : i32
          %get3A_204 = arith.constant 1 : i32
          %get3A_205 = arith.index_cast %get3A_204 : i32 to index
          %get3A_206 = arith.index_cast %add3A_203 : i32 to index
          %get3A_207 = arith.constant 0 : index
          %get3A_208 = tpu.vector_load %arg6[%get3A_205, %get3A_206, %get3A_207] {strides = array<i32>} : memref<2x1600x32xf32, #tpu.memory_space<vmem>>, vector<1x1x16xf32>,
          %get3A_209 = vector.shape_cast %get3A_208 : vector<1x1x16xf32> to vector<16xf32>
          %add3A_210 = arith.addf %get3A_195, %get3A_209 : vector<16xf32>
          %add3A_211 = arith.constant 1 : i32
          %add3A_212 = arith.addi %mul3A_190, %add3A_211 : i32
          %get3A_213 = arith.constant 1 : i32
          %get3A_214 = arith.index_cast %get3A_213 : i32 to index
          %get3A_215 = arith.index_cast %add3A_212 : i32 to index
          %get3A_216 = arith.constant 16 : index
          %get3A_217 = tpu.vector_load %arg6[%get3A_214, %get3A_215, %get3A_216] {strides = array<i32>} : memref<2x1600x32xf32, #tpu.memory_space<vmem>>, vector<1x1x16xf32>,
          %get3A_218 = vector.shape_cast %get3A_217 : vector<1x1x16xf32> to vector<16xf32>
          %add3A_219 = arith.addf %get3A_201, %get3A_218 : vector<16xf32>
          %add3A_220 = arith.constant 2 : i32
          %add3A_221 = arith.addi %mul3A_190, %add3A_220 : i32
          %get3A_222 = arith.constant 1 : i32
          %get3A_223 = arith.index_cast %get3A_222 : i32 to index
          %get3A_224 = arith.index_cast %add3A_221 : i32 to index
          %get3A_225 = arith.constant 0 : index
          %get3A_226 = tpu.vector_load %arg6[%get3A_223, %get3A_224, %get3A_225] {strides = array<i32>} : memref<2x1600x32xf32, #tpu.memory_space<vmem>>, vector<1x1x16xf32>,
          %get3A_227 = vector.shape_cast %get3A_226 : vector<1x1x16xf32> to vector<16xf32>
          %add3A_228 = arith.addf %add3A_210, %get3A_227 : vector<16xf32>
          %add3A_229 = arith.constant 2 : i32
          %add3A_230 = arith.addi %mul3A_190, %add3A_229 : i32
          %get3A_231 = arith.constant 1 : i32
          %get3A_232 = arith.index_cast %get3A_231 : i32 to index
          %get3A_233 = arith.index_cast %add3A_230 : i32 to index
          %get3A_234 = arith.constant 16 : index
          %get3A_235 = tpu.vector_load %arg6[%get3A_232, %get3A_233, %get3A_234] {strides = array<i32>} : memref<2x1600x32xf32, #tpu.memory_space<vmem>>, vector<1x1x16xf32>,
          %get3A_236 = vector.shape_cast %get3A_235 : vector<1x1x16xf32> to vector<16xf32>
          %add3A_237 = arith.addf %add3A_219, %get3A_236 : vector<16xf32>
          %add3A_238 = arith.constant 3 : i32
          %add3A_239 = arith.addi %mul3A_190, %add3A_238 : i32
          %get3A_240 = arith.constant 1 : i32
          %get3A_241 = arith.index_cast %get3A_240 : i32 to index
          %get3A_242 = arith.index_cast %add3A_239 : i32 to index
          %get3A_243 = arith.constant 0 : index
          %get3A_244 = tpu.vector_load %arg6[%get3A_241, %get3A_242, %get3A_243] {strides = array<i32>} : memref<2x1600x32xf32, #tpu.memory_space<vmem>>, vector<1x1x16xf32>,
          %get3A_245 = vector.shape_cast %get3A_244 : vector<1x1x16xf32> to vector<16xf32>
          %add3A_246 = arith.addf %add3A_228, %get3A_245 : vector<16xf32>
          %add3A_247 = arith.constant 3 : i32
          %add3A_248 = arith.addi %mul3A_190, %add3A_247 : i32
          %get3A_249 = arith.constant 1 : i32
          %get3A_250 = arith.index_cast %get3A_249 : i32 to index
          %get3A_251 = arith.index_cast %add3A_248 : i32 to index
          %get3A_252 = arith.constant 16 : index
          %get3A_253 = tpu.vector_load %arg6[%get3A_250, %get3A_251, %get3A_252] {strides = array<i32>} : memref<2x1600x32xf32, #tpu.memory_space<vmem>>, vector<1x1x16xf32>,
          %get3A_254 = vector.shape_cast %get3A_253 : vector<1x1x16xf32> to vector<16xf32>
          %add3A_255 = arith.addf %add3A_237, %get3A_254 : vector<16xf32>
          %add3A_256 = arith.constant 4 : i32
          %add3A_257 = arith.addi %mul3A_190, %add3A_256 : i32
          %get3A_258 = arith.constant 1 : i32
          %get3A_259 = arith.index_cast %get3A_258 : i32 to index
          %get3A_260 = arith.index_cast %add3A_257 : i32 to index
          %get3A_261 = arith.constant 0 : index
          %get3A_262 = tpu.vector_load %arg6[%get3A_259, %get3A_260, %get3A_261] {strides = array<i32>} : memref<2x1600x32xf32, #tpu.memory_space<vmem>>, vector<1x1x16xf32>,
          %get3A_263 = vector.shape_cast %get3A_262 : vector<1x1x16xf32> to vector<16xf32>
          %add3A_264 = arith.addf %add3A_246, %get3A_263 : vector<16xf32>
          %add3A_265 = arith.constant 4 : i32
          %add3A_266 = arith.addi %mul3A_190, %add3A_265 : i32
          %get3A_267 = arith.constant 1 : i32
          %get3A_268 = arith.index_cast %get3A_267 : i32 to index
          %get3A_269 = arith.index_cast %add3A_266 : i32 to index
          %get3A_270 = arith.constant 16 : index
          %get3A_271 = tpu.vector_load %arg6[%get3A_268, %get3A_269, %get3A_270] {strides = array<i32>} : memref<2x1600x32xf32, #tpu.memory_space<vmem>>, vector<1x1x16xf32>,
          %get3A_272 = vector.shape_cast %get3A_271 : vector<1x1x16xf32> to vector<16xf32>
          %add3A_273 = arith.addf %add3A_255, %get3A_272 : vector<16xf32>
          %add3A_274 = arith.constant 5 : i32
          %add3A_275 = arith.addi %mul3A_190, %add3A_274 : i32
          %get3A_276 = arith.constant 1 : i32
          %get3A_277 = arith.index_cast %get3A_276 : i32 to index
          %get3A_278 = arith.index_cast %add3A_275 : i32 to index
          %get3A_279 = arith.constant 0 : index
          %get3A_280 = tpu.vector_load %arg6[%get3A_277, %get3A_278, %get3A_279] {strides = array<i32>} : memref<2x1600x32xf32, #tpu.memory_space<vmem>>, vector<1x1x16xf32>,
          %get3A_281 = vector.shape_cast %get3A_280 : vector<1x1x16xf32> to vector<16xf32>
          %add3A_282 = arith.addf %add3A_264, %get3A_281 : vector<16xf32>
          %add3A_283 = arith.constant 5 : i32
          %add3A_284 = arith.addi %mul3A_190, %add3A_283 : i32
          %get3A_285 = arith.constant 1 : i32
          %get3A_286 = arith.index_cast %get3A_285 : i32 to index
          %get3A_287 = arith.index_cast %add3A_284 : i32 to index
          %get3A_288 = arith.constant 16 : index
          %get3A_289 = tpu.vector_load %arg6[%get3A_286, %get3A_287, %get3A_288] {strides = array<i32>} : memref<2x1600x32xf32, #tpu.memory_space<vmem>>, vector<1x1x16xf32>,
          %get3A_290 = vector.shape_cast %get3A_289 : vector<1x1x16xf32> to vector<16xf32>
          %add3A_291 = arith.addf %add3A_273, %get3A_290 : vector<16xf32>
          %add3A_292 = arith.constant 6 : i32
          %add3A_293 = arith.addi %mul3A_190, %add3A_292 : i32
          %get3A_294 = arith.constant 1 : i32
          %get3A_295 = arith.index_cast %get3A_294 : i32 to index
          %get3A_296 = arith.index_cast %add3A_293 : i32 to index
          %get3A_297 = arith.constant 0 : index
          %get3A_298 = tpu.vector_load %arg6[%get3A_295, %get3A_296, %get3A_297] {strides = array<i32>} : memref<2x1600x32xf32, #tpu.memory_space<vmem>>, vector<1x1x16xf32>,
          %get3A_299 = vector.shape_cast %get3A_298 : vector<1x1x16xf32> to vector<16xf32>
          %add3A_300 = arith.addf %add3A_282, %get3A_299 : vector<16xf32>
          %add3A_301 = arith.constant 6 : i32
          %add3A_302 = arith.addi %mul3A_190, %add3A_301 : i32
          %get3A_303 = arith.constant 1 : i32
          %get3A_304 = arith.index_cast %get3A_303 : i32 to index
          %get3A_305 = arith.index_cast %add3A_302 : i32 to index
          %get3A_306 = arith.constant 16 : index
          %get3A_307 = tpu.vector_load %arg6[%get3A_304, %get3A_305, %get3A_306] {strides = array<i32>} : memref<2x1600x32xf32, #tpu.memory_space<vmem>>, vector<1x1x16xf32>,
          %get3A_308 = vector.shape_cast %get3A_307 : vector<1x1x16xf32> to vector<16xf32>
          %add3A_309 = arith.addf %add3A_291, %get3A_308 : vector<16xf32>
          %add3A_310 = arith.constant 7 : i32
          %add3A_311 = arith.addi %mul3A_190, %add3A_310 : i32
          %get3A_312 = arith.constant 1 : i32
          %get3A_313 = arith.index_cast %get3A_312 : i32 to index
          %get3A_314 = arith.index_cast %add3A_311 : i32 to index
          %get3A_315 = arith.constant 0 : index
          %get3A_316 = tpu.vector_load %arg6[%get3A_313, %get3A_314, %get3A_315] {strides = array<i32>} : memref<2x1600x32xf32, #tpu.memory_space<vmem>>, vector<1x1x16xf32>,
          %get3A_317 = vector.shape_cast %get3A_316 : vector<1x1x16xf32> to vector<16xf32>
          %add3A_318 = arith.addf %add3A_300, %get3A_317 : vector<16xf32>
          %add3A_319 = arith.constant 7 : i32
          %add3A_320 = arith.addi %mul3A_190, %add3A_319 : i32
          %get3A_321 = arith.constant 1 : i32
          %get3A_322 = arith.index_cast %get3A_321 : i32 to index
          %get3A_323 = arith.index_cast %add3A_320 : i32 to index
          %get3A_324 = arith.constant 16 : index
          %get3A_325 = tpu.vector_load %arg6[%get3A_322, %get3A_323, %get3A_324] {strides = array<i32>} : memref<2x1600x32xf32, #tpu.memory_space<vmem>>, vector<1x1x16xf32>,
          %get3A_326 = vector.shape_cast %get3A_325 : vector<1x1x16xf32> to vector<16xf32>
          %add3A_327 = arith.addf %add3A_309, %get3A_326 : vector<16xf32>
          %add3A_328 = arith.constant 8 : i32
          %add3A_329 = arith.addi %mul3A_190, %add3A_328 : i32
          %get3A_330 = arith.constant 1 : i32
          %get3A_331 = arith.index_cast %get3A_330 : i32 to index
          %get3A_332 = arith.index_cast %add3A_329 : i32 to index
          %get3A_333 = arith.constant 0 : index
          %get3A_334 = tpu.vector_load %arg6[%get3A_331, %get3A_332, %get3A_333] {strides = array<i32>} : memref<2x1600x32xf32, #tpu.memory_space<vmem>>, vector<1x1x16xf32>,
          %get3A_335 = vector.shape_cast %get3A_334 : vector<1x1x16xf32> to vector<16xf32>
          %add3A_336 = arith.addf %add3A_318, %get3A_335 : vector<16xf32>
          %add3A_337 = arith.constant 8 : i32
          %add3A_338 = arith.addi %mul3A_190, %add3A_337 : i32
          %get3A_339 = arith.constant 1 : i32
          %get3A_340 = arith.index_cast %get3A_339 : i32 to index
          %get3A_341 = arith.index_cast %add3A_338 : i32 to index
          %get3A_342 = arith.constant 16 : index
          %get3A_343 = tpu.vector_load %arg6[%get3A_340, %get3A_341, %get3A_342] {strides = array<i32>} : memref<2x1600x32xf32, #tpu.memory_space<vmem>>, vector<1x1x16xf32>,
          %get3A_344 = vector.shape_cast %get3A_343 : vector<1x1x16xf32> to vector<16xf32>
          %add3A_345 = arith.addf %add3A_327, %get3A_344 : vector<16xf32>
          %add3A_346 = arith.constant 9 : i32
          %add3A_347 = arith.addi %mul3A_190, %add3A_346 : i32
          %get3A_348 = arith.constant 1 : i32
          %get3A_349 = arith.index_cast %get3A_348 : i32 to index
          %get3A_350 = arith.index_cast %add3A_347 : i32 to index
          %get3A_351 = arith.constant 0 : index
          %get3A_352 = tpu.vector_load %arg6[%get3A_349, %get3A_350, %get3A_351] {strides = array<i32>} : memref<2x1600x32xf32, #tpu.memory_space<vmem>>, vector<1x1x16xf32>,
          %get3A_353 = vector.shape_cast %get3A_352 : vector<1x1x16xf32> to vector<16xf32>
          %add3A_354 = arith.addf %add3A_336, %get3A_353 : vector<16xf32>
          %add3A_355 = arith.constant 9 : i32
          %add3A_356 = arith.addi %mul3A_190, %add3A_355 : i32
          %get3A_357 = arith.constant 1 : i32
          %get3A_358 = arith.index_cast %get3A_357 : i32 to index
          %get3A_359 = arith.index_cast %add3A_356 : i32 to index
          %get3A_360 = arith.constant 16 : index
          %get3A_361 = tpu.vector_load %arg6[%get3A_358, %get3A_359, %get3A_360] {strides = array<i32>} : memref<2x1600x32xf32, #tpu.memory_space<vmem>>, vector<1x1x16xf32>,
          %get3A_362 = vector.shape_cast %get3A_361 : vector<1x1x16xf32> to vector<16xf32>
          %add3A_363 = arith.addf %add3A_345, %get3A_362 : vector<16xf32>
          %mul3A_364 = arith.constant 32 : i32
          %mul3A_365 = arith.muli %scan3A_188, %mul3A_364 : i32
          %multiple_of3A_366 = tpu.assume_multiple %mul3A_365, 8 : i32
          %swap3A = arith.constant 1 : i32
          %swap3A_367 = arith.index_cast %swap3A : i32 to index
          %swap3A_368 = arith.index_cast %multiple_of3A_366 : i32 to index
          %swap3A_369 = tpu.vector_load %arg7[%swap3A_367, %swap3A_368] {strides = array<i32>} : memref<2x5120xf32, #tpu.memory_space<vmem>>, vector<1x16xf32>,
          %swap3A_370 = vector.shape_cast %swap3A_369 : vector<1x16xf32> to vector<16xf32>
          %swap3A_371 = vector.shape_cast %add3A_354 : vector<16xf32> to vector<1x16xf32>
          tpu.vector_store %arg7[%swap3A_367, %swap3A_368], %swap3A_371 {strides = array<i32>} : memref<2x5120xf32, #tpu.memory_space<vmem>>, vector<1x16xf32>,
          %add3A_372 = arith.constant 16 : i32
          %add3A_373 = arith.addi %multiple_of3A_366, %add3A_372 : i32
          %swap3A_374 = arith.constant 1 : i32
          %swap3A_375 = arith.index_cast %swap3A_374 : i32 to index
          %swap3A_376 = arith.index_cast %add3A_373 : i32 to index
          %swap3A_377 = tpu.vector_load %arg7[%swap3A_375, %swap3A_376] {strides = array<i32>} : memref<2x5120xf32, #tpu.memory_space<vmem>>, vector<1x16xf32>,
          %swap3A_378 = vector.shape_cast %swap3A_377 : vector<1x16xf32> to vector<16xf32>
          %swap3A_379 = vector.shape_cast %add3A_363 : vector<16xf32> to vector<1x16xf32>
          tpu.vector_store %arg7[%swap3A_375, %swap3A_376], %swap3A_379 {strides = array<i32>} : memref<2x5120xf32, #tpu.memory_space<vmem>>, vector<1x16xf32>,
        }
        %scan3A_174 = arith.constant 160 : i32
        %mul3A_175 = arith.constant 32 : i32
        %mul3A_176 = arith.muli %add3A_109, %mul3A_175 : i32
        %add3A_177 = arith.addi %add3A, %mul3A_176 : i32
        %mul3A_178 = arith.constant 5120 : i32
        %mul3A_179 = arith.muli %add3A_177, %mul3A_178 : i32
        %multiple_of3A = tpu.assume_multiple %mul3A_179, 8 : i32
        %dma_start3A = arith.constant 1 : i32
        %dma_start3A_180 = arith.constant 0 : i32
        %dma_start3A_181 = tpu.memref_slice %arg7[%dma_start3A, %dma_start3A_180] : memref<2x5120xf32, #tpu.memory_space<vmem>> -> memref<1x5120xf32, #tpu.memory_space<vmem>>
        %dma_start3A_182 = tpu.memref_squeeze %dma_start3A_181 : memref<1x5120xf32, #tpu.memory_space<vmem>> -> memref<5120xf32, #tpu.memory_space<vmem>>
        %dma_start3A_183 = tpu.memref_slice %arg4[%multiple_of3A] : memref<3200000xf32, #tpu.memory_space<hbm>> -> memref<5120xf32, #tpu.memory_space<hbm>>
        %dma_start3A_184 = tpu.memref_slice %arg4[%multiple_of3A] : memref<3200000xf32, #tpu.memory_space<hbm>> -> memref<5120xf32, #tpu.memory_space<hbm>>
        %dma_start3A_185 = arith.constant 0 : i32
        %dma_start3A_186 = tpu.memref_slice %arg7[%dma_start3A, %dma_start3A_185] : memref<2x5120xf32, #tpu.memory_space<vmem>> -> memref<1x5120xf32, #tpu.memory_space<vmem>>
        %dma_start3A_187 = tpu.memref_squeeze %dma_start3A_186 : memref<1x5120xf32, #tpu.memory_space<vmem>> -> memref<5120xf32, #tpu.memory_space<vmem>>
        tpu.enqueue_dma source(%dma_start3A_187 : memref<5120xf32, #tpu.memory_space<vmem>>) target(%dma_start3A_184 : memref<5120xf32, #tpu.memory_space<hbm>>) target_semaphore(%arg13 : memref<!tpu.dma_semaphore, #tpu.memory_space<semaphore_mem>>)
      } else {
      }
    }
    %scan3A_30 = arith.constant 10 : i32
    %add3A_31 = arith.constant 576 : i32
    %add3A_32 = arith.addi %add3A, %add3A_31 : i32
    %lt3A_33 = arith.constant 625 : i32
    %lt3A_34 = arith.cmpi slt, %add3A_32, %lt3A_33 : i32
    %convert_element_type3A_35 = arith.extui %lt3A_34 : i1 to i32
    %cond3A_36 = arith.constant 0 : i32
    %cond3A_37 = arith.cmpi ne, %convert_element_type3A_35, %cond3A_36 : i32
    scf.if %cond3A_37 {
      %add3A_45 = arith.constant 576 : i32
      %add3A_46 = arith.addi %add3A, %add3A_45 : i32
      %mul3A_47 = arith.constant 5120 : i32
      %mul3A_48 = arith.muli %add3A_46, %mul3A_47 : i32
      %multiple_of3A = tpu.assume_multiple %mul3A_48, 8 : i32
      %dma_wait3A = arith.constant 0 : i32
      %dma_wait3A_49 = arith.constant 0 : i32
      %dma_wait3A_50 = tpu.memref_slice %arg7[%dma_wait3A, %dma_wait3A_49] : memref<2x5120xf32, #tpu.memory_space<vmem>> -> memref<1x5120xf32, #tpu.memory_space<vmem>>
      %dma_wait3A_51 = tpu.memref_squeeze %dma_wait3A_50 : memref<1x5120xf32, #tpu.memory_space<vmem>> -> memref<5120xf32, #tpu.memory_space<vmem>>
      %dma_wait3A_52 = tpu.memref_slice %arg4[%multiple_of3A] : memref<3200000xf32, #tpu.memory_space<hbm>> -> memref<5120xf32, #tpu.memory_space<hbm>>
      %dma_wait3A_53 = tpu.memref_slice %arg4[%multiple_of3A] : memref<3200000xf32, #tpu.memory_space<hbm>> -> memref<5120xf32, #tpu.memory_space<hbm>>
      %dma_wait3A_54 = arith.constant 0 : i32
      %dma_wait3A_55 = tpu.memref_slice %arg7[%dma_wait3A, %dma_wait3A_54] : memref<2x5120xf32, #tpu.memory_space<vmem>> -> memref<1x5120xf32, #tpu.memory_space<vmem>>
      %dma_wait3A_56 = tpu.memref_squeeze %dma_wait3A_55 : memref<1x5120xf32, #tpu.memory_space<vmem>> -> memref<5120xf32, #tpu.memory_space<vmem>>
      tpu.wait_dma2 semaphore(%arg12 : memref<!tpu.dma_semaphore, #tpu.memory_space<semaphore_mem>>) src(%dma_wait3A_56 : memref<5120xf32, #tpu.memory_space<vmem>>) dst(%dma_wait3A_53 : memref<5120xf32, #tpu.memory_space<hbm>>)
    } else {
    }
    %add3A_38 = arith.constant 608 : i32
    %add3A_39 = arith.addi %add3A, %add3A_38 : i32
    %lt3A_40 = arith.constant 625 : i32
    %lt3A_41 = arith.cmpi slt, %add3A_39, %lt3A_40 : i32
    %convert_element_type3A_42 = arith.extui %lt3A_41 : i1 to i32
    %cond3A_43 = arith.constant 0 : i32
    %cond3A_44 = arith.cmpi ne, %convert_element_type3A_42, %cond3A_43 : i32
    scf.if %cond3A_44 {
      %add3A_45 = arith.constant 608 : i32
      %add3A_46 = arith.addi %add3A, %add3A_45 : i32
      %mul3A_47 = arith.constant 5120 : i32
      %mul3A_48 = arith.muli %add3A_46, %mul3A_47 : i32
      %multiple_of3A = tpu.assume_multiple %mul3A_48, 8 : i32
      %dma_wait3A = arith.constant 1 : i32
      %dma_wait3A_49 = arith.constant 0 : i32
      %dma_wait3A_50 = tpu.memref_slice %arg7[%dma_wait3A, %dma_wait3A_49] : memref<2x5120xf32, #tpu.memory_space<vmem>> -> memref<1x5120xf32, #tpu.memory_space<vmem>>
      %dma_wait3A_51 = tpu.memref_squeeze %dma_wait3A_50 : memref<1x5120xf32, #tpu.memory_space<vmem>> -> memref<5120xf32, #tpu.memory_space<vmem>>
      %dma_wait3A_52 = tpu.memref_slice %arg4[%multiple_of3A] : memref<3200000xf32, #tpu.memory_space<hbm>> -> memref<5120xf32, #tpu.memory_space<hbm>>
      %dma_wait3A_53 = tpu.memref_slice %arg4[%multiple_of3A] : memref<3200000xf32, #tpu.memory_space<hbm>> -> memref<5120xf32, #tpu.memory_space<hbm>>
      %dma_wait3A_54 = arith.constant 0 : i32
      %dma_wait3A_55 = tpu.memref_slice %arg7[%dma_wait3A, %dma_wait3A_54] : memref<2x5120xf32, #tpu.memory_space<vmem>> -> memref<1x5120xf32, #tpu.memory_space<vmem>>
      %dma_wait3A_56 = tpu.memref_squeeze %dma_wait3A_55 : memref<1x5120xf32, #tpu.memory_space<vmem>> -> memref<5120xf32, #tpu.memory_space<vmem>>
      tpu.wait_dma2 semaphore(%arg13 : memref<!tpu.dma_semaphore, #tpu.memory_space<semaphore_mem>>) src(%dma_wait3A_56 : memref<5120xf32, #tpu.memory_space<vmem>>) dst(%dma_wait3A_53 : memref<5120xf32, #tpu.memory_space<hbm>>)
    } else {
    }
    return
  }
}

module attributes {stable_mosaic.version = 14 : i64} {
  func.func @_map_body(%arg0: i32, %arg1: memref<10000x128xf32, #tpu.memory_space<vmem>>, %arg2: memref<128x32xf32, #tpu.memory_space<vmem>>, %arg3: memref<10000x32xf32, #tpu.memory_space<vmem>>) attributes {dimension_semantics = [#tpu.dimension_semantics<arbitrary>], iteration_bounds = array<i64: 10>, scalar_prefetch = 0 : i64, scratch_operands = 0 : i64, tpu.core_type = #tpu.core_type<tc>, window_params = [{transform_indices = @transform_0, window_bounds = array<i64: 10000, 128>}, {pipeline_mode = #tpu.pipeline_mode<synchronous>, transform_indices = @transform_1, window_bounds = array<i64: 128, 32>}, {transform_indices = @transform_2, window_bounds = array<i64: 10000, 32>}]} {
    %get3A = arith.constant 0 : index
    %get3A_0 = arith.constant 0 : index
    %get3A_1 = vector.load %arg1[%get3A, %get3A_0] : memref<10000x128xf32, #tpu.memory_space<vmem>>, vector<10000x128xf32>
    %get3A_2 = arith.constant 0 : index
    %get3A_3 = arith.constant 0 : index
    %get3A_4 = vector.load %arg2[%get3A_2, %get3A_3] : memref<128x32xf32, #tpu.memory_space<vmem>>, vector<128x32xf32>
    %dot_general3A = arith.constant dense<0.000000e+00> : vector<10000x32xf32>
    %dot_general3A_5 = tpu.matmul %get3A_1, %get3A_4, %dot_general3A {dimension_numbers = #tpu.dot_dimension_numbers<[1], [0], [0], [1], [0, 0, 1, 1], [], []>, transpose_lhs_hint = false} : vector<10000x128xf32>, vector<128x32xf32>, vector<10000x32xf32> -> vector<10000x32xf32>
    %swap3A = arith.constant 0 : index
    %swap3A_6 = arith.constant 0 : index
    %swap3A_7 = vector.load %arg3[%swap3A, %swap3A_6] : memref<10000x32xf32, #tpu.memory_space<vmem>>, vector<10000x32xf32>
    tpu.vector_store %arg3[%swap3A, %swap3A_6], %dot_general3A_5 {strides = array<i32>} : memref<10000x32xf32, #tpu.memory_space<vmem>>, vector<10000x32xf32>,
    return
  }
  func.func @transform_0(%arg0: i32) -> (i32, i32) {
    %c0_i32 = arith.constant 0 : i32
    %c0_i32_0 = arith.constant 0 : i32
    return %arg0, %c0_i32 : i32, i32
  }
  func.func @transform_1(%arg0: i32) -> (i32, i32) {
    %c0_i32 = arith.constant 0 : i32
    %c0_i32_0 = arith.constant 0 : i32
    %c0_i32_1 = arith.constant 0 : i32
    return %c0_i32, %c0_i32_0 : i32, i32
  }
  func.func @transform_2(%arg0: i32) -> (i32, i32) {
    %c0_i32 = arith.constant 0 : i32
    %c0_i32_0 = arith.constant 0 : i32
    return %arg0, %c0_i32 : i32, i32
  }
}

module attributes {stable_mosaic.version = 14 : i64} {
  func.func @_update_body(%arg0: i32, %arg1: memref<1000x128xf32, #tpu.memory_space<vmem>>, %arg2: memref<1000x128xf32, #tpu.memory_space<vmem>>, %arg3: memref<128x128xf32, #tpu.memory_space<vmem>>, %arg4: memref<128x128xf32, #tpu.memory_space<vmem>>, %arg5: memref<1000x128xf32, #tpu.memory_space<vmem>>) attributes {dimension_semantics = [#tpu.dimension_semantics<arbitrary>], iteration_bounds = array<i64: 25>, scalar_prefetch = 0 : i64, scratch_operands = 0 : i64, tpu.core_type = #tpu.core_type<tc>, window_params = [{transform_indices = @transform_0, window_bounds = array<i64: 1000, 128>}, {transform_indices = @transform_1, window_bounds = array<i64: 1000, 128>}, {pipeline_mode = #tpu.pipeline_mode<synchronous>, transform_indices = @transform_2, window_bounds = array<i64: 128, 128>}, {pipeline_mode = #tpu.pipeline_mode<synchronous>, transform_indices = @transform_3, window_bounds = array<i64: 128, 128>}, {transform_indices = @transform_4, window_bounds = array<i64: 1000, 128>}]} {
    %get3A = arith.constant 0 : index
    %get3A_0 = arith.constant 0 : index
    %get3A_1 = vector.load %arg1[%get3A, %get3A_0] : memref<1000x128xf32, #tpu.memory_space<vmem>>, vector<1000x128xf32>
    %get3A_2 = arith.constant 0 : index
    %get3A_3 = arith.constant 0 : index
    %get3A_4 = vector.load %arg2[%get3A_2, %get3A_3] : memref<1000x128xf32, #tpu.memory_space<vmem>>, vector<1000x128xf32>
    %add3A = arith.addf %get3A_1, %get3A_4 : vector<1000x128xf32>
    %mul3A = arith.constant 0.0384615399 : f32
    %mul3A_5 = vector.broadcast %mul3A : f32 to vector<1000x128xf32>
    %mul3A_6 = arith.mulf %add3A, %mul3A_5 : vector<1000x128xf32>
    %get3A_7 = arith.constant 0 : index
    %get3A_8 = arith.constant 0 : index
    %get3A_9 = vector.load %arg3[%get3A_7, %get3A_8] : memref<128x128xf32, #tpu.memory_space<vmem>>, vector<128x128xf32>
    %dot_general3A = arith.constant dense<0.000000e+00> : vector<1000x128xf32>
    %dot_general3A_10 = tpu.matmul %mul3A_6, %get3A_9, %dot_general3A {dimension_numbers = #tpu.dot_dimension_numbers<[1], [0], [0], [1], [0, 0, 1, 1], [], []>, transpose_lhs_hint = false} : vector<1000x128xf32>, vector<128x128xf32>, vector<1000x128xf32> -> vector<1000x128xf32>
    %max3A = arith.constant 0.000000e+00 : f32
    %max3A_11 = vector.broadcast %max3A : f32 to vector<1000x128xf32>
    %max3A_12 = arith.maximumf %dot_general3A_10, %max3A_11 : vector<1000x128xf32>
    %mul3A_13 = arith.mulf %max3A_12, %max3A_12 : vector<1000x128xf32>
    %get3A_14 = arith.constant 0 : index
    %get3A_15 = arith.constant 0 : index
    %get3A_16 = vector.load %arg4[%get3A_14, %get3A_15] : memref<128x128xf32, #tpu.memory_space<vmem>>, vector<128x128xf32>
    %dot_general3A_17 = arith.constant dense<0.000000e+00> : vector<1000x128xf32>
    %dot_general3A_18 = tpu.matmul %mul3A_13, %get3A_16, %dot_general3A_17 {dimension_numbers = #tpu.dot_dimension_numbers<[1], [0], [0], [1], [0, 0, 1, 1], [], []>, transpose_lhs_hint = false} : vector<1000x128xf32>, vector<128x128xf32>, vector<1000x128xf32> -> vector<1000x128xf32>
    %sqrt3A = math.sqrt %dot_general3A_18 : vector<1000x128xf32>
    %max3A_19 = arith.constant 9.99999996E-13 : f32
    %max3A_20 = vector.broadcast %max3A_19 : f32 to vector<1000x128xf32>
    %max3A_21 = arith.maximumf %sqrt3A, %max3A_20 : vector<1000x128xf32>
    %div3A = arith.divf %max3A_12, %max3A_21 : vector<1000x128xf32>
    %swap3A = arith.constant 0 : index
    %swap3A_22 = arith.constant 0 : index
    %swap3A_23 = vector.load %arg5[%swap3A, %swap3A_22] : memref<1000x128xf32, #tpu.memory_space<vmem>>, vector<1000x128xf32>
    tpu.vector_store %arg5[%swap3A, %swap3A_22], %div3A {strides = array<i32>} : memref<1000x128xf32, #tpu.memory_space<vmem>>, vector<1000x128xf32>,
    return
  }
  func.func @transform_0(%arg0: i32) -> (i32, i32) {
    %c0_i32 = arith.constant 0 : i32
    %c0_i32_0 = arith.constant 0 : i32
    return %arg0, %c0_i32 : i32, i32
  }
  func.func @transform_1(%arg0: i32) -> (i32, i32) {
    %c0_i32 = arith.constant 0 : i32
    %c0_i32_0 = arith.constant 0 : i32
    return %arg0, %c0_i32 : i32, i32
  }
  func.func @transform_2(%arg0: i32) -> (i32, i32) {
    %c0_i32 = arith.constant 0 : i32
    %c0_i32_0 = arith.constant 0 : i32
    %c0_i32_1 = arith.constant 0 : i32
    return %c0_i32, %c0_i32_0 : i32, i32
  }
  func.func @transform_3(%arg0: i32) -> (i32, i32) {
    %c0_i32 = arith.constant 0 : i32
    %c0_i32_0 = arith.constant 0 : i32
    %c0_i32_1 = arith.constant 0 : i32
    return %c0_i32, %c0_i32_0 : i32, i32
  }
  func.func @transform_4(%arg0: i32) -> (i32, i32) {
    %c0_i32 = arith.constant 0 : i32
    %c0_i32_0 = arith.constant 0 : i32
    return %arg0, %c0_i32 : i32, i32
  }
}

module attributes {stable_mosaic.version = 14 : i64} {
  func.func @_update_body(%arg0: i32, %arg1: memref<1000x128xf32, #tpu.memory_space<vmem>>, %arg2: memref<1000x128xf32, #tpu.memory_space<vmem>>, %arg3: memref<128x128xf32, #tpu.memory_space<vmem>>, %arg4: memref<128x128xf32, #tpu.memory_space<vmem>>, %arg5: memref<1000x128xf32, #tpu.memory_space<vmem>>) attributes {dimension_semantics = [#tpu.dimension_semantics<arbitrary>], iteration_bounds = array<i64: 25>, scalar_prefetch = 0 : i64, scratch_operands = 0 : i64, tpu.core_type = #tpu.core_type<tc>, window_params = [{transform_indices = @transform_0, window_bounds = array<i64: 1000, 128>}, {transform_indices = @transform_1, window_bounds = array<i64: 1000, 128>}, {pipeline_mode = #tpu.pipeline_mode<synchronous>, transform_indices = @transform_2, window_bounds = array<i64: 128, 128>}, {pipeline_mode = #tpu.pipeline_mode<synchronous>, transform_indices = @transform_3, window_bounds = array<i64: 128, 128>}, {transform_indices = @transform_4, window_bounds = array<i64: 1000, 128>}]} {
    %get3A = arith.constant 0 : index
    %get3A_0 = arith.constant 0 : index
    %get3A_1 = vector.load %arg1[%get3A, %get3A_0] : memref<1000x128xf32, #tpu.memory_space<vmem>>, vector<1000x128xf32>
    %get3A_2 = arith.constant 0 : index
    %get3A_3 = arith.constant 0 : index
    %get3A_4 = vector.load %arg2[%get3A_2, %get3A_3] : memref<1000x128xf32, #tpu.memory_space<vmem>>, vector<1000x128xf32>
    %add3A = arith.addf %get3A_1, %get3A_4 : vector<1000x128xf32>
    %mul3A = arith.constant 0.0909090936 : f32
    %mul3A_5 = vector.broadcast %mul3A : f32 to vector<1000x128xf32>
    %mul3A_6 = arith.mulf %add3A, %mul3A_5 : vector<1000x128xf32>
    %get3A_7 = arith.constant 0 : index
    %get3A_8 = arith.constant 0 : index
    %get3A_9 = vector.load %arg3[%get3A_7, %get3A_8] : memref<128x128xf32, #tpu.memory_space<vmem>>, vector<128x128xf32>
    %dot_general3A = arith.constant dense<0.000000e+00> : vector<1000x128xf32>
    %dot_general3A_10 = tpu.matmul %mul3A_6, %get3A_9, %dot_general3A {dimension_numbers = #tpu.dot_dimension_numbers<[1], [0], [0], [1], [0, 0, 1, 1], [], []>, transpose_lhs_hint = false} : vector<1000x128xf32>, vector<128x128xf32>, vector<1000x128xf32> -> vector<1000x128xf32>
    %max3A = arith.constant 0.000000e+00 : f32
    %max3A_11 = vector.broadcast %max3A : f32 to vector<1000x128xf32>
    %max3A_12 = arith.maximumf %dot_general3A_10, %max3A_11 : vector<1000x128xf32>
    %mul3A_13 = arith.mulf %max3A_12, %max3A_12 : vector<1000x128xf32>
    %get3A_14 = arith.constant 0 : index
    %get3A_15 = arith.constant 0 : index
    %get3A_16 = vector.load %arg4[%get3A_14, %get3A_15] : memref<128x128xf32, #tpu.memory_space<vmem>>, vector<128x128xf32>
    %dot_general3A_17 = arith.constant dense<0.000000e+00> : vector<1000x128xf32>
    %dot_general3A_18 = tpu.matmul %mul3A_13, %get3A_16, %dot_general3A_17 {dimension_numbers = #tpu.dot_dimension_numbers<[1], [0], [0], [1], [0, 0, 1, 1], [], []>, transpose_lhs_hint = false} : vector<1000x128xf32>, vector<128x128xf32>, vector<1000x128xf32> -> vector<1000x128xf32>
    %sqrt3A = math.sqrt %dot_general3A_18 : vector<1000x128xf32>
    %max3A_19 = arith.constant 9.99999996E-13 : f32
    %max3A_20 = vector.broadcast %max3A_19 : f32 to vector<1000x128xf32>
    %max3A_21 = arith.maximumf %sqrt3A, %max3A_20 : vector<1000x128xf32>
    %div3A = arith.divf %max3A_12, %max3A_21 : vector<1000x128xf32>
    %swap3A = arith.constant 0 : index
    %swap3A_22 = arith.constant 0 : index
    %swap3A_23 = vector.load %arg5[%swap3A, %swap3A_22] : memref<1000x128xf32, #tpu.memory_space<vmem>>, vector<1000x128xf32>
    tpu.vector_store %arg5[%swap3A, %swap3A_22], %div3A {strides = array<i32>} : memref<1000x128xf32, #tpu.memory_space<vmem>>, vector<1000x128xf32>,
    return
  }
  func.func @transform_0(%arg0: i32) -> (i32, i32) {
    %c0_i32 = arith.constant 0 : i32
    %c0_i32_0 = arith.constant 0 : i32
    return %arg0, %c0_i32 : i32, i32
  }
  func.func @transform_1(%arg0: i32) -> (i32, i32) {
    %c0_i32 = arith.constant 0 : i32
    %c0_i32_0 = arith.constant 0 : i32
    return %arg0, %c0_i32 : i32, i32
  }
  func.func @transform_2(%arg0: i32) -> (i32, i32) {
    %c0_i32 = arith.constant 0 : i32
    %c0_i32_0 = arith.constant 0 : i32
    %c0_i32_1 = arith.constant 0 : i32
    return %c0_i32, %c0_i32_0 : i32, i32
  }
  func.func @transform_3(%arg0: i32) -> (i32, i32) {
    %c0_i32 = arith.constant 0 : i32
    %c0_i32_0 = arith.constant 0 : i32
    %c0_i32_1 = arith.constant 0 : i32
    return %c0_i32, %c0_i32_0 : i32, i32
  }
  func.func @transform_4(%arg0: i32) -> (i32, i32) {
    %c0_i32 = arith.constant 0 : i32
    %c0_i32_0 = arith.constant 0 : i32
    return %arg0, %c0_i32 : i32, i32
  }
}

</mosaic_0001>

<sc_bundles>
// kernel: kernel.10.cloned.1.call-start
scs
__scs_entry_jumppad:
0x0: {  	(pc) =	sbr.rel $0x88, $3  }
0x1: {  	(tag) =	ssettag $0x0;
	lr =	simm.s32 $0x1  }
0x2: {  	[smem:$0x3F9B] =	sst lr;
	_ =	strace $0xD0000000  }
0x3: {  	_ = 	snop  }
0x4: {  	_ = 	snop  }
0x5: {  	_ = 	snop  }
0x6: {  	_ = 	snop  }
0x7: {  	_ = 	snop  }
__scs_overlays_trampoline_lowered:
0x8: {  	[smem:$0x3FAA] =	sst s0  }
0x9: {  	[smem:$0x3FAB] =	sst s1  }
0xa: {  	[smem:$0x3FAC] =	sst s2  }
0xb: {  	[smem:$0x3FAD] =	sst s3  }
0xc: {  	[smem:$0x3FAE] =	sst s4  }
0xd: {  	[smem:$0x3FAF] =	sst s5  }
0xe: {  	[smem:$0x3FB0] =	sst s6  }
0xf: {  	[smem:$0x3FB1] =	sst s7  }
0x10: {  	[smem:$0x3FB2] =	sst s8  }
0x11: {  	[smem:$0x3FB3] =	sst s9;
	s0 =	simm.s32 @!p0 $0x0  }
0x12: {  	s1 =	sld [smem:$0x3F99];
	s0 =	simm.s32 @p0 $0x1  }
0x13: {  	[smem:$0x3FB4] =	sst s0;
	s0 =	simm.s32 @!p1 $0x0  }
0x14: {  	s2 =	sld [smem:$0x3F98];
	s0 =	simm.s32 @p1 $0x1  }
0x15: {  	[smem:$0x3FB5] =	sst s0;
	s0 =	simm.s32 @!p2 $0x0  }
0x16: {  	s3 =	sld [smem:$0x3FDB];
	s0 =	simm.s32 @p2 $0x1  }
0x17: {  	s4 =	simm.s32 $0x1BF5;
	[smem:$0x3FB7] =	sst s0  }
0x18: {  	s0 =	sld [smem:$0x3F9A];
	_ =	swait.ge [sflag:s4], $0x0  }
0x19: {  	s7 =	sld [smem:$0x3F9B]  }
0x1a: {  	s8 =	sadd.s32 $0xFFFFE003, lr  }
0x1b: {  	s9 =	sadd.s32 $0xFFFFFEF7, lr;
	s5 =	simm.s32 $0xFFFFFFFF;
	p2 =	slt.u32 s8, $0xFFFFF086  }
0x1c: {  	p1 =	slt.u32 s9, $0xF7A;
	s5 =	simm.s32 @!p2 $0x0  }
0x1d: {  	s5 =	simm.s32 @p1 $0x1;
	p0 =	seq.s32 s7, s2  }
0x1e: {  	s7 =	smul.u32 @!p0 $0xF7A, s2;
	p2 =	seq.s32 @!p0 s5, $0x0  }
0x1f: {  	s9 =	smul.u32 $0xF7A, s1;
	s8 =	simm.s32 @!p0 $0x1BF5;
	p2 =	por !p2, p0  }
0x20: {  	[sflag:s8] =	ssyncset.s32 @!p0 $0xFFFFF086;
	s6 =	sadd.s32 @!p0 s3, s7;
	s7 =	simm.s32 @!p0 $0x108  }
0x21: {  	s3 =	sadd.s32 s3, s9;
	s6 =	sadd.s32 @!p0 $0x88, s6;
	s7 =	simm.s32 @p2 $0x1082  }
0x22: {  	[simem:s7], [sflag:s8] =	dma.local @!p0 [hbm:s6], $0xF7A  }
0x23: {  	s9 =	sor.u32 $0xD0000000, s2;
	s6 =	simm.s32 $0x108;
	_ =	swait.ge @!p0 [sflag:s8], $0x0  }
0x24: {  	s3 =	sadd.s32 $0x88, s3;
	s6 =	simm.s32 @!p1 $0x1082;
	[sflag:s4] =	ssyncset.s32 $0xFFFFF086  }
0x25: {  	[simem:s6], [sflag:s4] =	dma.local [hbm:s3], $0xF7A  }
0x26: {  	[smem:$0x3F9B] =	sst s1;
	(tag) =	ssettag s2;
	_ =	strace s9  }
0x27: {  	s1 =	sld [smem:$0x3FAB]  }
0x28: {  	s2 =	sld [smem:$0x3FAC]  }
0x29: {  	s4 =	sld [smem:$0x3FAE]  }
0x2a: {  	p0 =	seq.s32 s5, $0x0;
	s5 =	sld [smem:$0x3FAF]  }
0x2b: {  	s6 =	sld [smem:$0x3FB0]  }
0x2c: {  	s7 =	sld [smem:$0x3FB1]  }
0x2d: {  	s3 =	simm.s32 $0x108;
	s8 =	sld [smem:$0x3FB2]  }
0x2e: {  	s3 =	simm.s32 @!p0 $0x1082;
	s9 =	sld [smem:$0x3FB3]  }
0x2f: {  	lr =	sadd.s32 s0, s3;
	s0 =	sld [smem:$0x3FAA]  }
0x30: {  	s3 =	sld [smem:$0x3FAD]  }
0x31: {  	[smem:$0x3FB6] =	sst s10  }
0x32: {  	s10 =	sld [smem:$0x3FB4];
	_ =	sdelay $0x3  }
0x33: {  	p0 =	seq.s32 s10, $0x1;
	s10 =	sld [smem:$0x3FB6];
	_ =	sdelay $0x3  }
0x34: {  	[smem:$0x3FB6] =	sst s10  }
0x35: {  	s10 =	sld [smem:$0x3FB5];
	_ =	sdelay $0x3  }
0x36: {  	p1 =	seq.s32 s10, $0x1;
	s10 =	sld [smem:$0x3FB6];
	_ =	sdelay $0x3  }
0x37: {  	[smem:$0x3FB6] =	sst s10  }
0x38: {  	s10 =	sld [smem:$0x3FB7]  }
0x39: {  	_ = 	snop;
	(pc) =	sbr.ind lr, $3  }
0x3a: {  	_ = 	snop  }
0x3b: {  	_ = 	snop  }
0x3c: {  	p2 =	seq.s32 s10, $0x1;
	s10 =	sld [smem:$0x3FB6]  }
0x3d: {  	_ =	shalt  }
0x3e: {  	_ =	shalt  }
0x3f: {  	_ =	shalt  }
0x40: {  	_ =	shalt  }
0x41: {  	_ =	shalt  }
0x42: {  	_ =	shalt  }
0x43: {  	_ =	shalt  }
0x44: {  	_ =	shalt  }
0x45: {  	_ =	shalt  }
0x46: {  	_ =	shalt  }
0x47: {  	_ =	shalt  }
0x48: {  	_ =	shalt  }
0x49: {  	_ =	shalt  }
0x4a: {  	_ =	shalt  }
0x4b: {  	_ =	shalt  }
0x4c: {  	_ =	shalt  }
0x4d: {  	_ =	shalt  }
0x4e: {  	_ =	shalt  }
0x4f: {  	_ =	shalt  }
0x50: {  	_ =	shalt  }
0x51: {  	_ =	shalt  }
0x52: {  	_ =	shalt  }
0x53: {  	_ =	shalt  }
0x54: {  	_ =	shalt  }
0x55: {  	_ =	shalt  }
0x56: {  	_ =	shalt  }
0x57: {  	_ =	shalt  }
0x58: {  	_ =	shalt  }
0x59: {  	_ =	shalt  }
0x5a: {  	_ =	shalt  }
0x5b: {  	_ =	shalt  }
0x5c: {  	_ =	shalt  }
0x5d: {  	_ =	shalt  }
0x5e: {  	_ =	shalt  }
0x5f: {  	_ =	shalt  }
0x60: {  	_ =	shalt  }
0x61: {  	_ =	shalt  }
0x62: {  	_ =	shalt  }
0x63: {  	_ =	shalt  }
0x64: {  	_ =	shalt  }
0x65: {  	_ =	shalt  }
0x66: {  	_ =	shalt  }
0x67: {  	_ =	shalt  }
0x68: {  	_ =	shalt  }
0x69: {  	_ =	shalt  }
0x6a: {  	_ =	shalt  }
0x6b: {  	_ =	shalt  }
0x6c: {  	_ =	shalt  }
0x6d: {  	_ =	shalt  }
0x6e: {  	_ =	shalt  }
0x6f: {  	_ =	shalt  }
0x70: {  	_ =	shalt  }
0x71: {  	_ =	shalt  }
0x72: {  	_ =	shalt  }
0x73: {  	_ =	shalt  }
0x74: {  	_ =	shalt  }
0x75: {  	_ =	shalt  }
0x76: {  	_ =	shalt  }
0x77: {  	_ =	shalt  }
0x78: {  	_ =	shalt  }
0x79: {  	_ =	shalt  }
0x7a: {  	_ =	shalt  }
0x7b: {  	_ =	shalt  }
0x7c: {  	_ =	shalt  }
0x7d: {  	_ =	shalt  }
0x7e: {  	_ =	shalt  }
0x7f: {  	_ =	shalt  }
0x80: {  	_ =	shalt  }
0x81: {  	_ =	shalt  }
0x82: {  	_ =	shalt  }
0x83: {  	_ =	shalt  }
0x84: {  	_ =	shalt  }
0x85: {  	_ =	shalt  }
0x86: {  	_ =	shalt  }
0x87: {  	_ =	shalt  }
.Lfunc_end0:
.L_simem_size_0:
called_computation.1_lowered:
.L_overlay_start_0:
0x88: {  	s2 =	sld [smem:$0x3FD9]  }
0x89: {  	s3 =	sld [smem:$0x3FFE];
	_ =	sdelay $0x1  }
0x8a: {  	s1 =	srdreg.scid  }
0x8b: {  	s0 =	sand.u32 $0x1, s1  }
0x8c: {  	s17 =	sshll.u32 s0, $0xA;
	s2 =	sadd.s32 s3, s2  }
0x8d: {  	s2 =	sadd.s32 s2, s17  }
0x8e: {  	[smem:$0x3FC2] =	sst s2  }
0x8f: {  	_ = 	snop  }
0x90: {  	s2 =	sld [smem:$0x3FD0];
	(tm) =	ssettm $0x1  }
0x91: {  	s18 =	sld [smem:$0x3FFB];
	_ =	sdelay $0x3  }
0x92: {  	_ =	strace s18  }
0x93: {  	s3 =	sld [smem:$0x3FFC];
	_ =	sdelay $0x3  }
0x94: {  	_ =	strace s3  }
0x95: {  	s3 =	sld [smem:$0x3FFD];
	_ =	sdelay $0x3  }
0x96: {  	_ =	strace s3  }
0x97: {  	_ =	strace $0x8FFFFFFF  }
0x98: {  	s19 =	sld [smem:$0x3FDB];
	_ =	sdelay $0x1  }
0x99: {  	s4 =	simm.s32 $_scs_section_size  }
0x9a: {  	s5 =	simm.s32 $_size__tile_overlayer_lowered;
	s6 =	simm.s32 $_tile_overlayer_lowered  }
0x9b: {  	s22 =	simm.s32 $0x1BFF;
	s21 =	sshll.u32 s6, $0x1;
	s3 =	sadd.s32 s4, s19  }
0x9c: {  	s7 =	simm.s32 $0x0;
	s20 =	sshll.u32 s5, $0x1;
	s5 =	sadd.s32 s21, s3  }
0x9d: {  	[timem:s7], [sflag:s22] =	dma.local [hbm:s5], s20  }
0x9e: {  	_ =	swait.ge [sflag:s22], s20  }
0x9f: {  	s4 =	ssub.s32 $0x0, s20;
	[sflag:s22] =	ssyncset.done $0x0  }
0xa0: {  	[sflag:s22] =	ssyncadd.s32 s4;
	_ =	sdelay $0x1  }
0xa1: {  	s23 =	simm.s32 $0x1B8B  }
0xa2: {  	_ =	swait.ge [sflag:s23], $0x1  }
0xa3: {  	[sflag:s23] =	ssyncset.done $0x0  }
0xa4: {  	s25 =	simm.s32 $0x1B8E;
	s24 =	sld [smem:$0x3FFE];
	[sflag:s23] =	ssyncadd.s32 $0xFFFFFFFF  }
0xa5: {  	s26 =	simm.s32 $execute0_lowered;
	[smem:$0x3FD2] =	sst s25  }
0xa6: {  	s5 =	sshll.u32 s26, $0x1;
	_ =	strace $0x80000049;
	[dreg:$0x1] =	wrdreg $0xFFFFFFFF  }
0xa7: {  	s28 =	simm.s32 $_size_execute0_lowered;
	s3 =	sadd.s32 s3, s5;
	[dreg:$0x0] =	wrdreg $0x0  }
0xa8: {  	s5 =	sshll.u32 s28, $0x1;
	[dreg:$0x2] =	wrdreg s3  }
0xa9: {  	[dreg:$0x3] =	wrdreg s5  }
0xaa: {  	[dreg:$0x4] =	wrdreg $0xC0  }
0xab: {  	_ =	task [dreg:s7], $0x5FFFF  }
0xac: {  	[dreg:$0x1] =	wrdreg $0xFFFFFFFF  }
0xad: {  	[dreg:$0x0] =	wrdreg $0x60  }
0xae: {  	[dreg:$0x2] =	wrdreg s2  }
0xaf: {  	[dreg:$0x3] =	wrdreg s24  }
0xb0: {  	[dreg:$0x4] =	wrdreg $0x9  }
0xb1: {  	_ =	task.clear_ibuf [dreg:s7], $0x5FFFF;
	_ =	strace $0x90000049  }
0xb2: {  	s29 =	simm.s32 $0x9;
	_ =	strace $0x8000004B  }
0xb3: {  	_ =	swait.ge [sflag:s29], $0x1  }
0xb4: {  	[sflag:s29] =	ssyncadd.s32 $0xFFFFFFFF  }
0xb5: {  	_ =	strace $0x9000004B  }
0xb6: {  	_ =	sfence  }
0xb7: {  	s30 =	sld [smem:$0x0];
	_ =	sdelay $0x2  }
0xb8: {  	s31 =	sshll.u32 s1, $0xD;
	s1 =	sshrl.u32 s1, $0x2  }
0xb9: {  	s3 =	sand.u32 $0x4000, s31;
	s1 =	sadd.s32 s1, s30  }
0xba: {  	s0 =	sor.u32 s3, s0;
	s1 =	sshll.u32 s1, $0x11  }
0xbb: {  	s0 =	sor.u32 s1, s0  }
0xbc: {  	s0 =	sadd.s32 $0x8F2B, s0  }
0xbd: {  	[sflag:s0] =	ssyncadd.remote.s32 $0x1  }
0xbe: {  	_ =	sfence.sel $0xFFFF  }
0xbf: {  	[dreg:$0x0] =	wrdreg $0xFFFFFFFF;
	(pc) =	sbr.abs _section_cstart, $3  }
0xc0: {  	[dreg:$0x1] =	wrdreg $0xFFFFFFFF  }
0xc1: {  	_ =	task.clear_ibuf [dreg:s7], $0x2FFFF;
	_ =	strace $0x9FFFFFFF  }
0xc2: {  	(tm) =	ssettm $0x7FFFFFFF  }
0xc3: {  	_ =	shalt  }
tec
execute0_lowered:
.L_overlay_start_1:
0x0: {  	(tag) =	ssettag $0x1  }
0x1: {  	s2 =	rddreg [dreg:$0x0];
	s1 =	srdreg.scid  }
0x2: {  	s0 =	stileid.u32;
	s6 =	rddreg [dreg:$0x1];
	s3 =	simm.s32 $0x0  }
0x3: {  	s12 =	simm.s32 $0x640;
	s13 =	simm.s32 $0x1;
	s14 =	simm.s32 $0xC80  }
0x4: {  	s15 =	simm.s32 $0x3;
	s16 =	simm.s32 $0x19C80;
	s17 =	simm.s32 $0x1B080  }
0x5: {  	s18 =	simm.s32 $0x5;
	s7 =	sand.u32 $0x1, s1;
	s4 =	sshll.u32 s0, $0x1  }
0x6: {  	s19 =	simm.s32 $0x0;
	s1 =	rddreg [dreg:$0x2];
	s4 =	sor.u32 s7, s4  }
0x7: {  	[smem:$0x7FF] =	sst s3;
	s5 =	sadd.s32 $0x64200, s6;
	s8 =	smul.u32 $0x640, s4  }
.Ltmp0:
0x8: {  	s6 =	sadd.s32 $0x2600, s6;
	s7 =	ssub.s32 $0x2, s7;
	(pc) =	sbr.rel .LBB2_1-.Ltmp0, $4  }
0x9: {  	_ =	strace $0x8000004A;
	s9 =	smul.u32 $0xC8, s4;
	s10 =	sshrl.u32 s7, $0x1  }
0xa: {  	p0 =	sgt.u32 s4, $0x10;
	s11 =	ssub.s32 s7, s10;
	s8 =	sshrl.u32 s8, $0x3  }
0xb: {  	s10 =	sor.u32 $0x60, s4;
	s7 =	sadd.s32 s5, s9;
	s8 =	sadd.s32 s5, s8  }
0xc: {  	s9 =	sor.u32 $0x40, s4;
	s11 =	smax.u32 s11, $0x1;
	s8 =	sadd.s32 $0x1900, s8  }
.LBB2_9:
0xd: {  	s19 =	sadd.s32 $0x1, s19  }
0xe: {  	_ =	swait.ge [sflag:s18], $0x1400;
	p1 =	sne.s32 s19, s11  }
.Ltmp1:
0xf: {  	[sflag:s18] =	ssyncset.done $0x0;
	(pc) =	sbr.rel @!p1 .LBB2_10-.Ltmp1, $4  }
0x10: {  	s20 =	simm.s32 @!p0 $0x6;
	[sflag:s18] =	ssyncadd.s32 $0xFFFFEC00  }
0x11: {  	_ =	swait.ge @!p0 [sflag:s20], $0x1400  }
0x12: {  	[sflag:s20] =	ssyncset.done @!p0 $0x0  }
0x13: {  	[sflag:s20] =	ssyncadd.s32 @!p0 $0xFFFFEC00  }
.LBB2_1:
0x14: {  	[tilespmem:s3], [sflag:$0x1] =	stream.linear.gather [hbm4b:s7+s3], $0x640, $0x38;
	[tilespmem:$0x1C480] =	vst v63  }
0x15: {  	_ = 	snop  }
0x16: {  	[tilespmem:s12], [sflag:$0x2] =	stream.linear.gather [hbm4b:s8+s3], $0x640, $0x38;
	[tilespmem:$0x1C480] =	vst v63  }
.Ltmp2:
0x17: {  	_ = 	snop;
	(pc) =	sbr.rel .LBB2_2-.Ltmp2, $4  }
0x18: {  	_ =	swait.ge [sflag:s13], $0x640  }
0x19: {  	[sflag:s13] =	ssyncset.done $0x0  }
0x1a: {  	s20 =	simm.s32 $0x0;
	[sflag:s13] =	ssyncadd.s32 $0xFFFFF9C0  }
0x1b: {  	[tilespmem:s14], [sflag:$0x3] =	stream.indirect.gather [hbm4b:s2+s12], $0x20, s3, s12, $0xb8;
	[tilespmem:$0x1C480] =	vst v63  }
.LBB2_8:
0x1c: {  	s20 =	sadd.s32 $0x1, s20  }
0x1d: {  	p1 =	sne.s32 s20, $0xA  }
.Ltmp3:
0x1e: {  	_ = 	snop;
	(pc) =	sbr.rel @!p1 .LBB2_9-.Ltmp3, $1  }
0x1f: {  	_ =	sdelay $0x3  }
.LBB2_2:
0x20: {  	s22 =	sshll.u32 s20, $0x6  }
0x21: {  	s21 =	sadd.s32 s9, s22  }
0x22: {  	p1 =	sgt.u32 s21, $0x270  }
0x23: {  	_ =	swait.ge [sflag:s15], $0xC800;
	s21 =	smul.u32 @!p1 $0xC8, s21  }
0x24: {  	s23 =	sor.u32 s4, s22;
	[sflag:s15] =	ssyncset.done $0x0  }
0x25: {  	[sflag:s15] =	ssyncadd.s32 $0xFFFF3800;
	s24 =	simm.s32 @!p1 $0x0;
	s21 =	sadd.s32 @!p1 s5, s21  }
0x26: {  	[tilespmem:s24], [sflag:$0x1] =	stream.linear.gather @!p1 [hbm4b:s21+s24], $0x640, $0x38;
	[tilespmem:$0x1C480] =	vst v63  }
0x27: {  	s21 =	sor.u32 $0x20, s23  }
0x28: {  	p2 =	sgt.u32 s21, $0x270  }
0x29: {  	s24 =	simm.s32 @!p2 $0x2  }
0x2a: {  	_ =	swait.ge @!p2 [sflag:s24], $0x640  }
0x2b: {  	p3 =	seq.s32 s20, $0x0;
	[sflag:s24] =	ssyncset.done @!p2 $0x0  }
0x2c: {  	s25 =	simm.s32 @!p2 $0xD480;
	[sflag:s24] =	ssyncadd.s32 @!p2 $0xFFFFF9C0;
	s24 =	simm.s32 @!p2 $0x640  }
0x2d: {  	[tilespmem:s25], [sflag:$0x4] =	stream.indirect.gather @!p2 [hbm4b:s2+s24], $0x20, s24, s24, $0xb8;
	[tilespmem:$0x1C480] =	vst v63  }
0x2e: {  	s24 =	simm.s32 @!p3 $0x5  }
0x2f: {  	_ =	swait.ge @!p3 [sflag:s24], $0x1400  }
0x30: {  	[sflag:s24] =	ssyncset.done @!p3 $0x0  }
0x31: {  	[sflag:s24] =	ssyncadd.s32 @!p3 $0xFFFFEC00;
	s24 =	simm.s32 $0xD20  }
0x32: {  	v0 =	vld [tilespmem:s24+$0xFFFFFF90]  }
0x33: {  	v1 =	vld [tilespmem:s24+$0xFFFFFF60]  }
0x34: {  	v2 =	vld [tilespmem:s24+$0xFFFFFF80]  }
0x35: {  	v3 =	vld [tilespmem:s24+$0xFFFFFF70]  }
0x36: {  	v4 =	vld [tilespmem:s24+$0xFFFFFFA0]  }
0x37: {  	v5 =	vld [tilespmem:s24+$0xFFFFFFB0]  }
0x38: {  	v6 =	vld [tilespmem:s24+$0xFFFFFFC0]  }
0x39: {  	v7 =	vld [tilespmem:s24+$0xFFFFFFE0];
	v1 =	vadd.f32 v2, v1  }
0x3a: {  	v2 =	vld [tilespmem:s24+$0xFFFFFFD0]  }
0x3b: {  	v57 =	vld [tilespmem:s24+$0x0];
	v0 =	vadd.f32 v0, v3;
	v1 =	vadd.f32 v4, v1  }
0x3c: {  	v3 =	vld [tilespmem:s24+$0xFFFFFFF0]  }
0x3d: {  	v58 =	vld [tilespmem:s24+$0x10];
	v0 =	vadd.f32 v5, v0;
	v1 =	vadd.f32 v6, v1  }
0x3e: {  	v59 =	vld [tilespmem:s24+$0x20]  }
0x3f: {  	v60 =	vld [tilespmem:s24+$0x40];
	v0 =	vadd.f32 v2, v0;
	v1 =	vadd.f32 v7, v1  }
0x40: {  	v2 =	vld [tilespmem:s24+$0x30]  }
0x41: {  	v61 =	vld [tilespmem:s24+$0x60];
	v0 =	vadd.f32 v3, v0;
	v1 =	vadd.f32 v57, v1  }
0x42: {  	v3 =	vld [tilespmem:s24+$0x50]  }
0x43: {  	v62 =	vld [tilespmem:s24+$0x70];
	v0 =	vadd.f32 v58, v0;
	v1 =	vadd.f32 v59, v1  }
0x44: {  	v63 =	vld [tilespmem:s24+$0x80]  }
0x45: {  	v0 =	vadd.f32 v2, v0;
	v1 =	vadd.f32 v60, v1  }
0x46: {  	v2 =	vld [tilespmem:s24+$0x90]  }
0x47: {  	v0 =	vadd.f32 v3, v0;
	v1 =	vadd.f32 v61, v1;
	_ =	sdelay $0x1  }
0x48: {  	v0 =	vadd.f32 v62, v0;
	v1 =	vadd.f32 v63, v1  }
0x49: {  	s26 =	simm.s32 $0x0  }
0x4a: {  	s25 =	simm.s32 $0x80;
	v0 =	vadd.f32 v2, v0;
	[tilespmem:s26+$0x19C80] =	vst v1  }
.LBB2_3:
0x4b: {  	p4 =	sne.s32 s25, $0x4F80  }
0x4c: {  	[tilespmem:s26+$0x19C90] =	vst v0;
	s24 =	sadd.s32 $0x140, s24;
	s26 =	smov.u32 s25;
	s25 =	sadd.s32 $0x80, s25  }
0x4d: {  	v0 =	vld [tilespmem:s24+$0xFFFFFF90]  }
0x4e: {  	v1 =	vld [tilespmem:s24+$0xFFFFFF60]  }
0x4f: {  	v2 =	vld [tilespmem:s24+$0xFFFFFF80]  }
0x50: {  	v3 =	vld [tilespmem:s24+$0xFFFFFF70]  }
0x51: {  	v4 =	vld [tilespmem:s24+$0xFFFFFFA0]  }
0x52: {  	v5 =	vld [tilespmem:s24+$0xFFFFFFB0]  }
0x53: {  	v6 =	vld [tilespmem:s24+$0xFFFFFFC0]  }
0x54: {  	v1 =	vadd.f32 v2, v1;
	v2 =	vld [tilespmem:s24+$0xFFFFFFD0]  }
0x55: {  	v0 =	vadd.f32 v0, v3;
	v3 =	vld [tilespmem:s24+$0xFFFFFFE0]  }
0x56: {  	v1 =	vadd.f32 v4, v1;
	v4 =	vld [tilespmem:s24+$0xFFFFFFF0]  }
0x57: {  	v0 =	vadd.f32 v5, v0;
	v5 =	vld [tilespmem:s24+$0x0]  }
0x58: {  	v1 =	vadd.f32 v6, v1;
	v6 =	vld [tilespmem:s24+$0x10]  }
0x59: {  	v0 =	vadd.f32 v2, v0;
	v2 =	vld [tilespmem:s24+$0x20]  }
0x5a: {  	v1 =	vadd.f32 v3, v1;
	v3 =	vld [tilespmem:s24+$0x30]  }
0x5b: {  	v0 =	vadd.f32 v4, v0;
	v4 =	vld [tilespmem:s24+$0x40]  }
0x5c: {  	v1 =	vadd.f32 v5, v1;
	v5 =	vld [tilespmem:s24+$0x50]  }
0x5d: {  	v0 =	vadd.f32 v6, v0;
	v6 =	vld [tilespmem:s24+$0x60]  }
0x5e: {  	v1 =	vadd.f32 v2, v1;
	v2 =	vld [tilespmem:s24+$0x70]  }
0x5f: {  	v0 =	vadd.f32 v3, v0;
	v3 =	vld [tilespmem:s24+$0x80]  }
0x60: {  	v1 =	vadd.f32 v4, v1;
	v4 =	vld [tilespmem:s24+$0x90]  }
0x61: {  	v0 =	vadd.f32 v5, v0  }
.Ltmp4:
0x62: {  	v1 =	vadd.f32 v6, v1;
	(pc) =	sbr.rel @p4 .LBB2_3-.Ltmp4, $4  }
0x63: {  	v0 =	vadd.f32 v2, v0  }
0x64: {  	v1 =	vadd.f32 v3, v1  }
0x65: {  	s26 =	sshra.s32 s26, $0x2;
	v0 =	vadd.f32 v4, v0  }
0x66: {  	[tilespmem:s26+$0x19C80] =	vst v1  }
0x67: {  	s23 =	smul.u32 $0x280, s23;
	_ =	sdelay $0x1  }
0x68: {  	[tilespmem:s26+$0x19C90] =	vst v0;
	s22 =	sadd.s32 s10, s22;
	s23 =	sadd.s32 s6, s23  }
0x69: {  	[hbm4b:s23+s3] =	stream.linear.scatter [tilespmem:s16], [sflag:$0x5], $0x1400, $0x38;
	[tilespmem:$0x1C480] =	vst v63  }
0x6a: {  	p4 =	sgt.u32 s22, $0x270;
	s23 =	simm.s32 @!p2 $0x4  }
0x6b: {  	s22 =	smul.u32 @!p4 $0xC8, s22;
	_ =	swait.ge @!p2 [sflag:s23], $0xC800  }
0x6c: {  	s24 =	simm.s32 @!p4 $0x640;
	[sflag:s23] =	ssyncset.done @!p2 $0x0  }
0x6d: {  	s22 =	sadd.s32 @!p4 s5, s22;
	[sflag:s23] =	ssyncadd.s32 @!p2 $0xFFFF3800;
	s23 =	simm.s32 @!p4 $0x0  }
0x6e: {  	[tilespmem:s24], [sflag:$0x2] =	stream.linear.gather @!p4 [hbm4b:s22+s23], $0x640, $0x38;
	[tilespmem:$0x1C480] =	vst v63  }
0x6f: {  	s22 =	simm.s32 @!p1 $0x1  }
0x70: {  	_ =	swait.ge @!p1 [sflag:s22], $0x640  }
0x71: {  	s23 =	simm.s32 @!p1 $0x0;
	[sflag:s22] =	ssyncset.done @!p1 $0x0  }
0x72: {  	s24 =	simm.s32 @!p1 $0xC80;
	[sflag:s22] =	ssyncadd.s32 @!p1 $0xFFFFF9C0;
	s22 =	simm.s32 @!p1 $0x640  }
0x73: {  	[tilespmem:s24], [sflag:$0x3] =	stream.indirect.gather @!p1 [hbm4b:s2+s22], $0x20, s23, s22, $0xb8;
	[tilespmem:$0x1C480] =	vst v63  }
.Ltmp5:
0x74: {  	_ = 	snop;
	(pc) =	sbr.rel @p2 .LBB2_8-.Ltmp5, $4  }
0x75: {  	s22 =	simm.s32 @!p3 $0x6  }
0x76: {  	_ =	swait.ge @!p3 [sflag:s22], $0x1400  }
0x77: {  	[sflag:s22] =	ssyncset.done @!p3 $0x0  }
0x78: {  	[sflag:s22] =	ssyncadd.s32 @!p3 $0xFFFFEC00  }
0x79: {  	s22 =	simm.s32 $0x0  }
0x7a: {  	v0 =	vld [tilespmem:s22+$0xD4B0]  }
0x7b: {  	v3 =	vld [tilespmem:s22+$0xD4A0]  }
0x7c: {  	v5 =	vld [tilespmem:s22+$0xD480]  }
0x7d: {  	v4 =	vld [tilespmem:s22+$0xD490]  }
0x7e: {  	v1 =	vld [tilespmem:s22+$0xD4C0]  }
0x7f: {  	s24 =	simm.s32 $0x1B090;
	s25 =	simm.s32 $0x500;
	s23 =	simm.s32 $0x1B090;
	v2 =	vld [tilespmem:s22+$0xD4D0]  }
.LBB2_6:
0x80: {  	p1 =	sne.s32 s25, $0x31B00  }
0x81: {  	v6 =	vld [tilespmem:s22+$0xD4E0];
	s24 =	sadd.s32 $0x20, s24;
	s26 =	smov.u32 s25;
	s25 =	sadd.s32 $0x500, s25  }
0x82: {  	v3 =	vadd.f32 v3, v5;
	v5 =	vld [tilespmem:s22+$0xD4F0]  }
0x83: {  	v0 =	vadd.f32 v0, v4;
	v4 =	vld [tilespmem:s22+$0xD500]  }
0x84: {  	s26 =	sshra.s32 s26, $0x2;
	v1 =	vadd.f32 v1, v3;
	v3 =	vld [tilespmem:s22+$0xD510]  }
0x85: {  	v0 =	vadd.f32 v2, v0;
	v2 =	vld [tilespmem:s22+$0xD520]  }
0x86: {  	v1 =	vadd.f32 v6, v1;
	v6 =	vld [tilespmem:s22+$0xD530]  }
0x87: {  	v0 =	vadd.f32 v5, v0;
	v5 =	vld [tilespmem:s22+$0xD540]  }
0x88: {  	v1 =	vadd.f32 v4, v1;
	v4 =	vld [tilespmem:s22+$0xD550]  }
0x89: {  	v0 =	vadd.f32 v3, v0;
	v3 =	vld [tilespmem:s22+$0xD560]  }
0x8a: {  	v1 =	vadd.f32 v2, v1;
	v2 =	vld [tilespmem:s22+$0xD570]  }
0x8b: {  	v0 =	vadd.f32 v6, v0;
	v6 =	vld [tilespmem:s22+$0xD580]  }
0x8c: {  	v1 =	vadd.f32 v5, v1;
	v5 =	vld [tilespmem:s22+$0xD590]  }
0x8d: {  	v0 =	vadd.f32 v4, v0;
	v4 =	vld [tilespmem:s22+$0xD5A0]  }
0x8e: {  	v1 =	vadd.f32 v3, v1;
	v3 =	vld [tilespmem:s22+$0xD5B0];
	s22 =	smov.u32 s26  }
0x8f: {  	v0 =	vadd.f32 v2, v0  }
0x90: {  	v1 =	vadd.f32 v6, v1  }
0x91: {  	v0 =	vadd.f32 v5, v0  }
0x92: {  	v1 =	vadd.f32 v4, v1  }
0x93: {  	v0 =	vadd.f32 v3, v0  }
0x94: {  	[tilespmem:s23+$0xFFFFFFF0] =	vst v1  }
0x95: {  	[tilespmem:s23+$0x0] =	vst v0;
	s23 =	smov.u32 s24  }
0x96: {  	v0 =	vld [tilespmem:s22+$0xD4B0]  }
.Ltmp6:
0x97: {  	v3 =	vld [tilespmem:s22+$0xD4A0];
	(pc) =	sbr.rel @p1 .LBB2_6-.Ltmp6, $4  }
0x98: {  	v5 =	vld [tilespmem:s22+$0xD480]  }
0x99: {  	v4 =	vld [tilespmem:s22+$0xD490]  }
0x9a: {  	v1 =	vld [tilespmem:s22+$0xD4C0]  }
0x9b: {  	v2 =	vld [tilespmem:s22+$0xD4D0]  }
0x9c: {  	v6 =	vld [tilespmem:s22+$0xD4E0]  }
0x9d: {  	v51 =	vld [tilespmem:s22+$0xD4F0];
	v3 =	vadd.f32 v3, v5  }
0x9e: {  	v52 =	vld [tilespmem:s22+$0xD500];
	v0 =	vadd.f32 v0, v4  }
0x9f: {  	v53 =	vld [tilespmem:s22+$0xD510];
	v1 =	vadd.f32 v1, v3  }
0xa0: {  	v54 =	vld [tilespmem:s22+$0xD520];
	v0 =	vadd.f32 v2, v0  }
0xa1: {  	v55 =	vld [tilespmem:s22+$0xD530];
	v1 =	vadd.f32 v6, v1  }
0xa2: {  	v56 =	vld [tilespmem:s22+$0xD540];
	v0 =	vadd.f32 v51, v0  }
0xa3: {  	v57 =	vld [tilespmem:s22+$0xD550];
	v1 =	vadd.f32 v52, v1  }
0xa4: {  	v58 =	vld [tilespmem:s22+$0xD560];
	v0 =	vadd.f32 v53, v0  }
0xa5: {  	v59 =	vld [tilespmem:s22+$0xD570];
	v1 =	vadd.f32 v54, v1  }
0xa6: {  	v60 =	vld [tilespmem:s22+$0xD580];
	v0 =	vadd.f32 v55, v0  }
0xa7: {  	v61 =	vld [tilespmem:s22+$0xD590];
	v1 =	vadd.f32 v56, v1  }
0xa8: {  	v62 =	vld [tilespmem:s22+$0xD5A0];
	v0 =	vadd.f32 v57, v0  }
0xa9: {  	v63 =	vld [tilespmem:s22+$0xD5B0];
	v1 =	vadd.f32 v58, v1  }
0xaa: {  	v0 =	vadd.f32 v59, v0  }
0xab: {  	v1 =	vadd.f32 v60, v1  }
0xac: {  	v0 =	vadd.f32 v61, v0  }
.Ltmp7:
0xad: {  	v1 =	vadd.f32 v62, v1;
	(pc) =	sbr.rel .LBB2_8-.Ltmp7, $4  }
0xae: {  	s21 =	smul.u32 $0x280, s21;
	v0 =	vadd.f32 v63, v0  }
0xaf: {  	[tilespmem:s23+$0xFFFFFFF0] =	vst v1  }
0xb0: {  	s21 =	sadd.s32 s6, s21;
	[tilespmem:s23+$0x0] =	vst v0  }
0xb1: {  	[hbm4b:s21+s3] =	stream.linear.scatter [tilespmem:s17], [sflag:$0x6], $0x1400, $0x38;
	[tilespmem:$0x1C480] =	vst v63  }
.LBB2_10:
0xb2: {  	_ =	sfence.sel $0x180000  }
0xb3: {  	[bflag:$0x0] =	sbarrier.arrive $0xFFFF  }
0xb4: {  	p0 =	sne.s32 s0, $0x0;
	_ =	strace $0x9000004A  }
0xb5: {  	s0 =	sadd.s32 @!p0 $0x100000, s1;
	[bflag:$0x2] =	sbarrier.arrive $0xFFFF  }
0xb6: {  	[sflag:s0] =	ssyncadd.tile.s32 @!p0 $0x1;
	_ =	shalt  }
.Lfunc_end2:
_tile_overlayer_lowered:
.L_overlay_start_2:
0xb7: {  	(tag) =	ssettag $0x2  }
0xb8: {  	s0 =	rddreg [dreg:$0x0];
	s2 =	stileid.u32  }
0xb9: {  	s1 =	rddreg [dreg:$0x1];
	p0 =	sne.s32 s2, $0x0  }
0xba: {  	s3 =	rddreg [dreg:$0x2];
	[bflag:$0x3] =	sbarrier.arrive $0xFFFF;
	s2 =	simm.s32 @!p0 $0x1C07  }
0xbb: {  	[timem:s3], [sflag:s2] =	dma.local @!p0 [hbm:s0], s1  }
0xbc: {  	s0 =	simm.s32 @!p0 $0x7  }
0xbd: {  	_ =	swait.ge @!p0 [sflag:s0], s1  }
0xbe: {  	s1 =	ssub.s32 @!p0 $0x0, s1;
	[sflag:s0] =	ssyncset.done @!p0 $0x0  }
0xbf: {  	[sflag:s0] =	ssyncadd.s32 @!p0 s1  }
0xc0: {  	[bflag:$0x3] =	sbarrier.arrive $0xFFFF  }
0xc1: {  	_ =	shalt  }

// kernel: kernel.7.cloned.1.call-start
scs
__scs_entry_jumppad:
0x0: {  	(pc) =	sbr.rel $0x88, $3  }
0x1: {  	(tag) =	ssettag $0x0;
	lr =	simm.s32 $0x1  }
0x2: {  	[smem:$0x3F9B] =	sst lr;
	_ =	strace $0xD0000000  }
0x3: {  	_ = 	snop  }
0x4: {  	_ = 	snop  }
0x5: {  	_ = 	snop  }
0x6: {  	_ = 	snop  }
0x7: {  	_ = 	snop  }
__scs_overlays_trampoline_lowered:
0x8: {  	[smem:$0x3FAA] =	sst s0  }
0x9: {  	[smem:$0x3FAB] =	sst s1  }
0xa: {  	[smem:$0x3FAC] =	sst s2  }
0xb: {  	[smem:$0x3FAD] =	sst s3  }
0xc: {  	[smem:$0x3FAE] =	sst s4  }
0xd: {  	[smem:$0x3FAF] =	sst s5  }
0xe: {  	[smem:$0x3FB0] =	sst s6  }
0xf: {  	[smem:$0x3FB1] =	sst s7  }
0x10: {  	[smem:$0x3FB2] =	sst s8  }
0x11: {  	[smem:$0x3FB3] =	sst s9;
	s0 =	simm.s32 @!p0 $0x0  }
0x12: {  	s1 =	sld [smem:$0x3F99];
	s0 =	simm.s32 @p0 $0x1  }
0x13: {  	[smem:$0x3FB4] =	sst s0;
	s0 =	simm.s32 @!p1 $0x0  }
0x14: {  	s2 =	sld [smem:$0x3F98];
	s0 =	simm.s32 @p1 $0x1  }
0x15: {  	[smem:$0x3FB5] =	sst s0;
	s0 =	simm.s32 @!p2 $0x0  }
0x16: {  	s3 =	sld [smem:$0x3FDB];
	s0 =	simm.s32 @p2 $0x1  }
0x17: {  	s4 =	simm.s32 $0x1BF5;
	[smem:$0x3FB7] =	sst s0  }
0x18: {  	s0 =	sld [smem:$0x3F9A];
	_ =	swait.ge [sflag:s4], $0x0  }
0x19: {  	s7 =	sld [smem:$0x3F9B]  }
0x1a: {  	s8 =	sadd.s32 $0xFFFFE003, lr  }
0x1b: {  	s9 =	sadd.s32 $0xFFFFFEF7, lr;
	s5 =	simm.s32 $0xFFFFFFFF;
	p2 =	slt.u32 s8, $0xFFFFF086  }
0x1c: {  	p1 =	slt.u32 s9, $0xF7A;
	s5 =	simm.s32 @!p2 $0x0  }
0x1d: {  	s5 =	simm.s32 @p1 $0x1;
	p0 =	seq.s32 s7, s2  }
0x1e: {  	s7 =	smul.u32 @!p0 $0xF7A, s2;
	p2 =	seq.s32 @!p0 s5, $0x0  }
0x1f: {  	s9 =	smul.u32 $0xF7A, s1;
	s8 =	simm.s32 @!p0 $0x1BF5;
	p2 =	por !p2, p0  }
0x20: {  	[sflag:s8] =	ssyncset.s32 @!p0 $0xFFFFF086;
	s6 =	sadd.s32 @!p0 s3, s7;
	s7 =	simm.s32 @!p0 $0x108  }
0x21: {  	s3 =	sadd.s32 s3, s9;
	s6 =	sadd.s32 @!p0 $0x88, s6;
	s7 =	simm.s32 @p2 $0x1082  }
0x22: {  	[simem:s7], [sflag:s8] =	dma.local @!p0 [hbm:s6], $0xF7A  }
0x23: {  	s9 =	sor.u32 $0xD0000000, s2;
	s6 =	simm.s32 $0x108;
	_ =	swait.ge @!p0 [sflag:s8], $0x0  }
0x24: {  	s3 =	sadd.s32 $0x88, s3;
	s6 =	simm.s32 @!p1 $0x1082;
	[sflag:s4] =	ssyncset.s32 $0xFFFFF086  }
0x25: {  	[simem:s6], [sflag:s4] =	dma.local [hbm:s3], $0xF7A  }
0x26: {  	[smem:$0x3F9B] =	sst s1;
	(tag) =	ssettag s2;
	_ =	strace s9  }
0x27: {  	s1 =	sld [smem:$0x3FAB]  }
0x28: {  	s2 =	sld [smem:$0x3FAC]  }
0x29: {  	s4 =	sld [smem:$0x3FAE]  }
0x2a: {  	p0 =	seq.s32 s5, $0x0;
	s5 =	sld [smem:$0x3FAF]  }
0x2b: {  	s6 =	sld [smem:$0x3FB0]  }
0x2c: {  	s7 =	sld [smem:$0x3FB1]  }
0x2d: {  	s3 =	simm.s32 $0x108;
	s8 =	sld [smem:$0x3FB2]  }
0x2e: {  	s3 =	simm.s32 @!p0 $0x1082;
	s9 =	sld [smem:$0x3FB3]  }
0x2f: {  	lr =	sadd.s32 s0, s3;
	s0 =	sld [smem:$0x3FAA]  }
0x30: {  	s3 =	sld [smem:$0x3FAD]  }
0x31: {  	[smem:$0x3FB6] =	sst s10  }
0x32: {  	s10 =	sld [smem:$0x3FB4];
	_ =	sdelay $0x3  }
0x33: {  	p0 =	seq.s32 s10, $0x1;
	s10 =	sld [smem:$0x3FB6];
	_ =	sdelay $0x3  }
0x34: {  	[smem:$0x3FB6] =	sst s10  }
0x35: {  	s10 =	sld [smem:$0x3FB5];
	_ =	sdelay $0x3  }
0x36: {  	p1 =	seq.s32 s10, $0x1;
	s10 =	sld [smem:$0x3FB6];
	_ =	sdelay $0x3  }
0x37: {  	[smem:$0x3FB6] =	sst s10  }
0x38: {  	s10 =	sld [smem:$0x3FB7]  }
0x39: {  	_ = 	snop;
	(pc) =	sbr.ind lr, $3  }
0x3a: {  	_ = 	snop  }
0x3b: {  	_ = 	snop  }
0x3c: {  	p2 =	seq.s32 s10, $0x1;
	s10 =	sld [smem:$0x3FB6]  }
0x3d: {  	_ =	shalt  }
0x3e: {  	_ =	shalt  }
0x3f: {  	_ =	shalt  }
0x40: {  	_ =	shalt  }
0x41: {  	_ =	shalt  }
0x42: {  	_ =	shalt  }
0x43: {  	_ =	shalt  }
0x44: {  	_ =	shalt  }
0x45: {  	_ =	shalt  }
0x46: {  	_ =	shalt  }
0x47: {  	_ =	shalt  }
0x48: {  	_ =	shalt  }
0x49: {  	_ =	shalt  }
0x4a: {  	_ =	shalt  }
0x4b: {  	_ =	shalt  }
0x4c: {  	_ =	shalt  }
0x4d: {  	_ =	shalt  }
0x4e: {  	_ =	shalt  }
0x4f: {  	_ =	shalt  }
0x50: {  	_ =	shalt  }
0x51: {  	_ =	shalt  }
0x52: {  	_ =	shalt  }
0x53: {  	_ =	shalt  }
0x54: {  	_ =	shalt  }
0x55: {  	_ =	shalt  }
0x56: {  	_ =	shalt  }
0x57: {  	_ =	shalt  }
0x58: {  	_ =	shalt  }
0x59: {  	_ =	shalt  }
0x5a: {  	_ =	shalt  }
0x5b: {  	_ =	shalt  }
0x5c: {  	_ =	shalt  }
0x5d: {  	_ =	shalt  }
0x5e: {  	_ =	shalt  }
0x5f: {  	_ =	shalt  }
0x60: {  	_ =	shalt  }
0x61: {  	_ =	shalt  }
0x62: {  	_ =	shalt  }
0x63: {  	_ =	shalt  }
0x64: {  	_ =	shalt  }
0x65: {  	_ =	shalt  }
0x66: {  	_ =	shalt  }
0x67: {  	_ =	shalt  }
0x68: {  	_ =	shalt  }
0x69: {  	_ =	shalt  }
0x6a: {  	_ =	shalt  }
0x6b: {  	_ =	shalt  }
0x6c: {  	_ =	shalt  }
0x6d: {  	_ =	shalt  }
0x6e: {  	_ =	shalt  }
0x6f: {  	_ =	shalt  }
0x70: {  	_ =	shalt  }
0x71: {  	_ =	shalt  }
0x72: {  	_ =	shalt  }
0x73: {  	_ =	shalt  }
0x74: {  	_ =	shalt  }
0x75: {  	_ =	shalt  }
0x76: {  	_ =	shalt  }
0x77: {  	_ =	shalt  }
0x78: {  	_ =	shalt  }
0x79: {  	_ =	shalt  }
0x7a: {  	_ =	shalt  }
0x7b: {  	_ =	shalt  }
0x7c: {  	_ =	shalt  }
0x7d: {  	_ =	shalt  }
0x7e: {  	_ =	shalt  }
0x7f: {  	_ =	shalt  }
0x80: {  	_ =	shalt  }
0x81: {  	_ =	shalt  }
0x82: {  	_ =	shalt  }
0x83: {  	_ =	shalt  }
0x84: {  	_ =	shalt  }
0x85: {  	_ =	shalt  }
0x86: {  	_ =	shalt  }
0x87: {  	_ =	shalt  }
.Lfunc_end0:
.L_simem_size_0:
called_computation_lowered:
.L_overlay_start_0:
0x88: {  	s2 =	sld [smem:$0x3FD9]  }
0x89: {  	s3 =	sld [smem:$0x3FFE];
	_ =	sdelay $0x1  }
0x8a: {  	s1 =	srdreg.scid  }
0x8b: {  	s0 =	sand.u32 $0x1, s1  }
0x8c: {  	s17 =	sshll.u32 s0, $0xA;
	s2 =	sadd.s32 s3, s2  }
0x8d: {  	s2 =	sadd.s32 s2, s17  }
0x8e: {  	[smem:$0x3FC2] =	sst s2  }
0x8f: {  	_ = 	snop  }
0x90: {  	s2 =	sld [smem:$0x3FD0];
	(tm) =	ssettm $0x1  }
0x91: {  	s18 =	sld [smem:$0x3FFB];
	_ =	sdelay $0x3  }
0x92: {  	_ =	strace s18  }
0x93: {  	s3 =	sld [smem:$0x3FFC];
	_ =	sdelay $0x3  }
0x94: {  	_ =	strace s3  }
0x95: {  	s3 =	sld [smem:$0x3FFD];
	_ =	sdelay $0x3  }
0x96: {  	_ =	strace s3  }
0x97: {  	_ =	strace $0x8FFFFFFF  }
0x98: {  	s19 =	sld [smem:$0x3FDB];
	_ =	sdelay $0x1  }
0x99: {  	s4 =	simm.s32 $_scs_section_size  }
0x9a: {  	s5 =	simm.s32 $_size__tile_overlayer_lowered;
	s6 =	simm.s32 $_tile_overlayer_lowered  }
0x9b: {  	s22 =	simm.s32 $0x1BFF;
	s21 =	sshll.u32 s6, $0x1;
	s3 =	sadd.s32 s4, s19  }
0x9c: {  	s7 =	simm.s32 $0x0;
	s20 =	sshll.u32 s5, $0x1;
	s5 =	sadd.s32 s21, s3  }
0x9d: {  	[timem:s7], [sflag:s22] =	dma.local [hbm:s5], s20  }
0x9e: {  	_ =	swait.ge [sflag:s22], s20  }
0x9f: {  	s4 =	ssub.s32 $0x0, s20;
	[sflag:s22] =	ssyncset.done $0x0  }
0xa0: {  	[sflag:s22] =	ssyncadd.s32 s4;
	_ =	sdelay $0x1  }
0xa1: {  	s23 =	simm.s32 $0x1B8B  }
0xa2: {  	_ =	swait.ge [sflag:s23], $0x1  }
0xa3: {  	[sflag:s23] =	ssyncset.done $0x0  }
0xa4: {  	s25 =	simm.s32 $0x1B8E;
	s24 =	sld [smem:$0x3FFE];
	[sflag:s23] =	ssyncadd.s32 $0xFFFFFFFF  }
0xa5: {  	s26 =	simm.s32 $execute0_lowered;
	[smem:$0x3FD2] =	sst s25  }
0xa6: {  	s5 =	sshll.u32 s26, $0x1;
	_ =	strace $0x80000046;
	[dreg:$0x1] =	wrdreg $0xFFFFFFFF  }
0xa7: {  	s28 =	simm.s32 $_size_execute0_lowered;
	s3 =	sadd.s32 s3, s5;
	[dreg:$0x0] =	wrdreg $0x0  }
0xa8: {  	s5 =	sshll.u32 s28, $0x1;
	[dreg:$0x2] =	wrdreg s3  }
0xa9: {  	[dreg:$0x3] =	wrdreg s5  }
0xaa: {  	[dreg:$0x4] =	wrdreg $0xC0  }
0xab: {  	_ =	task [dreg:s7], $0x5FFFF  }
0xac: {  	[dreg:$0x1] =	wrdreg $0xFFFFFFFF  }
0xad: {  	[dreg:$0x0] =	wrdreg $0x60  }
0xae: {  	[dreg:$0x2] =	wrdreg s2  }
0xaf: {  	[dreg:$0x3] =	wrdreg s24  }
0xb0: {  	[dreg:$0x4] =	wrdreg $0x9  }
0xb1: {  	_ =	task.clear_ibuf [dreg:s7], $0x5FFFF;
	_ =	strace $0x90000046  }
0xb2: {  	s29 =	simm.s32 $0x9;
	_ =	strace $0x80000048  }
0xb3: {  	_ =	swait.ge [sflag:s29], $0x1  }
0xb4: {  	[sflag:s29] =	ssyncadd.s32 $0xFFFFFFFF  }
0xb5: {  	_ =	strace $0x90000048  }
0xb6: {  	_ =	sfence  }
0xb7: {  	s30 =	sld [smem:$0x0];
	_ =	sdelay $0x2  }
0xb8: {  	s31 =	sshll.u32 s1, $0xD;
	s1 =	sshrl.u32 s1, $0x2  }
0xb9: {  	s3 =	sand.u32 $0x4000, s31;
	s1 =	sadd.s32 s1, s30  }
0xba: {  	s0 =	sor.u32 s3, s0;
	s1 =	sshll.u32 s1, $0x11  }
0xbb: {  	s0 =	sor.u32 s1, s0  }
0xbc: {  	s0 =	sadd.s32 $0x8F2B, s0  }
0xbd: {  	[sflag:s0] =	ssyncadd.remote.s32 $0x1  }
0xbe: {  	_ =	sfence.sel $0xFFFF  }
0xbf: {  	[dreg:$0x0] =	wrdreg $0xFFFFFFFF;
	(pc) =	sbr.abs _section_cstart, $3  }
0xc0: {  	[dreg:$0x1] =	wrdreg $0xFFFFFFFF  }
0xc1: {  	_ =	task.clear_ibuf [dreg:s7], $0x2FFFF;
	_ =	strace $0x9FFFFFFF  }
0xc2: {  	(tm) =	ssettm $0x7FFFFFFF  }
0xc3: {  	_ =	shalt  }
tec
execute0_lowered:
.L_overlay_start_1:
0x0: {  	(tag) =	ssettag $0x1  }
0x1: {  	s2 =	rddreg [dreg:$0x0]  }
0x2: {  	s1 =	srdreg.scid;
	s0 =	stileid.u32  }
0x3: {  	s6 =	rddreg [dreg:$0x1];
	s3 =	simm.s32 $0x0;
	s12 =	simm.s32 $0x3E8  }
0x4: {  	s13 =	simm.s32 $0x1;
	s14 =	simm.s32 $0x7D0;
	s15 =	simm.s32 $0x101D0  }
0x5: {  	s16 =	simm.s32 $0x106D0;
	s7 =	sand.u32 $0x1, s1;
	s4 =	sshll.u32 s0, $0x1  }
0x6: {  	s17 =	simm.s32 $0x0;
	s1 =	rddreg [dreg:$0x2];
	s4 =	sor.u32 s7, s4  }
0x7: {  	[smem:$0x7FF] =	sst s3;
	s5 =	sadd.s32 $0x189000, s6;
	s8 =	smul.u32 $0x3E8, s4  }
.Ltmp0:
0x8: {  	s6 =	sadd.s32 $0x2600, s6;
	s7 =	ssub.s32 $0x2, s7;
	(pc) =	sbr.rel .LBB2_1-.Ltmp0, $4  }
0x9: {  	p0 =	sgt.u32 s0, $0x1;
	s9 =	sshrl.u32 s7, $0x1;
	s10 =	smul.u32 $0x7D, s4  }
0xa: {  	_ =	strace $0x80000047;
	s11 =	ssub.s32 s7, s9;
	s8 =	sshrl.u32 s8, $0x3  }
0xb: {  	s9 =	sor.u32 $0x40, s4;
	s7 =	sadd.s32 s5, s10;
	s8 =	sadd.s32 s5, s8  }
0xc: {  	s10 =	sor.u32 $0x60, s4;
	s11 =	smax.u32 s11, $0x1;
	s8 =	sadd.s32 $0xFA0, s8  }
.LBB2_11:
0xd: {  	s17 =	sadd.s32 $0x1, s17  }
0xe: {  	p1 =	sne.s32 s17, s11  }
.Ltmp1:
0xf: {  	_ = 	snop;
	(pc) =	sbr.rel @!p1 .LBB2_12-.Ltmp1, $4  }
0x10: {  	s18 =	simm.s32 @!p0 $0x5  }
0x11: {  	_ =	swait.ge @!p0 [sflag:s18], $0x500  }
0x12: {  	[sflag:s18] =	ssyncset.done @!p0 $0x0  }
0x13: {  	[sflag:s18] =	ssyncadd.s32 @!p0 $0xFFFFFB00  }
.LBB2_1:
0x14: {  	[tilespmem:s3], [sflag:$0x1] =	stream.linear.gather [hbm4b:s7+s3], $0x3E8, $0x38;
	[tilespmem:$0x10BD0] =	vst v63  }
0x15: {  	_ = 	snop  }
0x16: {  	[tilespmem:s12], [sflag:$0x2] =	stream.linear.gather [hbm4b:s8+s3], $0x3E8, $0x38;
	[tilespmem:$0x10BD0] =	vst v63  }
.Ltmp2:
0x17: {  	_ = 	snop;
	(pc) =	sbr.rel .LBB2_2-.Ltmp2, $4  }
0x18: {  	_ =	swait.ge [sflag:s13], $0x3E8  }
0x19: {  	[sflag:s13] =	ssyncset.done $0x0  }
0x1a: {  	s18 =	simm.s32 $0x0;
	[sflag:s13] =	ssyncadd.s32 $0xFFFFFC18  }
0x1b: {  	[tilespmem:s14], [sflag:$0x3] =	stream.indirect.gather [hbm4b:s2+s12], $0x20, s3, s12, $0xb8;
	[tilespmem:$0x10BD0] =	vst v63  }
.LBB2_10:
0x1c: {  	s18 =	sadd.s32 $0x1, s18  }
0x1d: {  	p1 =	sne.s32 s18, $0x28  }
.Ltmp3:
0x1e: {  	_ = 	snop;
	(pc) =	sbr.rel @!p1 .LBB2_11-.Ltmp3, $1  }
0x1f: {  	_ =	sdelay $0x3  }
.LBB2_2:
0x20: {  	s21 =	sshll.u32 s18, $0x6  }
0x21: {  	s22 =	sor.u32 s4, s21  }
0x22: {  	s19 =	sadd.s32 s9, s21;
	p4 =	sgt.u32 s22, $0x9C3  }
0x23: {  	p1 =	sgt.u32 s19, $0x9C3;
	s20 =	simm.s32 @!p4 $0x3  }
0x24: {  	s19 =	smul.u32 @!p1 $0x7D, s19;
	_ =	swait.ge @!p4 [sflag:s20], $0x7D00  }
0x25: {  	[sflag:s20] =	ssyncset.done @!p4 $0x0  }
0x26: {  	s19 =	sadd.s32 @!p1 s5, s19;
	[sflag:s20] =	ssyncadd.s32 @!p4 $0xFFFF8300;
	s20 =	simm.s32 @!p1 $0x0  }
0x27: {  	[tilespmem:s20], [sflag:$0x1] =	stream.linear.gather @!p1 [hbm4b:s19+s20], $0x3E8, $0x38;
	[tilespmem:$0x10BD0] =	vst v63  }
0x28: {  	s19 =	sor.u32 $0x20, s22  }
0x29: {  	p2 =	sgt.u32 s19, $0x9C3  }
0x2a: {  	s23 =	simm.s32 @!p2 $0x2  }
0x2b: {  	_ =	swait.ge @!p2 [sflag:s23], $0x3E8  }
0x2c: {  	[sflag:s23] =	ssyncset.done @!p2 $0x0  }
0x2d: {  	s24 =	simm.s32 @!p2 $0x84D0;
	[sflag:s23] =	ssyncadd.s32 @!p2 $0xFFFFFC18;
	s23 =	simm.s32 @!p2 $0x3E8  }
0x2e: {  	[tilespmem:s24], [sflag:$0x4] =	stream.indirect.gather @!p2 [hbm4b:s2+s23], $0x20, s23, s23, $0xb8;
	[tilespmem:$0x10BD0] =	vst v63  }
.Ltmp4:
0x2f: {  	p3 =	seq.s32 s18, $0x0;
	(pc) =	sbr.rel @p4 .LBB2_6-.Ltmp4, $4  }
0x30: {  	s23 =	simm.s32 @!p3 $0x5  }
0x31: {  	_ =	swait.ge @!p3 [sflag:s23], $0x500  }
0x32: {  	[sflag:s23] =	ssyncset.done @!p3 $0x0  }
0x33: {  	[sflag:s23] =	ssyncadd.s32 @!p3 $0xFFFFFB00  }
0x34: {  	s23 =	simm.s32 $0x960  }
0x35: {  	v0 =	vld [tilespmem:s23+$0xFFFFFEA0]  }
0x36: {  	v1 =	vld [tilespmem:s23+$0xFFFFFE70]  }
0x37: {  	v2 =	vld [tilespmem:s23+$0xFFFFFE90]  }
0x38: {  	v3 =	vld [tilespmem:s23+$0xFFFFFE80]  }
0x39: {  	v4 =	vld [tilespmem:s23+$0xFFFFFEB0]  }
0x3a: {  	v5 =	vld [tilespmem:s23+$0xFFFFFEC0]  }
0x3b: {  	v6 =	vld [tilespmem:s23+$0xFFFFFED0]  }
0x3c: {  	v7 =	vld [tilespmem:s23+$0xFFFFFEF0];
	v1 =	vadd.f32 v2, v1  }
0x3d: {  	v2 =	vld [tilespmem:s23+$0xFFFFFEE0]  }
0x3e: {  	v37 =	vld [tilespmem:s23+$0xFFFFFF10];
	v0 =	vadd.f32 v0, v3;
	v1 =	vadd.f32 v4, v1  }
0x3f: {  	v3 =	vld [tilespmem:s23+$0xFFFFFF00]  }
0x40: {  	v38 =	vld [tilespmem:s23+$0xFFFFFF20];
	v0 =	vadd.f32 v5, v0;
	v1 =	vadd.f32 v6, v1  }
0x41: {  	v39 =	vld [tilespmem:s23+$0xFFFFFF30]  }
0x42: {  	v40 =	vld [tilespmem:s23+$0xFFFFFF50];
	v0 =	vadd.f32 v2, v0;
	v1 =	vadd.f32 v7, v1  }
0x43: {  	v2 =	vld [tilespmem:s23+$0xFFFFFF40]  }
0x44: {  	v41 =	vld [tilespmem:s23+$0xFFFFFF70];
	v0 =	vadd.f32 v3, v0;
	v1 =	vadd.f32 v37, v1  }
0x45: {  	v3 =	vld [tilespmem:s23+$0xFFFFFF60]  }
0x46: {  	v42 =	vld [tilespmem:s23+$0xFFFFFF80];
	v0 =	vadd.f32 v38, v0;
	v1 =	vadd.f32 v39, v1  }
0x47: {  	v43 =	vld [tilespmem:s23+$0xFFFFFF90]  }
0x48: {  	v44 =	vld [tilespmem:s23+$0xFFFFFFB0];
	v0 =	vadd.f32 v2, v0;
	v1 =	vadd.f32 v40, v1  }
0x49: {  	v2 =	vld [tilespmem:s23+$0xFFFFFFA0]  }
0x4a: {  	v45 =	vld [tilespmem:s23+$0xFFFFFFD0];
	v0 =	vadd.f32 v3, v0;
	v1 =	vadd.f32 v41, v1  }
0x4b: {  	v3 =	vld [tilespmem:s23+$0xFFFFFFC0]  }
0x4c: {  	v46 =	vld [tilespmem:s23+$0xFFFFFFE0];
	v0 =	vadd.f32 v42, v0;
	v1 =	vadd.f32 v43, v1  }
0x4d: {  	v47 =	vld [tilespmem:s23+$0xFFFFFFF0]  }
0x4e: {  	v48 =	vld [tilespmem:s23+$0x10];
	v0 =	vadd.f32 v2, v0;
	v1 =	vadd.f32 v44, v1  }
0x4f: {  	v2 =	vld [tilespmem:s23+$0x0]  }
0x50: {  	v49 =	vld [tilespmem:s23+$0x30];
	v0 =	vadd.f32 v3, v0;
	v1 =	vadd.f32 v45, v1  }
0x51: {  	v3 =	vld [tilespmem:s23+$0x20]  }
0x52: {  	v50 =	vld [tilespmem:s23+$0x40];
	v0 =	vadd.f32 v46, v0;
	v1 =	vadd.f32 v47, v1  }
0x53: {  	v51 =	vld [tilespmem:s23+$0x50]  }
0x54: {  	v52 =	vld [tilespmem:s23+$0x70];
	v0 =	vadd.f32 v2, v0;
	v1 =	vadd.f32 v48, v1  }
0x55: {  	v2 =	vld [tilespmem:s23+$0x60]  }
0x56: {  	v53 =	vld [tilespmem:s23+$0x90];
	v0 =	vadd.f32 v3, v0;
	v1 =	vadd.f32 v49, v1  }
0x57: {  	v3 =	vld [tilespmem:s23+$0x80]  }
0x58: {  	v54 =	vld [tilespmem:s23+$0xA0];
	v0 =	vadd.f32 v50, v0;
	v1 =	vadd.f32 v51, v1  }
0x59: {  	v55 =	vld [tilespmem:s23+$0xB0]  }
0x5a: {  	v56 =	vld [tilespmem:s23+$0xD0];
	v0 =	vadd.f32 v2, v0;
	v1 =	vadd.f32 v52, v1  }
0x5b: {  	v2 =	vld [tilespmem:s23+$0xC0]  }
0x5c: {  	v57 =	vld [tilespmem:s23+$0xF0];
	v0 =	vadd.f32 v3, v0;
	v1 =	vadd.f32 v53, v1  }
0x5d: {  	v3 =	vld [tilespmem:s23+$0xE0]  }
0x5e: {  	v58 =	vld [tilespmem:s23+$0x100];
	v0 =	vadd.f32 v54, v0;
	v1 =	vadd.f32 v55, v1  }
0x5f: {  	v59 =	vld [tilespmem:s23+$0x110]  }
0x60: {  	v60 =	vld [tilespmem:s23+$0x130];
	v0 =	vadd.f32 v2, v0;
	v1 =	vadd.f32 v56, v1  }
0x61: {  	v2 =	vld [tilespmem:s23+$0x120]  }
0x62: {  	v61 =	vld [tilespmem:s23+$0x150];
	v0 =	vadd.f32 v3, v0;
	v1 =	vadd.f32 v57, v1  }
0x63: {  	v3 =	vld [tilespmem:s23+$0x140]  }
0x64: {  	v62 =	vld [tilespmem:s23+$0x160];
	v0 =	vadd.f32 v58, v0;
	v1 =	vadd.f32 v59, v1  }
0x65: {  	v63 =	vld [tilespmem:s23+$0x170]  }
0x66: {  	v0 =	vadd.f32 v2, v0;
	v1 =	vadd.f32 v60, v1  }
0x67: {  	v2 =	vld [tilespmem:s23+$0x180]  }
0x68: {  	v0 =	vadd.f32 v3, v0;
	v1 =	vadd.f32 v61, v1;
	_ =	sdelay $0x1  }
0x69: {  	v0 =	vadd.f32 v62, v0;
	v1 =	vadd.f32 v63, v1  }
0x6a: {  	s25 =	simm.s32 $0x0  }
0x6b: {  	s24 =	simm.s32 $0x80;
	v0 =	vadd.f32 v2, v0;
	[tilespmem:s25+$0x101D0] =	vst v1  }
.LBB2_4:
0x6c: {  	p4 =	sne.s32 s24, $0x1380  }
0x6d: {  	[tilespmem:s25+$0x101E0] =	vst v0;
	s23 =	sadd.s32 $0x320, s23;
	s25 =	smov.u32 s24;
	s24 =	sadd.s32 $0x80, s24  }
0x6e: {  	v0 =	vld [tilespmem:s23+$0xFFFFFEA0]  }
0x6f: {  	v1 =	vld [tilespmem:s23+$0xFFFFFE70]  }
0x70: {  	v2 =	vld [tilespmem:s23+$0xFFFFFE90]  }
0x71: {  	v3 =	vld [tilespmem:s23+$0xFFFFFE80]  }
0x72: {  	v4 =	vld [tilespmem:s23+$0xFFFFFEB0]  }
0x73: {  	v5 =	vld [tilespmem:s23+$0xFFFFFEC0]  }
0x74: {  	v6 =	vld [tilespmem:s23+$0xFFFFFED0]  }
0x75: {  	v1 =	vadd.f32 v2, v1;
	v2 =	vld [tilespmem:s23+$0xFFFFFEE0]  }
0x76: {  	v0 =	vadd.f32 v0, v3;
	v3 =	vld [tilespmem:s23+$0xFFFFFEF0]  }
0x77: {  	v1 =	vadd.f32 v4, v1;
	v4 =	vld [tilespmem:s23+$0xFFFFFF00]  }
0x78: {  	v0 =	vadd.f32 v5, v0;
	v5 =	vld [tilespmem:s23+$0xFFFFFF10]  }
0x79: {  	v1 =	vadd.f32 v6, v1;
	v6 =	vld [tilespmem:s23+$0xFFFFFF20]  }
0x7a: {  	v0 =	vadd.f32 v2, v0;
	v2 =	vld [tilespmem:s23+$0xFFFFFF30]  }
0x7b: {  	v1 =	vadd.f32 v3, v1;
	v3 =	vld [tilespmem:s23+$0xFFFFFF40]  }
0x7c: {  	v0 =	vadd.f32 v4, v0;
	v4 =	vld [tilespmem:s23+$0xFFFFFF50]  }
0x7d: {  	v1 =	vadd.f32 v5, v1;
	v5 =	vld [tilespmem:s23+$0xFFFFFF60]  }
0x7e: {  	v0 =	vadd.f32 v6, v0;
	v6 =	vld [tilespmem:s23+$0xFFFFFF70]  }
0x7f: {  	v1 =	vadd.f32 v2, v1;
	v2 =	vld [tilespmem:s23+$0xFFFFFF80]  }
0x80: {  	v0 =	vadd.f32 v3, v0;
	v3 =	vld [tilespmem:s23+$0xFFFFFF90]  }
0x81: {  	v1 =	vadd.f32 v4, v1;
	v4 =	vld [tilespmem:s23+$0xFFFFFFA0]  }
0x82: {  	v0 =	vadd.f32 v5, v0;
	v5 =	vld [tilespmem:s23+$0xFFFFFFB0]  }
0x83: {  	v1 =	vadd.f32 v6, v1;
	v6 =	vld [tilespmem:s23+$0xFFFFFFC0]  }
0x84: {  	v0 =	vadd.f32 v2, v0;
	v2 =	vld [tilespmem:s23+$0xFFFFFFD0]  }
0x85: {  	v1 =	vadd.f32 v3, v1;
	v3 =	vld [tilespmem:s23+$0xFFFFFFE0]  }
0x86: {  	v0 =	vadd.f32 v4, v0;
	v4 =	vld [tilespmem:s23+$0xFFFFFFF0]  }
0x87: {  	v1 =	vadd.f32 v5, v1;
	v5 =	vld [tilespmem:s23+$0x0]  }
0x88: {  	v0 =	vadd.f32 v6, v0;
	v6 =	vld [tilespmem:s23+$0x10]  }
0x89: {  	v1 =	vadd.f32 v2, v1;
	v2 =	vld [tilespmem:s23+$0x20]  }
0x8a: {  	v0 =	vadd.f32 v3, v0;
	v3 =	vld [tilespmem:s23+$0x30]  }
0x8b: {  	v1 =	vadd.f32 v4, v1;
	v4 =	vld [tilespmem:s23+$0x40]  }
0x8c: {  	v0 =	vadd.f32 v5, v0;
	v5 =	vld [tilespmem:s23+$0x50]  }
0x8d: {  	v1 =	vadd.f32 v6, v1;
	v6 =	vld [tilespmem:s23+$0x60]  }
0x8e: {  	v0 =	vadd.f32 v2, v0;
	v2 =	vld [tilespmem:s23+$0x70]  }
0x8f: {  	v1 =	vadd.f32 v3, v1;
	v3 =	vld [tilespmem:s23+$0x80]  }
0x90: {  	v0 =	vadd.f32 v4, v0;
	v4 =	vld [tilespmem:s23+$0x90]  }
0x91: {  	v1 =	vadd.f32 v5, v1;
	v5 =	vld [tilespmem:s23+$0xA0]  }
0x92: {  	v0 =	vadd.f32 v6, v0;
	v6 =	vld [tilespmem:s23+$0xB0]  }
0x93: {  	v1 =	vadd.f32 v2, v1;
	v2 =	vld [tilespmem:s23+$0xC0]  }
0x94: {  	v0 =	vadd.f32 v3, v0;
	v3 =	vld [tilespmem:s23+$0xD0]  }
0x95: {  	v1 =	vadd.f32 v4, v1;
	v4 =	vld [tilespmem:s23+$0xE0]  }
0x96: {  	v0 =	vadd.f32 v5, v0;
	v5 =	vld [tilespmem:s23+$0xF0]  }
0x97: {  	v1 =	vadd.f32 v6, v1;
	v6 =	vld [tilespmem:s23+$0x100]  }
0x98: {  	v0 =	vadd.f32 v2, v0;
	v2 =	vld [tilespmem:s23+$0x110]  }
0x99: {  	v1 =	vadd.f32 v3, v1;
	v3 =	vld [tilespmem:s23+$0x120]  }
0x9a: {  	v0 =	vadd.f32 v4, v0;
	v4 =	vld [tilespmem:s23+$0x130]  }
0x9b: {  	v1 =	vadd.f32 v5, v1;
	v5 =	vld [tilespmem:s23+$0x140]  }
0x9c: {  	v0 =	vadd.f32 v6, v0;
	v6 =	vld [tilespmem:s23+$0x150]  }
0x9d: {  	v1 =	vadd.f32 v2, v1;
	v2 =	vld [tilespmem:s23+$0x160]  }
0x9e: {  	v0 =	vadd.f32 v3, v0;
	v3 =	vld [tilespmem:s23+$0x170]  }
0x9f: {  	v1 =	vadd.f32 v4, v1;
	v4 =	vld [tilespmem:s23+$0x180]  }
0xa0: {  	v0 =	vadd.f32 v5, v0  }
.Ltmp5:
0xa1: {  	v1 =	vadd.f32 v6, v1;
	(pc) =	sbr.rel @p4 .LBB2_4-.Ltmp5, $4  }
0xa2: {  	v0 =	vadd.f32 v2, v0  }
0xa3: {  	v1 =	vadd.f32 v3, v1  }
0xa4: {  	s25 =	sshra.s32 s25, $0x2;
	v0 =	vadd.f32 v4, v0  }
0xa5: {  	[tilespmem:s25+$0x101D0] =	vst v1  }
0xa6: {  	s22 =	smul.u32 $0xA0, s22;
	_ =	sdelay $0x1  }
0xa7: {  	[tilespmem:s25+$0x101E0] =	vst v0;
	s22 =	sadd.s32 s6, s22  }
0xa8: {  	[hbm4b:s22+s3] =	stream.linear.scatter [tilespmem:s15], [sflag:$0x5], $0x500, $0x38;
	[tilespmem:$0x10BD0] =	vst v63  }
0xa9: {  	s22 =	simm.s32 @!p2 $0x4  }
0xaa: {  	_ =	swait.ge @!p2 [sflag:s22], $0x7D00  }
0xab: {  	[sflag:s22] =	ssyncset.done @!p2 $0x0  }
0xac: {  	[sflag:s22] =	ssyncadd.s32 @!p2 $0xFFFF8300  }
.LBB2_6:
0xad: {  	s21 =	sadd.s32 s10, s21  }
0xae: {  	p4 =	sgt.u32 s21, $0x9C3  }
0xaf: {  	s21 =	smul.u32 @!p4 $0x7D, s21;
	_ =	sdelay $0x1  }
0xb0: {  	s22 =	simm.s32 @!p4 $0x0;
	s23 =	simm.s32 @!p4 $0x3E8;
	s21 =	sadd.s32 @!p4 s5, s21  }
0xb1: {  	[tilespmem:s23], [sflag:$0x2] =	stream.linear.gather @!p4 [hbm4b:s21+s22], $0x3E8, $0x38;
	[tilespmem:$0x10BD0] =	vst v63  }
0xb2: {  	s21 =	simm.s32 @!p1 $0x1  }
0xb3: {  	_ =	swait.ge @!p1 [sflag:s21], $0x3E8  }
0xb4: {  	[sflag:s21] =	ssyncset.done @!p1 $0x0  }
0xb5: {  	s22 =	simm.s32 @!p1 $0x7D0;
	[sflag:s21] =	ssyncadd.s32 @!p1 $0xFFFFFC18;
	s21 =	simm.s32 @!p1 $0x3E8  }
0xb6: {  	[tilespmem:s22], [sflag:$0x3] =	stream.indirect.gather @!p1 [hbm4b:s2+s21], $0x20, s20, s21, $0xb8;
	[tilespmem:$0x10BD0] =	vst v63  }
.Ltmp6:
0xb7: {  	_ = 	snop;
	(pc) =	sbr.rel @p2 .LBB2_10-.Ltmp6, $4  }
0xb8: {  	s20 =	simm.s32 @!p3 $0x6  }
0xb9: {  	_ =	swait.ge @!p3 [sflag:s20], $0x500  }
0xba: {  	[sflag:s20] =	ssyncset.done @!p3 $0x0  }
0xbb: {  	[sflag:s20] =	ssyncadd.s32 @!p3 $0xFFFFFB00  }
0xbc: {  	s20 =	simm.s32 $0x0  }
0xbd: {  	v0 =	vld [tilespmem:s20+$0x84D0]  }
0xbe: {  	v1 =	vld [tilespmem:s20+$0x8500]  }
0xbf: {  	v2 =	vld [tilespmem:s20+$0x84F0]  }
0xc0: {  	v3 =	vld [tilespmem:s20+$0x84E0]  }
0xc1: {  	v4 =	vld [tilespmem:s20+$0x8510]  }
0xc2: {  	v5 =	vld [tilespmem:s20+$0x8520]  }
0xc3: {  	v6 =	vld [tilespmem:s20+$0x8530]  }
0xc4: {  	v7 =	vld [tilespmem:s20+$0x8540];
	v0 =	vadd.f32 v2, v0  }
0xc5: {  	v8 =	vld [tilespmem:s20+$0x8550]  }
0xc6: {  	v2 =	vadd.f32 v1, v3;
	v1 =	vld [tilespmem:s20+$0x8570];
	v0 =	vadd.f32 v4, v0  }
0xc7: {  	v4 =	vld [tilespmem:s20+$0x8560]  }
0xc8: {  	v3 =	vadd.f32 v5, v2;
	v2 =	vld [tilespmem:s20+$0x8580];
	v5 =	vadd.f32 v6, v0  }
0xc9: {  	v0 =	vld [tilespmem:s20+$0x8590]  }
0xca: {  	s22 =	simm.s32 $0x106E0;
	s23 =	simm.s32 $0xC80;
	s21 =	simm.s32 $0x106E0;
	v6 =	vadd.f32 v7, v3;
	v3 =	vld [tilespmem:s20+$0x85A0];
	v5 =	vadd.f32 v8, v5  }
.LBB2_8:
0xcb: {  	p1 =	sne.s32 s23, $0x1E780  }
0xcc: {  	v4 =	vadd.f32 v4, v6;
	v6 =	vld [tilespmem:s20+$0x85B0];
	s22 =	sadd.s32 $0x20, s22;
	s24 =	smov.u32 s23;
	s23 =	sadd.s32 $0xC80, s23  }
0xcd: {  	v1 =	vadd.f32 v1, v5;
	v5 =	vld [tilespmem:s20+$0x85C0]  }
0xce: {  	v2 =	vadd.f32 v2, v4;
	v4 =	vld [tilespmem:s20+$0x85D0]  }
0xcf: {  	s24 =	sshra.s32 s24, $0x2;
	v0 =	vadd.f32 v0, v1;
	v1 =	vld [tilespmem:s20+$0x85E0]  }
0xd0: {  	v2 =	vadd.f32 v3, v2;
	v3 =	vld [tilespmem:s20+$0x85F0]  }
0xd1: {  	v0 =	vadd.f32 v6, v0;
	v6 =	vld [tilespmem:s20+$0x8600]  }
0xd2: {  	v2 =	vadd.f32 v5, v2;
	v5 =	vld [tilespmem:s20+$0x8610]  }
0xd3: {  	v0 =	vadd.f32 v4, v0;
	v4 =	vld [tilespmem:s20+$0x8620]  }
0xd4: {  	v1 =	vadd.f32 v1, v2;
	v2 =	vld [tilespmem:s20+$0x8630]  }
0xd5: {  	v0 =	vadd.f32 v3, v0;
	v3 =	vld [tilespmem:s20+$0x8640]  }
0xd6: {  	v1 =	vadd.f32 v6, v1;
	v6 =	vld [tilespmem:s20+$0x8650]  }
0xd7: {  	v0 =	vadd.f32 v5, v0;
	v5 =	vld [tilespmem:s20+$0x8660]  }
0xd8: {  	v1 =	vadd.f32 v4, v1;
	v4 =	vld [tilespmem:s20+$0x8670]  }
0xd9: {  	v0 =	vadd.f32 v2, v0;
	v2 =	vld [tilespmem:s20+$0x8680]  }
0xda: {  	v1 =	vadd.f32 v3, v1;
	v3 =	vld [tilespmem:s20+$0x8690]  }
0xdb: {  	v0 =	vadd.f32 v6, v0;
	v6 =	vld [tilespmem:s20+$0x86A0]  }
0xdc: {  	v1 =	vadd.f32 v5, v1;
	v5 =	vld [tilespmem:s20+$0x86B0]  }
0xdd: {  	v0 =	vadd.f32 v4, v0;
	v4 =	vld [tilespmem:s20+$0x86C0]  }
0xde: {  	v1 =	vadd.f32 v2, v1;
	v2 =	vld [tilespmem:s20+$0x86D0]  }
0xdf: {  	v0 =	vadd.f32 v3, v0;
	v3 =	vld [tilespmem:s20+$0x86E0]  }
0xe0: {  	v1 =	vadd.f32 v6, v1;
	v6 =	vld [tilespmem:s20+$0x86F0]  }
0xe1: {  	v0 =	vadd.f32 v5, v0;
	v5 =	vld [tilespmem:s20+$0x8700]  }
0xe2: {  	v1 =	vadd.f32 v4, v1;
	v4 =	vld [tilespmem:s20+$0x8710]  }
0xe3: {  	v0 =	vadd.f32 v2, v0;
	v2 =	vld [tilespmem:s20+$0x8720]  }
0xe4: {  	v1 =	vadd.f32 v3, v1;
	v3 =	vld [tilespmem:s20+$0x8730]  }
0xe5: {  	v0 =	vadd.f32 v6, v0;
	v6 =	vld [tilespmem:s20+$0x8740]  }
0xe6: {  	v1 =	vadd.f32 v5, v1;
	v5 =	vld [tilespmem:s20+$0x8750]  }
0xe7: {  	v0 =	vadd.f32 v4, v0;
	v4 =	vld [tilespmem:s20+$0x8760]  }
0xe8: {  	v1 =	vadd.f32 v2, v1;
	v2 =	vld [tilespmem:s20+$0x8770]  }
0xe9: {  	v0 =	vadd.f32 v3, v0;
	v3 =	vld [tilespmem:s20+$0x8780]  }
0xea: {  	v1 =	vadd.f32 v6, v1;
	v6 =	vld [tilespmem:s20+$0x8790]  }
0xeb: {  	v0 =	vadd.f32 v5, v0;
	v5 =	vld [tilespmem:s20+$0x87A0]  }
0xec: {  	v1 =	vadd.f32 v4, v1;
	v4 =	vld [tilespmem:s20+$0x87B0]  }
0xed: {  	v0 =	vadd.f32 v2, v0;
	v2 =	vld [tilespmem:s20+$0x87C0]  }
0xee: {  	v1 =	vadd.f32 v3, v1;
	v3 =	vld [tilespmem:s20+$0x87D0]  }
0xef: {  	v0 =	vadd.f32 v6, v0;
	v6 =	vld [tilespmem:s20+$0x87E0];
	s20 =	smov.u32 s24  }
0xf0: {  	v1 =	vadd.f32 v5, v1  }
0xf1: {  	v0 =	vadd.f32 v4, v0  }
0xf2: {  	v1 =	vadd.f32 v2, v1  }
0xf3: {  	v0 =	vadd.f32 v3, v0  }
0xf4: {  	v1 =	vadd.f32 v6, v1  }
0xf5: {  	[tilespmem:s21+$0xFFFFFFF0] =	vst v0  }
0xf6: {  	[tilespmem:s21+$0x0] =	vst v1;
	s21 =	smov.u32 s22  }
0xf7: {  	v0 =	vld [tilespmem:s20+$0x84D0]  }
0xf8: {  	v1 =	vld [tilespmem:s20+$0x8500]  }
0xf9: {  	v2 =	vld [tilespmem:s20+$0x84F0]  }
0xfa: {  	v3 =	vld [tilespmem:s20+$0x84E0]  }
0xfb: {  	v4 =	vld [tilespmem:s20+$0x8510]  }
0xfc: {  	v5 =	vld [tilespmem:s20+$0x8520]  }
0xfd: {  	v6 =	vld [tilespmem:s20+$0x8530]  }
0xfe: {  	v0 =	vadd.f32 v2, v0;
	v7 =	vld [tilespmem:s20+$0x8540]  }
0xff: {  	v1 =	vadd.f32 v1, v3;
	v3 =	vld [tilespmem:s20+$0x8550]  }
.Ltmp7:
0x100: {  	v0 =	vadd.f32 v4, v0;
	v4 =	vld [tilespmem:s20+$0x8560];
	(pc) =	sbr.rel @p1 .LBB2_8-.Ltmp7, $4  }
0x101: {  	v5 =	vadd.f32 v5, v1;
	v1 =	vld [tilespmem:s20+$0x8570]  }
0x102: {  	v8 =	vadd.f32 v6, v0;
	v2 =	vld [tilespmem:s20+$0x8580]  }
0x103: {  	v6 =	vadd.f32 v7, v5;
	v0 =	vld [tilespmem:s20+$0x8590]  }
0x104: {  	v5 =	vadd.f32 v3, v8;
	v3 =	vld [tilespmem:s20+$0x85A0]  }
0x105: {  	v4 =	vadd.f32 v4, v6;
	v28 =	vld [tilespmem:s20+$0x85B0]  }
0x106: {  	v29 =	vld [tilespmem:s20+$0x85C0];
	v1 =	vadd.f32 v1, v5  }
0x107: {  	v30 =	vld [tilespmem:s20+$0x85D0];
	v2 =	vadd.f32 v2, v4  }
0x108: {  	v31 =	vld [tilespmem:s20+$0x85E0];
	v0 =	vadd.f32 v0, v1  }
0x109: {  	v32 =	vld [tilespmem:s20+$0x85F0];
	v2 =	vadd.f32 v3, v2  }
0x10a: {  	v33 =	vld [tilespmem:s20+$0x8600];
	v0 =	vadd.f32 v28, v0  }
0x10b: {  	v34 =	vld [tilespmem:s20+$0x8610];
	v2 =	vadd.f32 v29, v2  }
0x10c: {  	v35 =	vld [tilespmem:s20+$0x8620];
	v0 =	vadd.f32 v30, v0  }
0x10d: {  	v36 =	vld [tilespmem:s20+$0x8630];
	v1 =	vadd.f32 v31, v2  }
0x10e: {  	v37 =	vld [tilespmem:s20+$0x8640];
	v0 =	vadd.f32 v32, v0  }
0x10f: {  	v38 =	vld [tilespmem:s20+$0x8650];
	v1 =	vadd.f32 v33, v1  }
0x110: {  	v39 =	vld [tilespmem:s20+$0x8660];
	v0 =	vadd.f32 v34, v0  }
0x111: {  	v40 =	vld [tilespmem:s20+$0x8670];
	v1 =	vadd.f32 v35, v1  }
0x112: {  	v41 =	vld [tilespmem:s20+$0x8680];
	v0 =	vadd.f32 v36, v0  }
0x113: {  	v42 =	vld [tilespmem:s20+$0x8690];
	v1 =	vadd.f32 v37, v1  }
0x114: {  	v43 =	vld [tilespmem:s20+$0x86A0];
	v0 =	vadd.f32 v38, v0  }
0x115: {  	v44 =	vld [tilespmem:s20+$0x86B0];
	v1 =	vadd.f32 v39, v1  }
0x116: {  	v45 =	vld [tilespmem:s20+$0x86C0];
	v0 =	vadd.f32 v40, v0  }
0x117: {  	v46 =	vld [tilespmem:s20+$0x86D0];
	v1 =	vadd.f32 v41, v1  }
0x118: {  	v47 =	vld [tilespmem:s20+$0x86E0];
	v0 =	vadd.f32 v42, v0  }
0x119: {  	v48 =	vld [tilespmem:s20+$0x86F0];
	v1 =	vadd.f32 v43, v1  }
0x11a: {  	v49 =	vld [tilespmem:s20+$0x8700];
	v0 =	vadd.f32 v44, v0  }
0x11b: {  	v50 =	vld [tilespmem:s20+$0x8710];
	v1 =	vadd.f32 v45, v1  }
0x11c: {  	v51 =	vld [tilespmem:s20+$0x8720];
	v0 =	vadd.f32 v46, v0  }
0x11d: {  	v52 =	vld [tilespmem:s20+$0x8730];
	v1 =	vadd.f32 v47, v1  }
0x11e: {  	v53 =	vld [tilespmem:s20+$0x8740];
	v0 =	vadd.f32 v48, v0  }
0x11f: {  	v54 =	vld [tilespmem:s20+$0x8750];
	v1 =	vadd.f32 v49, v1  }
0x120: {  	v55 =	vld [tilespmem:s20+$0x8760];
	v0 =	vadd.f32 v50, v0  }
0x121: {  	v56 =	vld [tilespmem:s20+$0x8770];
	v1 =	vadd.f32 v51, v1  }
0x122: {  	v57 =	vld [tilespmem:s20+$0x8780];
	v0 =	vadd.f32 v52, v0  }
0x123: {  	v58 =	vld [tilespmem:s20+$0x8790];
	v1 =	vadd.f32 v53, v1  }
0x124: {  	v59 =	vld [tilespmem:s20+$0x87A0];
	v0 =	vadd.f32 v54, v0  }
0x125: {  	v60 =	vld [tilespmem:s20+$0x87B0];
	v1 =	vadd.f32 v55, v1  }
0x126: {  	v61 =	vld [tilespmem:s20+$0x87C0];
	v0 =	vadd.f32 v56, v0  }
0x127: {  	v62 =	vld [tilespmem:s20+$0x87D0];
	v1 =	vadd.f32 v57, v1  }
0x128: {  	v63 =	vld [tilespmem:s20+$0x87E0];
	v0 =	vadd.f32 v58, v0  }
0x129: {  	v1 =	vadd.f32 v59, v1  }
0x12a: {  	v0 =	vadd.f32 v60, v0  }
0x12b: {  	v1 =	vadd.f32 v61, v1  }
.Ltmp8:
0x12c: {  	v0 =	vadd.f32 v62, v0;
	(pc) =	sbr.rel .LBB2_10-.Ltmp8, $4  }
0x12d: {  	s19 =	smul.u32 $0xA0, s19;
	v1 =	vadd.f32 v63, v1  }
0x12e: {  	[tilespmem:s21+$0xFFFFFFF0] =	vst v0  }
0x12f: {  	s19 =	sadd.s32 s6, s19;
	[tilespmem:s21+$0x0] =	vst v1  }
0x130: {  	[hbm4b:s19+s3] =	stream.linear.scatter [tilespmem:s16], [sflag:$0x6], $0x500, $0x38;
	[tilespmem:$0x10BD0] =	vst v63  }
.LBB2_12:
0x131: {  	_ =	sfence.sel $0x180000  }
0x132: {  	[bflag:$0x0] =	sbarrier.arrive $0xFFFF  }
0x133: {  	p0 =	sne.s32 s0, $0x0;
	_ =	strace $0x90000047  }
0x134: {  	s0 =	sadd.s32 @!p0 $0x100000, s1;
	[bflag:$0x2] =	sbarrier.arrive $0xFFFF  }
0x135: {  	[sflag:s0] =	ssyncadd.tile.s32 @!p0 $0x1;
	_ =	shalt  }
.Lfunc_end2:
_tile_overlayer_lowered:
.L_overlay_start_2:
0x136: {  	(tag) =	ssettag $0x2  }
0x137: {  	s0 =	rddreg [dreg:$0x0];
	s2 =	stileid.u32  }
0x138: {  	s1 =	rddreg [dreg:$0x1];
	p0 =	sne.s32 s2, $0x0  }
0x139: {  	s3 =	rddreg [dreg:$0x2];
	[bflag:$0x3] =	sbarrier.arrive $0xFFFF;
	s2 =	simm.s32 @!p0 $0x1C07  }
0x13a: {  	[timem:s3], [sflag:s2] =	dma.local @!p0 [hbm:s0], s1  }
0x13b: {  	s0 =	simm.s32 @!p0 $0x7  }
0x13c: {  	_ =	swait.ge @!p0 [sflag:s0], s1  }
0x13d: {  	s1 =	ssub.s32 @!p0 $0x0, s1;
	[sflag:s0] =	ssyncset.done @!p0 $0x0  }
0x13e: {  	[sflag:s0] =	ssyncadd.s32 @!p0 s1  }
0x13f: {  	[bflag:$0x3] =	sbarrier.arrive $0xFFFF  }
0x140: {  	_ =	shalt  }

</sc_bundles>
